<compile_context>
chip_gen: v7x
topology: tpu7x:2x2x1
jax: 0.10.2.dev20260603
libtpu: 0.0.44.dev20260713+nightly
codegen_flags: <defaults>
</compile_context>

<pallas_src>
import jax
import jax.numpy as jnp
from jax import lax
from jax.experimental import pallas as pl
from jax.experimental.pallas import tpu as pltpu
from jax.experimental.pallas import tpu_sc as plsc

NC = 2
NS = 16
NT = NC * NS
K = 128
NSPLIT = 2
EPS = 1e-5


def _mesh():
  return plsc.VectorSubcoreMesh(core_axis_name="c", subcore_axis_name="s",
                                num_cores=NC, num_subcores=NS)


def _make_sc_agg(n, d, n_pad, iters):
  rpt = n_pad // NS
  assert iters % 4 == 0
  ipp = iters // 2
  scratch = [
      pltpu.VMEM((ipp, K), jnp.int32),
      pltpu.VMEM((ipp, K), jnp.int32),
      pltpu.VMEM((K, d), jnp.float32),
      pltpu.VMEM((K, d), jnp.float32),
      pltpu.VMEM_SHARED((n_pad, d), jnp.float32),
      pltpu.SemaphoreType.DMA,
      pltpu.SemaphoreType.DMA,
  ]

  def body(feat_h, src_h, dst_h, zrow_h, acc_o,
           srcv, dstv, rows_a, rows_b, accs, sem_a, sem_b):
    cid = lax.axis_index("c")
    sid = lax.axis_index("s")
    wid = cid * NS + sid
    r0 = sid * rpt
    pltpu.sync_copy(zrow_h, accs.at[pl.ds(r0, rpt)])
    plsc.subcore_barrier()

    nsteps = ipp // 2
    ksub = K // NSPLIT

    def gather(i, buf, sem):
      for u in range(NSPLIT):
        pltpu.async_copy(feat_h.at[srcv.at[i, pl.ds(u * ksub, ksub)]],
                         buf.at[pl.ds(u * ksub, ksub)], sem)

    def drain(i, buf, sem):
      for u in range(NSPLIT):
        pltpu.make_async_copy(feat_h.at[srcv.at[i, pl.ds(u * ksub, ksub)]],
                              buf.at[pl.ds(u * ksub, ksub)], sem).wait()

    for ph in range(2):
      pltpu.sync_copy(src_h.at[wid, pl.ds(ph * ipp, ipp)], srcv)
      pltpu.sync_copy(dst_h.at[wid, pl.ds(ph * ipp, ipp)], dstv)
      gather(0, rows_a, sem_a)

      def step(j, carry):
        i = 2 * j
        gather(i + 1, rows_b, sem_b)
        drain(i, rows_a, sem_a)
        pltpu.sync_copy(rows_a, accs.at[dstv.at[i]], add=True)

        @pl.when(j < nsteps - 1)
        def _():
          gather(i + 2, rows_a, sem_a)

        drain(i + 1, rows_b, sem_b)
        pltpu.sync_copy(rows_b, accs.at[dstv.at[i + 1]], add=True)
        return carry

      lax.fori_loop(0, nsteps, step, 0)
    plsc.subcore_barrier()
    pltpu.sync_copy(accs.at[pl.ds(r0, rpt)], acc_o.at[cid, pl.ds(r0, rpt)])

  return pl.kernel(
      body, out_type=jax.ShapeDtypeStruct((NC, n_pad, d), jnp.float32),
      mesh=_mesh(), scratch_types=scratch)


def _make_sc_deg(n_pad, iters, dw):
  rpt = n_pad // NS
  scratch = [
      pltpu.VMEM((iters, K), jnp.int32),
      pltpu.VMEM((K, dw), jnp.float32),
      pltpu.VMEM_SHARED((n_pad, dw), jnp.float32),
  ]

  def body(dst_h, zdeg_h, ones_h, deg_o, dstv, onesv, degs):
    cid = lax.axis_index("c")
    sid = lax.axis_index("s")
    wid = cid * NS + sid
    r0 = sid * rpt
    pltpu.sync_copy(zdeg_h, degs.at[pl.ds(r0, rpt)])
    pltpu.sync_copy(ones_h, onesv)
    pltpu.sync_copy(dst_h.at[wid], dstv)
    plsc.subcore_barrier()

    def step(i, carry):
      pltpu.sync_copy(onesv, degs.at[dstv.at[i]], add=True)
      return carry

    lax.fori_loop(0, iters, step, 0)
    plsc.subcore_barrier()
    pltpu.sync_copy(degs.at[pl.ds(r0, rpt)], deg_o.at[cid, pl.ds(r0, rpt)])

  return pl.kernel(
      body, out_type=jax.ShapeDtypeStruct((NC, n_pad, dw), jnp.float32),
      mesh=_mesh(), scratch_types=scratch)


def _tc_layer1(acc, deg, x, wlt, wrt, params, bn):
  n, d = x.shape
  grid = (n // bn,)

  def body(acc_ref, deg_ref, x_ref, wl_ref, wr_ref, p_ref, h_ref):
    p = p_ref[...]
    b, g, be, rm, rv = p[0], p[1], p[2], p[3], p[4]
    s = g * lax.rsqrt(rv + EPS)
    degs = deg_ref[0, :, 0] + deg_ref[1, :, 0]
    agg = (acc_ref[0] + acc_ref[1]) / jnp.maximum(degs, 1.0)[:, None]
    y = (jnp.dot(agg, wl_ref[...], preferred_element_type=jnp.float32)
         + jnp.dot(x_ref[...], wr_ref[...], preferred_element_type=jnp.float32))
    h_ref[...] = jnp.maximum((y + b - rm) * s + be, 0.0)

  return pl.pallas_call(
      body,
      grid=grid,
      in_specs=[
          pl.BlockSpec((NC, bn, d), lambda i: (0, i, 0)),
          pl.BlockSpec((NC, bn, d), lambda i: (0, i, 0)),
          pl.BlockSpec((bn, d), lambda i: (i, 0)),
          pl.BlockSpec((d, d), lambda i: (0, 0)),
          pl.BlockSpec((d, d), lambda i: (0, 0)),
          pl.BlockSpec((5, d), lambda i: (0, 0)),
      ],
      out_specs=pl.BlockSpec((bn, d), lambda i: (i, 0)),
      out_shape=jax.ShapeDtypeStruct((n, d), jnp.float32),
  )(acc, deg, x, wlt, wrt, params)


def _tc_layer2(acc, deg, h, wlt, wrt, params, bn):
  n, d = h.shape
  grid = (n // bn,)

  def body(acc_ref, deg_ref, h_ref, wl_ref, wr_ref, p_ref, o_ref):
    p = p_ref[...]
    b, g, be, rm, rv = p[0], p[1], p[2], p[3], p[4]
    wc_row, bc_row = p[5], p[6]
    s = g * lax.rsqrt(rv + EPS)
    degs = deg_ref[0, :, 0] + deg_ref[1, :, 0]
    agg = (acc_ref[0] + acc_ref[1]) / jnp.maximum(degs, 1.0)[:, None]
    h = h_ref[...]
    y = (jnp.dot(agg, wl_ref[...], preferred_element_type=jnp.float32)
         + jnp.dot(h, wr_ref[...], preferred_element_type=jnp.float32))
    hh = jnp.maximum((y + b - rm) * s + be + h, 0.0)
    o_ref[...] = jnp.sum(hh * wc_row, axis=1, keepdims=True) + bc_row[0]

  return pl.pallas_call(
      body,
      grid=grid,
      in_specs=[
          pl.BlockSpec((NC, bn, d), lambda i: (0, i, 0)),
          pl.BlockSpec((NC, bn, d), lambda i: (0, i, 0)),
          pl.BlockSpec((bn, d), lambda i: (i, 0)),
          pl.BlockSpec((d, d), lambda i: (0, 0)),
          pl.BlockSpec((d, d), lambda i: (0, 0)),
          pl.BlockSpec((7, d), lambda i: (0, 0)),
      ],
      out_specs=pl.BlockSpec((bn, 1), lambda i: (i, 0)),
      out_shape=jax.ShapeDtypeStruct((n, 1), jnp.float32),
  )(acc, deg, h, wlt, wrt, params)


def kernel(x, edge_index, W1l, W1r, b1, g1, be1, rm1, rv1,
           W2l, W2r, b2, g2, be2, rm2, rv2, Wc, bc):
  n, d = x.shape
  e = edge_index.shape[1]
  n_pad = ((n + 127) // 128) * 128
  iters = (e + NT * K - 1) // (NT * K)
  iters = ((iters + 3) // 4) * 4
  e_pad = iters * NT * K
  rpt = n_pad // NS

  src = edge_index[0]
  dst = edge_index[1]
  pad = e_pad - e
  if pad:
    r = jnp.arange(pad, dtype=jnp.int32)
    src = jnp.concatenate([src, r % n])
    dst = jnp.concatenate([dst, n + r % (n_pad - n)])
  src3 = src.reshape(NT, iters, K)
  dst3 = dst.reshape(NT, iters, K)

  zrow = jnp.zeros((rpt, d), jnp.float32)
  ones = jnp.ones((K, d), jnp.float32)

  sc_agg = _make_sc_agg(n, d, n_pad, iters)
  sc_deg = _make_sc_deg(n_pad, iters, d)

  deg = sc_deg(dst3, zrow, ones)
  acc1 = sc_agg(x, src3, dst3, zrow)
  p1 = jnp.stack([b1, g1, be1, rm1, rv1])
  h = _tc_layer1(acc1, deg, x, W1l.T, W1r.T, p1, bn=1000)

  acc2 = sc_agg(h, src3, dst3, zrow)
  bc_row = jnp.full((d,), bc[0], jnp.float32)
  p2 = jnp.stack([b2, g2, be2, rm2, rv2, Wc[0], bc_row])
  out2d = _tc_layer2(acc2, deg, h, W2l.T, W2r.T, p2, bn=1000)
  return out2d[:, 0]

# --- scband reference (transcript-rebuilt; emitter-appended) ---
"""Pipeline reference for scband-query-aware-graph-sage-35003983462930 (READ-ONLY COPY).

The authoritative reference and input builder live on the scoring server;
editing this copy changes nothing except your own understanding.
"""

import jax, jax.numpy as jnp
import numpy as np

N = 10000
E = 320000
D = 128
H = 128


def _sage_conv(x, src, dst, Wl, Wr, b, n):
    # PyG SAGEConv (mean aggr): out = lin_l(mean_{j in N(i)} x_j) + lin_r(x_i)
    msgs = jnp.take(x, src, axis=0)
    agg = jax.ops.segment_sum(msgs, dst, num_segments=n)
    deg = jax.ops.segment_sum(jnp.ones((src.shape[0],), dtype=x.dtype), dst, num_segments=n)
    agg = agg / jnp.maximum(deg, 1.0)[:, None]
    return agg @ Wl.T + b + x @ Wr.T


def _bn_eval(x, gamma, beta, mean, var, eps=1e-5):
    return (x - mean) / jnp.sqrt(var + eps) * gamma + beta


def setup_inputs(seed: int = 0):
    key = jax.random.key(seed)
    ks = jax.random.split(key, 8)
    x = jax.random.normal(ks[0], (N, D), dtype=jnp.float32)
    edge_index = jax.random.randint(ks[1], (2, E), 0, N, dtype=jnp.int32)
    s = 1.0 / np.sqrt(D)
    sh = 1.0 / np.sqrt(H)
    return {
        'x': x,
        'edge_index': edge_index,
        'W1l': jax.random.normal(ks[2], (H, D), dtype=jnp.float32) * s,
        'W1r': jax.random.normal(ks[3], (H, D), dtype=jnp.float32) * s,
        'b1': jnp.zeros((H,), jnp.float32),
        'g1': jnp.ones((H,), jnp.float32),
        'be1': jnp.zeros((H,), jnp.float32),
        'rm1': jnp.zeros((H,), jnp.float32),
        'rv1': jnp.ones((H,), jnp.float32),
        'W2l': jax.random.normal(ks[4], (H, H), dtype=jnp.float32) * sh,
        'W2r': jax.random.normal(ks[5], (H, H), dtype=jnp.float32) * sh,
        'b2': jnp.zeros((H,), jnp.float32),
        'g2': jnp.ones((H,), jnp.float32),
        'be2': jnp.zeros((H,), jnp.float32),
        'rm2': jnp.zeros((H,), jnp.float32),
        'rv2': jnp.ones((H,), jnp.float32),
        'Wc': jax.random.normal(ks[6], (1, H), dtype=jnp.float32) * sh,
        'bc': jnp.zeros((1,), jnp.float32),
    }


def reference(x, edge_index, W1l, W1r, b1, g1, be1, rm1, rv1, W2l, W2r, b2, g2, be2, rm2, rv2, Wc, bc):
    n = x.shape[0]
    src = edge_index[0]
    dst = edge_index[1]
    h = _sage_conv(x, src, dst, W1l, W1r, b1, n)
    h = _bn_eval(h, g1, be1, rm1, rv1)
    h = jax.nn.relu(h)
    # eval-mode dropout = identity
    res = h
    h2 = _sage_conv(h, src, dst, W2l, W2r, b2, n)
    h2 = _bn_eval(h2, g2, be2, rm2, rv2)
    h = jax.nn.relu(h2 + res)
    out = h @ Wc.T + bc
    return out.squeeze(-1)

if __name__ == "__main__":
    import jax
    _d = setup_inputs()
    print(jax.jit(kernel)(*tuple(_d.values())))

</pallas_src>

<mosaic_0001>
#map = affine_map<(d0, d1) -> (0, 0)>
#map1 = affine_map<(d0, d1) -> (0, 0, 0)>
module attributes {stable_mosaic.version = 14 : i64} {
  func.func @body(%arg0: i32, %arg1: i32, %arg2: memref<10000x128xf32, #tpu.memory_space<hbm>>, %arg3: memref<32x80x128xi32, #tpu.memory_space<hbm>>, %arg4: memref<32x80x128xi32, #tpu.memory_space<hbm>>, %arg5: memref<632x128xf32, #tpu.memory_space<hbm>>, %arg6: memref<2x10112x128xf32, #tpu.memory_space<hbm>>, %arg7: memref<40x128xi32, #tpu.memory_space<vmem>>, %arg8: memref<40x128xi32, #tpu.memory_space<vmem>>, %arg9: memref<128x128xf32, #tpu.memory_space<vmem>>, %arg10: memref<128x128xf32, #tpu.memory_space<vmem>>, %arg11: memref<10112x128xf32, #tpu.memory_space<vmem_shared>>, %arg12: memref<!tpu.dma_semaphore, #tpu.memory_space<semaphore_mem>>, %arg13: memref<!tpu.dma_semaphore, #tpu.memory_space<semaphore_mem>>) attributes {dimension_semantics = [#tpu.dimension_semantics<core_parallel>, #tpu.dimension_semantics<subcore_parallel>], iteration_bounds = array<i64: 2, 16>, scalar_prefetch = 0 : i64, scratch_operands = 7 : i64, tpu.core_type = #tpu.core_type<sc_vector_subcore>, window_params = [{transform_indices = #map}, {transform_indices = #map1}, {transform_indices = #map1}, {transform_indices = #map}, {transform_indices = #map1}]} {
    %mul3A = arith.constant 16 : i32
    %mul3A_0 = arith.muli %arg0, %mul3A : i32
    %add3A = arith.addi %mul3A_0, %arg1 : i32
    %mul3A_1 = arith.constant 632 : i32
    %mul3A_2 = arith.muli %arg1, %mul3A_1 : i32
    "tpu.region"() ({
      %run_scoped3A = tpu.sem_alloc : memref<!tpu.dma_semaphore, #tpu.memory_space<semaphore_mem>>
      %dma_start3A_54 = arith.constant 0 : i32
      %dma_start3A_55 = tpu.memref_slice %arg11[%mul3A_2, %dma_start3A_54] : memref<10112x128xf32, #tpu.memory_space<vmem_shared>> -> memref<632x128xf32, #tpu.memory_space<vmem_shared>>
      tpu.enqueue_dma source(%arg5 : memref<632x128xf32, #tpu.memory_space<hbm>>) target(%dma_start3A_55 : memref<632x128xf32, #tpu.memory_space<vmem_shared>>) target_semaphore(%run_scoped3A : memref<!tpu.dma_semaphore, #tpu.memory_space<semaphore_mem>>)
      %dma_wait3A = arith.constant 0 : i32
      %dma_wait3A_56 = tpu.memref_slice %arg11[%mul3A_2, %dma_wait3A] : memref<10112x128xf32, #tpu.memory_space<vmem_shared>> -> memref<632x128xf32, #tpu.memory_space<vmem_shared>>
      tpu.wait_dma2 semaphore(%run_scoped3A : memref<!tpu.dma_semaphore, #tpu.memory_space<semaphore_mem>>) src(%arg5 : memref<632x128xf32, #tpu.memory_space<hbm>>) dst(%dma_wait3A_56 : memref<632x128xf32, #tpu.memory_space<vmem_shared>>)
      tpu.yield
    }) : () -> ()
    %barrier3A = arith.constant 0 : index
    tpu.barrier barrier_id(%barrier3A)
    "tpu.region"() ({
      %run_scoped3A = tpu.sem_alloc : memref<!tpu.dma_semaphore, #tpu.memory_space<semaphore_mem>>
      %dma_start3A_54 = arith.constant 0 : i32
      %dma_start3A_55 = arith.constant 0 : i32
      %dma_start3A_56 = tpu.memref_slice %arg3[%add3A, %dma_start3A_54, %dma_start3A_55] : memref<32x80x128xi32, #tpu.memory_space<hbm>> -> memref<1x40x128xi32, #tpu.memory_space<hbm>>
      %dma_start3A_57 = tpu.memref_squeeze %dma_start3A_56 : memref<1x40x128xi32, #tpu.memory_space<hbm>> -> memref<40x128xi32, #tpu.memory_space<hbm>>
      %dma_start3A_58 = arith.constant 0 : i32
      %dma_start3A_59 = arith.constant 0 : i32
      %dma_start3A_60 = tpu.memref_slice %arg3[%add3A, %dma_start3A_58, %dma_start3A_59] : memref<32x80x128xi32, #tpu.memory_space<hbm>> -> memref<1x40x128xi32, #tpu.memory_space<hbm>>
      %dma_start3A_61 = tpu.memref_squeeze %dma_start3A_60 : memref<1x40x128xi32, #tpu.memory_space<hbm>> -> memref<40x128xi32, #tpu.memory_space<hbm>>
      tpu.enqueue_dma source(%dma_start3A_61 : memref<40x128xi32, #tpu.memory_space<hbm>>) target(%arg7 : memref<40x128xi32, #tpu.memory_space<vmem>>) target_semaphore(%run_scoped3A : memref<!tpu.dma_semaphore, #tpu.memory_space<semaphore_mem>>)
      %dma_wait3A = arith.constant 0 : i32
      %dma_wait3A_62 = arith.constant 0 : i32
      %dma_wait3A_63 = tpu.memref_slice %arg3[%add3A, %dma_wait3A, %dma_wait3A_62] : memref<32x80x128xi32, #tpu.memory_space<hbm>> -> memref<1x40x128xi32, #tpu.memory_space<hbm>>
      %dma_wait3A_64 = tpu.memref_squeeze %dma_wait3A_63 : memref<1x40x128xi32, #tpu.memory_space<hbm>> -> memref<40x128xi32, #tpu.memory_space<hbm>>
      %dma_wait3A_65 = arith.constant 0 : i32
      %dma_wait3A_66 = arith.constant 0 : i32
      %dma_wait3A_67 = tpu.memref_slice %arg3[%add3A, %dma_wait3A_65, %dma_wait3A_66] : memref<32x80x128xi32, #tpu.memory_space<hbm>> -> memref<1x40x128xi32, #tpu.memory_space<hbm>>
      %dma_wait3A_68 = tpu.memref_squeeze %dma_wait3A_67 : memref<1x40x128xi32, #tpu.memory_space<hbm>> -> memref<40x128xi32, #tpu.memory_space<hbm>>
      tpu.wait_dma2 semaphore(%run_scoped3A : memref<!tpu.dma_semaphore, #tpu.memory_space<semaphore_mem>>) src(%dma_wait3A_68 : memref<40x128xi32, #tpu.memory_space<hbm>>) dst(%arg7 : memref<40x128xi32, #tpu.memory_space<vmem>>)
      tpu.yield
    }) : () -> ()
    "tpu.region"() ({
      %run_scoped3A = tpu.sem_alloc : memref<!tpu.dma_semaphore, #tpu.memory_space<semaphore_mem>>
      %dma_start3A_54 = arith.constant 0 : i32
      %dma_start3A_55 = arith.constant 0 : i32
      %dma_start3A_56 = tpu.memref_slice %arg4[%add3A, %dma_start3A_54, %dma_start3A_55] : memref<32x80x128xi32, #tpu.memory_space<hbm>> -> memref<1x40x128xi32, #tpu.memory_space<hbm>>
      %dma_start3A_57 = tpu.memref_squeeze %dma_start3A_56 : memref<1x40x128xi32, #tpu.memory_space<hbm>> -> memref<40x128xi32, #tpu.memory_space<hbm>>
      %dma_start3A_58 = arith.constant 0 : i32
      %dma_start3A_59 = arith.constant 0 : i32
      %dma_start3A_60 = tpu.memref_slice %arg4[%add3A, %dma_start3A_58, %dma_start3A_59] : memref<32x80x128xi32, #tpu.memory_space<hbm>> -> memref<1x40x128xi32, #tpu.memory_space<hbm>>
      %dma_start3A_61 = tpu.memref_squeeze %dma_start3A_60 : memref<1x40x128xi32, #tpu.memory_space<hbm>> -> memref<40x128xi32, #tpu.memory_space<hbm>>
      tpu.enqueue_dma source(%dma_start3A_61 : memref<40x128xi32, #tpu.memory_space<hbm>>) target(%arg8 : memref<40x128xi32, #tpu.memory_space<vmem>>) target_semaphore(%run_scoped3A : memref<!tpu.dma_semaphore, #tpu.memory_space<semaphore_mem>>)
      %dma_wait3A = arith.constant 0 : i32
      %dma_wait3A_62 = arith.constant 0 : i32
      %dma_wait3A_63 = tpu.memref_slice %arg4[%add3A, %dma_wait3A, %dma_wait3A_62] : memref<32x80x128xi32, #tpu.memory_space<hbm>> -> memref<1x40x128xi32, #tpu.memory_space<hbm>>
      %dma_wait3A_64 = tpu.memref_squeeze %dma_wait3A_63 : memref<1x40x128xi32, #tpu.memory_space<hbm>> -> memref<40x128xi32, #tpu.memory_space<hbm>>
      %dma_wait3A_65 = arith.constant 0 : i32
      %dma_wait3A_66 = arith.constant 0 : i32
      %dma_wait3A_67 = tpu.memref_slice %arg4[%add3A, %dma_wait3A_65, %dma_wait3A_66] : memref<32x80x128xi32, #tpu.memory_space<hbm>> -> memref<1x40x128xi32, #tpu.memory_space<hbm>>
      %dma_wait3A_68 = tpu.memref_squeeze %dma_wait3A_67 : memref<1x40x128xi32, #tpu.memory_space<hbm>> -> memref<40x128xi32, #tpu.memory_space<hbm>>
      tpu.wait_dma2 semaphore(%run_scoped3A : memref<!tpu.dma_semaphore, #tpu.memory_space<semaphore_mem>>) src(%dma_wait3A_68 : memref<40x128xi32, #tpu.memory_space<hbm>>) dst(%arg8 : memref<40x128xi32, #tpu.memory_space<vmem>>)
      tpu.yield
    }) : () -> ()
    %dma_start3A = arith.constant 0 : i32
    %dma_start3A_3 = arith.constant 0 : i32
    %dma_start3A_4 = arith.constant 0 : i32
    %dma_start3A_5 = tpu.memref_slice %arg9[%dma_start3A_3, %dma_start3A_4] : memref<128x128xf32, #tpu.memory_space<vmem>> -> memref<64x128xf32, #tpu.memory_space<vmem>>
    %dma_start3A_6 = arith.constant 0 : i32
    %dma_start3A_7 = tpu.memref_slice %arg7[%dma_start3A, %dma_start3A_6] : memref<40x128xi32, #tpu.memory_space<vmem>> -> memref<1x64xi32, #tpu.memory_space<vmem>>
    %dma_start3A_8 = tpu.memref_squeeze %dma_start3A_7 : memref<1x64xi32, #tpu.memory_space<vmem>> -> memref<64xi32, #tpu.memory_space<vmem>>
    %dma_start3A_9 = arith.constant 0 : i32
    %dma_start3A_10 = arith.constant 0 : i32
    %dma_start3A_11 = tpu.memref_slice %arg2[%dma_start3A_9, %dma_start3A_10] : memref<10000x128xf32, #tpu.memory_space<hbm>> -> memref<10000x128xf32, #tpu.memory_space<hbm>>
    tpu.enqueue_indirect_dma source(%dma_start3A_11 : memref<10000x128xf32, #tpu.memory_space<hbm>>) target(%dma_start3A_5 : memref<64x128xf32, #tpu.memory_space<vmem>>) offsets(%dma_start3A_8 : memref<64xi32, #tpu.memory_space<vmem>>) semaphore(%arg12 : memref<!tpu.dma_semaphore, #tpu.memory_space<semaphore_mem>>)
    %dma_start3A_12 = arith.constant 0 : i32
    %dma_start3A_13 = arith.constant 64 : i32
    %dma_start3A_14 = arith.constant 0 : i32
    %dma_start3A_15 = tpu.memref_slice %arg9[%dma_start3A_13, %dma_start3A_14] : memref<128x128xf32, #tpu.memory_space<vmem>> -> memref<64x128xf32, #tpu.memory_space<vmem>>
    %dma_start3A_16 = arith.constant 64 : i32
    %dma_start3A_17 = tpu.memref_slice %arg7[%dma_start3A_12, %dma_start3A_16] : memref<40x128xi32, #tpu.memory_space<vmem>> -> memref<1x64xi32, #tpu.memory_space<vmem>>
    %dma_start3A_18 = tpu.memref_squeeze %dma_start3A_17 : memref<1x64xi32, #tpu.memory_space<vmem>> -> memref<64xi32, #tpu.memory_space<vmem>>
    %dma_start3A_19 = arith.constant 0 : i32
    %dma_start3A_20 = arith.constant 0 : i32
    %dma_start3A_21 = tpu.memref_slice %arg2[%dma_start3A_19, %dma_start3A_20] : memref<10000x128xf32, #tpu.memory_space<hbm>> -> memref<10000x128xf32, #tpu.memory_space<hbm>>
    tpu.enqueue_indirect_dma source(%dma_start3A_21 : memref<10000x128xf32, #tpu.memory_space<hbm>>) target(%dma_start3A_15 : memref<64x128xf32, #tpu.memory_space<vmem>>) offsets(%dma_start3A_18 : memref<64xi32, #tpu.memory_space<vmem>>) semaphore(%arg12 : memref<!tpu.dma_semaphore, #tpu.memory_space<semaphore_mem>>)
    %scan3A = arith.constant 0 : i32
    %scan3A_22 = arith.constant 0 : i32
    %scan3A_23 = arith.constant 20 : i32
    %scan3A_24 = arith.addi %scan3A_22, %scan3A_23 : i32
    %scan3A_25 = arith.constant 1 : i32
    scf.for %scan3A_54 = %scan3A_22 to %scan3A_24 step %scan3A_25  : i32 {
      %mul3A_55 = arith.constant 2 : i32
      %mul3A_56 = arith.muli %mul3A_55, %scan3A_54 : i32
      %add3A_57 = arith.constant 1 : i32
      %add3A_58 = arith.addi %mul3A_56, %add3A_57 : i32
      %dma_start3A_59 = arith.constant 0 : i32
      %dma_start3A_60 = arith.constant 0 : i32
      %dma_start3A_61 = tpu.memref_slice %arg10[%dma_start3A_59, %dma_start3A_60] : memref<128x128xf32, #tpu.memory_space<vmem>> -> memref<64x128xf32, #tpu.memory_space<vmem>>
      %dma_start3A_62 = arith.constant 0 : i32
      %dma_start3A_63 = tpu.memref_slice %arg7[%add3A_58, %dma_start3A_62] : memref<40x128xi32, #tpu.memory_space<vmem>> -> memref<1x64xi32, #tpu.memory_space<vmem>>
      %dma_start3A_64 = tpu.memref_squeeze %dma_start3A_63 : memref<1x64xi32, #tpu.memory_space<vmem>> -> memref<64xi32, #tpu.memory_space<vmem>>
      %dma_start3A_65 = arith.constant 0 : i32
      %dma_start3A_66 = arith.constant 0 : i32
      %dma_start3A_67 = tpu.memref_slice %arg2[%dma_start3A_65, %dma_start3A_66] : memref<10000x128xf32, #tpu.memory_space<hbm>> -> memref<10000x128xf32, #tpu.memory_space<hbm>>
      tpu.enqueue_indirect_dma source(%dma_start3A_67 : memref<10000x128xf32, #tpu.memory_space<hbm>>) target(%dma_start3A_61 : memref<64x128xf32, #tpu.memory_space<vmem>>) offsets(%dma_start3A_64 : memref<64xi32, #tpu.memory_space<vmem>>) semaphore(%arg13 : memref<!tpu.dma_semaphore, #tpu.memory_space<semaphore_mem>>)
      %dma_start3A_68 = arith.constant 64 : i32
      %dma_start3A_69 = arith.constant 0 : i32
      %dma_start3A_70 = tpu.memref_slice %arg10[%dma_start3A_68, %dma_start3A_69] : memref<128x128xf32, #tpu.memory_space<vmem>> -> memref<64x128xf32, #tpu.memory_space<vmem>>
      %dma_start3A_71 = arith.constant 64 : i32
      %dma_start3A_72 = tpu.memref_slice %arg7[%add3A_58, %dma_start3A_71] : memref<40x128xi32, #tpu.memory_space<vmem>> -> memref<1x64xi32, #tpu.memory_space<vmem>>
      %dma_start3A_73 = tpu.memref_squeeze %dma_start3A_72 : memref<1x64xi32, #tpu.memory_space<vmem>> -> memref<64xi32, #tpu.memory_space<vmem>>
      %dma_start3A_74 = arith.constant 0 : i32
      %dma_start3A_75 = arith.constant 0 : i32
      %dma_start3A_76 = tpu.memref_slice %arg2[%dma_start3A_74, %dma_start3A_75] : memref<10000x128xf32, #tpu.memory_space<hbm>> -> memref<10000x128xf32, #tpu.memory_space<hbm>>
      tpu.enqueue_indirect_dma source(%dma_start3A_76 : memref<10000x128xf32, #tpu.memory_space<hbm>>) target(%dma_start3A_70 : memref<64x128xf32, #tpu.memory_space<vmem>>) offsets(%dma_start3A_73 : memref<64xi32, #tpu.memory_space<vmem>>) semaphore(%arg13 : memref<!tpu.dma_semaphore, #tpu.memory_space<semaphore_mem>>)
      %dma_wait3A = arith.constant 0 : i32
      %dma_wait3A_77 = arith.constant 0 : i32
      %dma_wait3A_78 = tpu.memref_slice %arg9[%dma_wait3A, %dma_wait3A_77] : memref<128x128xf32, #tpu.memory_space<vmem>> -> memref<64x128xf32, #tpu.memory_space<vmem>>
      %dma_wait3A_79 = arith.constant 0 : i32
      %dma_wait3A_80 = tpu.memref_slice %arg7[%mul3A_56, %dma_wait3A_79] : memref<40x128xi32, #tpu.memory_space<vmem>> -> memref<1x64xi32, #tpu.memory_space<vmem>>
      %dma_wait3A_81 = tpu.memref_squeeze %dma_wait3A_80 : memref<1x64xi32, #tpu.memory_space<vmem>> -> memref<64xi32, #tpu.memory_space<vmem>>
      %dma_wait3A_82 = arith.constant 0 : i32
      %dma_wait3A_83 = arith.constant 0 : i32
      %dma_wait3A_84 = tpu.memref_slice %arg2[%dma_wait3A_82, %dma_wait3A_83] : memref<10000x128xf32, #tpu.memory_space<hbm>> -> memref<10000x128xf32, #tpu.memory_space<hbm>>
      tpu.wait_indirect_dma semaphore(%arg12 : memref<!tpu.dma_semaphore, #tpu.memory_space<semaphore_mem>>) src(%dma_wait3A_84 : memref<10000x128xf32, #tpu.memory_space<hbm>>) dst(%dma_wait3A_78 : memref<64x128xf32, #tpu.memory_space<vmem>>)
      %dma_wait3A_85 = arith.constant 64 : i32
      %dma_wait3A_86 = arith.constant 0 : i32
      %dma_wait3A_87 = tpu.memref_slice %arg9[%dma_wait3A_85, %dma_wait3A_86] : memref<128x128xf32, #tpu.memory_space<vmem>> -> memref<64x128xf32, #tpu.memory_space<vmem>>
      %dma_wait3A_88 = arith.constant 64 : i32
      %dma_wait3A_89 = tpu.memref_slice %arg7[%mul3A_56, %dma_wait3A_88] : memref<40x128xi32, #tpu.memory_space<vmem>> -> memref<1x64xi32, #tpu.memory_space<vmem>>
      %dma_wait3A_90 = tpu.memref_squeeze %dma_wait3A_89 : memref<1x64xi32, #tpu.memory_space<vmem>> -> memref<64xi32, #tpu.memory_space<vmem>>
      %dma_wait3A_91 = arith.constant 0 : i32
      %dma_wait3A_92 = arith.constant 0 : i32
      %dma_wait3A_93 = tpu.memref_slice %arg2[%dma_wait3A_91, %dma_wait3A_92] : memref<10000x128xf32, #tpu.memory_space<hbm>> -> memref<10000x128xf32, #tpu.memory_space<hbm>>
      tpu.wait_indirect_dma semaphore(%arg12 : memref<!tpu.dma_semaphore, #tpu.memory_space<semaphore_mem>>) src(%dma_wait3A_93 : memref<10000x128xf32, #tpu.memory_space<hbm>>) dst(%dma_wait3A_87 : memref<64x128xf32, #tpu.memory_space<vmem>>)
      "tpu.region"() ({
        %run_scoped3A = tpu.sem_alloc : memref<!tpu.dma_semaphore, #tpu.memory_space<semaphore_mem>>
        %dma_start3A_118 = arith.constant 0 : i32
        %dma_start3A_119 = tpu.memref_slice %arg8[%mul3A_56, %dma_start3A_118] : memref<40x128xi32, #tpu.memory_space<vmem>> -> memref<1x128xi32, #tpu.memory_space<vmem>>
        %dma_start3A_120 = tpu.memref_squeeze %dma_start3A_119 : memref<1x128xi32, #tpu.memory_space<vmem>> -> memref<128xi32, #tpu.memory_space<vmem>>
        %dma_start3A_121 = arith.constant 0 : i32
        %dma_start3A_122 = arith.constant 0 : i32
        %dma_start3A_123 = tpu.memref_slice %arg11[%dma_start3A_121, %dma_start3A_122] : memref<10112x128xf32, #tpu.memory_space<vmem_shared>> -> memref<10112x128xf32, #tpu.memory_space<vmem_shared>>
        tpu.enqueue_indirect_dma source(%arg9 : memref<128x128xf32, #tpu.memory_space<vmem>>) target(%dma_start3A_123 : memref<10112x128xf32, #tpu.memory_space<vmem_shared>>) offsets(%dma_start3A_120 : memref<128xi32, #tpu.memory_space<vmem>>) semaphore(%run_scoped3A : memref<!tpu.dma_semaphore, #tpu.memory_space<semaphore_mem>>) {add = true}
        %dma_wait3A_124 = arith.constant 0 : i32
        %dma_wait3A_125 = tpu.memref_slice %arg8[%mul3A_56, %dma_wait3A_124] : memref<40x128xi32, #tpu.memory_space<vmem>> -> memref<1x128xi32, #tpu.memory_space<vmem>>
        %dma_wait3A_126 = tpu.memref_squeeze %dma_wait3A_125 : memref<1x128xi32, #tpu.memory_space<vmem>> -> memref<128xi32, #tpu.memory_space<vmem>>
        %dma_wait3A_127 = arith.constant 0 : i32
        %dma_wait3A_128 = arith.constant 0 : i32
        %dma_wait3A_129 = tpu.memref_slice %arg11[%dma_wait3A_127, %dma_wait3A_128] : memref<10112x128xf32, #tpu.memory_space<vmem_shared>> -> memref<10112x128xf32, #tpu.memory_space<vmem_shared>>
        tpu.wait_indirect_dma semaphore(%run_scoped3A : memref<!tpu.dma_semaphore, #tpu.memory_space<semaphore_mem>>) src(%arg9 : memref<128x128xf32, #tpu.memory_space<vmem>>) dst(%dma_wait3A_129 : memref<10112x128xf32, #tpu.memory_space<vmem_shared>>)
        tpu.yield
      }) : () -> ()
      %lt3A = arith.constant 19 : i32
      %lt3A_94 = arith.cmpi slt, %scan3A_54, %lt3A : i32
      %convert_element_type3A = arith.extui %lt3A_94 : i1 to i32
      %cond3A = arith.constant 0 : i32
      %cond3A_95 = arith.cmpi ne, %convert_element_type3A, %cond3A : i32
      scf.if %cond3A_95 {
        %add3A_118 = arith.constant 2 : i32
        %add3A_119 = arith.addi %mul3A_56, %add3A_118 : i32
        %dma_start3A_120 = arith.constant 0 : i32
        %dma_start3A_121 = arith.constant 0 : i32
        %dma_start3A_122 = tpu.memref_slice %arg9[%dma_start3A_120, %dma_start3A_121] : memref<128x128xf32, #tpu.memory_space<vmem>> -> memref<64x128xf32, #tpu.memory_space<vmem>>
        %dma_start3A_123 = arith.constant 0 : i32
        %dma_start3A_124 = tpu.memref_slice %arg7[%add3A_119, %dma_start3A_123] : memref<40x128xi32, #tpu.memory_space<vmem>> -> memref<1x64xi32, #tpu.memory_space<vmem>>
        %dma_start3A_125 = tpu.memref_squeeze %dma_start3A_124 : memref<1x64xi32, #tpu.memory_space<vmem>> -> memref<64xi32, #tpu.memory_space<vmem>>
        %dma_start3A_126 = arith.constant 0 : i32
        %dma_start3A_127 = arith.constant 0 : i32
        %dma_start3A_128 = tpu.memref_slice %arg2[%dma_start3A_126, %dma_start3A_127] : memref<10000x128xf32, #tpu.memory_space<hbm>> -> memref<10000x128xf32, #tpu.memory_space<hbm>>
        tpu.enqueue_indirect_dma source(%dma_start3A_128 : memref<10000x128xf32, #tpu.memory_space<hbm>>) target(%dma_start3A_122 : memref<64x128xf32, #tpu.memory_space<vmem>>) offsets(%dma_start3A_125 : memref<64xi32, #tpu.memory_space<vmem>>) semaphore(%arg12 : memref<!tpu.dma_semaphore, #tpu.memory_space<semaphore_mem>>)
        %dma_start3A_129 = arith.constant 64 : i32
        %dma_start3A_130 = arith.constant 0 : i32
        %dma_start3A_131 = tpu.memref_slice %arg9[%dma_start3A_129, %dma_start3A_130] : memref<128x128xf32, #tpu.memory_space<vmem>> -> memref<64x128xf32, #tpu.memory_space<vmem>>
        %dma_start3A_132 = arith.constant 64 : i32
        %dma_start3A_133 = tpu.memref_slice %arg7[%add3A_119, %dma_start3A_132] : memref<40x128xi32, #tpu.memory_space<vmem>> -> memref<1x64xi32, #tpu.memory_space<vmem>>
        %dma_start3A_134 = tpu.memref_squeeze %dma_start3A_133 : memref<1x64xi32, #tpu.memory_space<vmem>> -> memref<64xi32, #tpu.memory_space<vmem>>
        %dma_start3A_135 = arith.constant 0 : i32
        %dma_start3A_136 = arith.constant 0 : i32
        %dma_start3A_137 = tpu.memref_slice %arg2[%dma_start3A_135, %dma_start3A_136] : memref<10000x128xf32, #tpu.memory_space<hbm>> -> memref<10000x128xf32, #tpu.memory_space<hbm>>
        tpu.enqueue_indirect_dma source(%dma_start3A_137 : memref<10000x128xf32, #tpu.memory_space<hbm>>) target(%dma_start3A_131 : memref<64x128xf32, #tpu.memory_space<vmem>>) offsets(%dma_start3A_134 : memref<64xi32, #tpu.memory_space<vmem>>) semaphore(%arg12 : memref<!tpu.dma_semaphore, #tpu.memory_space<semaphore_mem>>)
      } else {
      }
      %add3A_96 = arith.constant 1 : i32
      %add3A_97 = arith.addi %mul3A_56, %add3A_96 : i32
      %dma_wait3A_98 = arith.constant 0 : i32
      %dma_wait3A_99 = arith.constant 0 : i32
      %dma_wait3A_100 = tpu.memref_slice %arg10[%dma_wait3A_98, %dma_wait3A_99] : memref<128x128xf32, #tpu.memory_space<vmem>> -> memref<64x128xf32, #tpu.memory_space<vmem>>
      %dma_wait3A_101 = arith.constant 0 : i32
      %dma_wait3A_102 = tpu.memref_slice %arg7[%add3A_97, %dma_wait3A_101] : memref<40x128xi32, #tpu.memory_space<vmem>> -> memref<1x64xi32, #tpu.memory_space<vmem>>
      %dma_wait3A_103 = tpu.memref_squeeze %dma_wait3A_102 : memref<1x64xi32, #tpu.memory_space<vmem>> -> memref<64xi32, #tpu.memory_space<vmem>>
      %dma_wait3A_104 = arith.constant 0 : i32
      %dma_wait3A_105 = arith.constant 0 : i32
      %dma_wait3A_106 = tpu.memref_slice %arg2[%dma_wait3A_104, %dma_wait3A_105] : memref<10000x128xf32, #tpu.memory_space<hbm>> -> memref<10000x128xf32, #tpu.memory_space<hbm>>
      tpu.wait_indirect_dma semaphore(%arg13 : memref<!tpu.dma_semaphore, #tpu.memory_space<semaphore_mem>>) src(%dma_wait3A_106 : memref<10000x128xf32, #tpu.memory_space<hbm>>) dst(%dma_wait3A_100 : memref<64x128xf32, #tpu.memory_space<vmem>>)
      %dma_wait3A_107 = arith.constant 64 : i32
      %dma_wait3A_108 = arith.constant 0 : i32
      %dma_wait3A_109 = tpu.memref_slice %arg10[%dma_wait3A_107, %dma_wait3A_108] : memref<128x128xf32, #tpu.memory_space<vmem>> -> memref<64x128xf32, #tpu.memory_space<vmem>>
      %dma_wait3A_110 = arith.constant 64 : i32
      %dma_wait3A_111 = tpu.memref_slice %arg7[%add3A_97, %dma_wait3A_110] : memref<40x128xi32, #tpu.memory_space<vmem>> -> memref<1x64xi32, #tpu.memory_space<vmem>>
      %dma_wait3A_112 = tpu.memref_squeeze %dma_wait3A_111 : memref<1x64xi32, #tpu.memory_space<vmem>> -> memref<64xi32, #tpu.memory_space<vmem>>
      %dma_wait3A_113 = arith.constant 0 : i32
      %dma_wait3A_114 = arith.constant 0 : i32
      %dma_wait3A_115 = tpu.memref_slice %arg2[%dma_wait3A_113, %dma_wait3A_114] : memref<10000x128xf32, #tpu.memory_space<hbm>> -> memref<10000x128xf32, #tpu.memory_space<hbm>>
      tpu.wait_indirect_dma semaphore(%arg13 : memref<!tpu.dma_semaphore, #tpu.memory_space<semaphore_mem>>) src(%dma_wait3A_115 : memref<10000x128xf32, #tpu.memory_space<hbm>>) dst(%dma_wait3A_109 : memref<64x128xf32, #tpu.memory_space<vmem>>)
      %add3A_116 = arith.constant 1 : i32
      %add3A_117 = arith.addi %mul3A_56, %add3A_116 : i32
      "tpu.region"() ({
        %run_scoped3A = tpu.sem_alloc : memref<!tpu.dma_semaphore, #tpu.memory_space<semaphore_mem>>
        %dma_start3A_118 = arith.constant 0 : i32
        %dma_start3A_119 = tpu.memref_slice %arg8[%add3A_117, %dma_start3A_118] : memref<40x128xi32, #tpu.memory_space<vmem>> -> memref<1x128xi32, #tpu.memory_space<vmem>>
        %dma_start3A_120 = tpu.memref_squeeze %dma_start3A_119 : memref<1x128xi32, #tpu.memory_space<vmem>> -> memref<128xi32, #tpu.memory_space<vmem>>
        %dma_start3A_121 = arith.constant 0 : i32
        %dma_start3A_122 = arith.constant 0 : i32
        %dma_start3A_123 = tpu.memref_slice %arg11[%dma_start3A_121, %dma_start3A_122] : memref<10112x128xf32, #tpu.memory_space<vmem_shared>> -> memref<10112x128xf32, #tpu.memory_space<vmem_shared>>
        tpu.enqueue_indirect_dma source(%arg10 : memref<128x128xf32, #tpu.memory_space<vmem>>) target(%dma_start3A_123 : memref<10112x128xf32, #tpu.memory_space<vmem_shared>>) offsets(%dma_start3A_120 : memref<128xi32, #tpu.memory_space<vmem>>) semaphore(%run_scoped3A : memref<!tpu.dma_semaphore, #tpu.memory_space<semaphore_mem>>) {add = true}
        %dma_wait3A_124 = arith.constant 0 : i32
        %dma_wait3A_125 = tpu.memref_slice %arg8[%add3A_117, %dma_wait3A_124] : memref<40x128xi32, #tpu.memory_space<vmem>> -> memref<1x128xi32, #tpu.memory_space<vmem>>
        %dma_wait3A_126 = tpu.memref_squeeze %dma_wait3A_125 : memref<1x128xi32, #tpu.memory_space<vmem>> -> memref<128xi32, #tpu.memory_space<vmem>>
        %dma_wait3A_127 = arith.constant 0 : i32
        %dma_wait3A_128 = arith.constant 0 : i32
        %dma_wait3A_129 = tpu.memref_slice %arg11[%dma_wait3A_127, %dma_wait3A_128] : memref<10112x128xf32, #tpu.memory_space<vmem_shared>> -> memref<10112x128xf32, #tpu.memory_space<vmem_shared>>
        tpu.wait_indirect_dma semaphore(%run_scoped3A : memref<!tpu.dma_semaphore, #tpu.memory_space<semaphore_mem>>) src(%arg10 : memref<128x128xf32, #tpu.memory_space<vmem>>) dst(%dma_wait3A_129 : memref<10112x128xf32, #tpu.memory_space<vmem_shared>>)
        tpu.yield
      }) : () -> ()
    }
    %scan3A_26 = arith.constant 20 : i32
    "tpu.region"() ({
      %run_scoped3A = tpu.sem_alloc : memref<!tpu.dma_semaphore, #tpu.memory_space<semaphore_mem>>
      %dma_start3A_54 = arith.constant 40 : i32
      %dma_start3A_55 = arith.constant 0 : i32
      %dma_start3A_56 = tpu.memref_slice %arg3[%add3A, %dma_start3A_54, %dma_start3A_55] : memref<32x80x128xi32, #tpu.memory_space<hbm>> -> memref<1x40x128xi32, #tpu.memory_space<hbm>>
      %dma_start3A_57 = tpu.memref_squeeze %dma_start3A_56 : memref<1x40x128xi32, #tpu.memory_space<hbm>> -> memref<40x128xi32, #tpu.memory_space<hbm>>
      %dma_start3A_58 = arith.constant 40 : i32
      %dma_start3A_59 = arith.constant 0 : i32
      %dma_start3A_60 = tpu.memref_slice %arg3[%add3A, %dma_start3A_58, %dma_start3A_59] : memref<32x80x128xi32, #tpu.memory_space<hbm>> -> memref<1x40x128xi32, #tpu.memory_space<hbm>>
      %dma_start3A_61 = tpu.memref_squeeze %dma_start3A_60 : memref<1x40x128xi32, #tpu.memory_space<hbm>> -> memref<40x128xi32, #tpu.memory_space<hbm>>
      tpu.enqueue_dma source(%dma_start3A_61 : memref<40x128xi32, #tpu.memory_space<hbm>>) target(%arg7 : memref<40x128xi32, #tpu.memory_space<vmem>>) target_semaphore(%run_scoped3A : memref<!tpu.dma_semaphore, #tpu.memory_space<semaphore_mem>>)
      %dma_wait3A = arith.constant 40 : i32
      %dma_wait3A_62 = arith.constant 0 : i32
      %dma_wait3A_63 = tpu.memref_slice %arg3[%add3A, %dma_wait3A, %dma_wait3A_62] : memref<32x80x128xi32, #tpu.memory_space<hbm>> -> memref<1x40x128xi32, #tpu.memory_space<hbm>>
      %dma_wait3A_64 = tpu.memref_squeeze %dma_wait3A_63 : memref<1x40x128xi32, #tpu.memory_space<hbm>> -> memref<40x128xi32, #tpu.memory_space<hbm>>
      %dma_wait3A_65 = arith.constant 40 : i32
      %dma_wait3A_66 = arith.constant 0 : i32
      %dma_wait3A_67 = tpu.memref_slice %arg3[%add3A, %dma_wait3A_65, %dma_wait3A_66] : memref<32x80x128xi32, #tpu.memory_space<hbm>> -> memref<1x40x128xi32, #tpu.memory_space<hbm>>
      %dma_wait3A_68 = tpu.memref_squeeze %dma_wait3A_67 : memref<1x40x128xi32, #tpu.memory_space<hbm>> -> memref<40x128xi32, #tpu.memory_space<hbm>>
      tpu.wait_dma2 semaphore(%run_scoped3A : memref<!tpu.dma_semaphore, #tpu.memory_space<semaphore_mem>>) src(%dma_wait3A_68 : memref<40x128xi32, #tpu.memory_space<hbm>>) dst(%arg7 : memref<40x128xi32, #tpu.memory_space<vmem>>)
      tpu.yield
    }) : () -> ()
    "tpu.region"() ({
      %run_scoped3A = tpu.sem_alloc : memref<!tpu.dma_semaphore, #tpu.memory_space<semaphore_mem>>
      %dma_start3A_54 = arith.constant 40 : i32
      %dma_start3A_55 = arith.constant 0 : i32
      %dma_start3A_56 = tpu.memref_slice %arg4[%add3A, %dma_start3A_54, %dma_start3A_55] : memref<32x80x128xi32, #tpu.memory_space<hbm>> -> memref<1x40x128xi32, #tpu.memory_space<hbm>>
      %dma_start3A_57 = tpu.memref_squeeze %dma_start3A_56 : memref<1x40x128xi32, #tpu.memory_space<hbm>> -> memref<40x128xi32, #tpu.memory_space<hbm>>
      %dma_start3A_58 = arith.constant 40 : i32
      %dma_start3A_59 = arith.constant 0 : i32
      %dma_start3A_60 = tpu.memref_slice %arg4[%add3A, %dma_start3A_58, %dma_start3A_59] : memref<32x80x128xi32, #tpu.memory_space<hbm>> -> memref<1x40x128xi32, #tpu.memory_space<hbm>>
      %dma_start3A_61 = tpu.memref_squeeze %dma_start3A_60 : memref<1x40x128xi32, #tpu.memory_space<hbm>> -> memref<40x128xi32, #tpu.memory_space<hbm>>
      tpu.enqueue_dma source(%dma_start3A_61 : memref<40x128xi32, #tpu.memory_space<hbm>>) target(%arg8 : memref<40x128xi32, #tpu.memory_space<vmem>>) target_semaphore(%run_scoped3A : memref<!tpu.dma_semaphore, #tpu.memory_space<semaphore_mem>>)
      %dma_wait3A = arith.constant 40 : i32
      %dma_wait3A_62 = arith.constant 0 : i32
      %dma_wait3A_63 = tpu.memref_slice %arg4[%add3A, %dma_wait3A, %dma_wait3A_62] : memref<32x80x128xi32, #tpu.memory_space<hbm>> -> memref<1x40x128xi32, #tpu.memory_space<hbm>>
      %dma_wait3A_64 = tpu.memref_squeeze %dma_wait3A_63 : memref<1x40x128xi32, #tpu.memory_space<hbm>> -> memref<40x128xi32, #tpu.memory_space<hbm>>
      %dma_wait3A_65 = arith.constant 40 : i32
      %dma_wait3A_66 = arith.constant 0 : i32
      %dma_wait3A_67 = tpu.memref_slice %arg4[%add3A, %dma_wait3A_65, %dma_wait3A_66] : memref<32x80x128xi32, #tpu.memory_space<hbm>> -> memref<1x40x128xi32, #tpu.memory_space<hbm>>
      %dma_wait3A_68 = tpu.memref_squeeze %dma_wait3A_67 : memref<1x40x128xi32, #tpu.memory_space<hbm>> -> memref<40x128xi32, #tpu.memory_space<hbm>>
      tpu.wait_dma2 semaphore(%run_scoped3A : memref<!tpu.dma_semaphore, #tpu.memory_space<semaphore_mem>>) src(%dma_wait3A_68 : memref<40x128xi32, #tpu.memory_space<hbm>>) dst(%arg8 : memref<40x128xi32, #tpu.memory_space<vmem>>)
      tpu.yield
    }) : () -> ()
    %dma_start3A_27 = arith.constant 0 : i32
    %dma_start3A_28 = arith.constant 0 : i32
    %dma_start3A_29 = arith.constant 0 : i32
    %dma_start3A_30 = tpu.memref_slice %arg9[%dma_start3A_28, %dma_start3A_29] : memref<128x128xf32, #tpu.memory_space<vmem>> -> memref<64x128xf32, #tpu.memory_space<vmem>>
    %dma_start3A_31 = arith.constant 0 : i32
    %dma_start3A_32 = tpu.memref_slice %arg7[%dma_start3A_27, %dma_start3A_31] : memref<40x128xi32, #tpu.memory_space<vmem>> -> memref<1x64xi32, #tpu.memory_space<vmem>>
    %dma_start3A_33 = tpu.memref_squeeze %dma_start3A_32 : memref<1x64xi32, #tpu.memory_space<vmem>> -> memref<64xi32, #tpu.memory_space<vmem>>
    %dma_start3A_34 = arith.constant 0 : i32
    %dma_start3A_35 = arith.constant 0 : i32
    %dma_start3A_36 = tpu.memref_slice %arg2[%dma_start3A_34, %dma_start3A_35] : memref<10000x128xf32, #tpu.memory_space<hbm>> -> memref<10000x128xf32, #tpu.memory_space<hbm>>
    tpu.enqueue_indirect_dma source(%dma_start3A_36 : memref<10000x128xf32, #tpu.memory_space<hbm>>) target(%dma_start3A_30 : memref<64x128xf32, #tpu.memory_space<vmem>>) offsets(%dma_start3A_33 : memref<64xi32, #tpu.memory_space<vmem>>) semaphore(%arg12 : memref<!tpu.dma_semaphore, #tpu.memory_space<semaphore_mem>>)
    %dma_start3A_37 = arith.constant 0 : i32
    %dma_start3A_38 = arith.constant 64 : i32
    %dma_start3A_39 = arith.constant 0 : i32
    %dma_start3A_40 = tpu.memref_slice %arg9[%dma_start3A_38, %dma_start3A_39] : memref<128x128xf32, #tpu.memory_space<vmem>> -> memref<64x128xf32, #tpu.memory_space<vmem>>
    %dma_start3A_41 = arith.constant 64 : i32
    %dma_start3A_42 = tpu.memref_slice %arg7[%dma_start3A_37, %dma_start3A_41] : memref<40x128xi32, #tpu.memory_space<vmem>> -> memref<1x64xi32, #tpu.memory_space<vmem>>
    %dma_start3A_43 = tpu.memref_squeeze %dma_start3A_42 : memref<1x64xi32, #tpu.memory_space<vmem>> -> memref<64xi32, #tpu.memory_space<vmem>>
    %dma_start3A_44 = arith.constant 0 : i32
    %dma_start3A_45 = arith.constant 0 : i32
    %dma_start3A_46 = tpu.memref_slice %arg2[%dma_start3A_44, %dma_start3A_45] : memref<10000x128xf32, #tpu.memory_space<hbm>> -> memref<10000x128xf32, #tpu.memory_space<hbm>>
    tpu.enqueue_indirect_dma source(%dma_start3A_46 : memref<10000x128xf32, #tpu.memory_space<hbm>>) target(%dma_start3A_40 : memref<64x128xf32, #tpu.memory_space<vmem>>) offsets(%dma_start3A_43 : memref<64xi32, #tpu.memory_space<vmem>>) semaphore(%arg12 : memref<!tpu.dma_semaphore, #tpu.memory_space<semaphore_mem>>)
    %scan3A_47 = arith.constant 0 : i32
    %scan3A_48 = arith.constant 0 : i32
    %scan3A_49 = arith.constant 20 : i32
    %scan3A_50 = arith.addi %scan3A_48, %scan3A_49 : i32
    %scan3A_51 = arith.constant 1 : i32
    scf.for %scan3A_54 = %scan3A_48 to %scan3A_50 step %scan3A_51  : i32 {
      %mul3A_55 = arith.constant 2 : i32
      %mul3A_56 = arith.muli %mul3A_55, %scan3A_54 : i32
      %add3A_57 = arith.constant 1 : i32
      %add3A_58 = arith.addi %mul3A_56, %add3A_57 : i32
      %dma_start3A_59 = arith.constant 0 : i32
      %dma_start3A_60 = arith.constant 0 : i32
      %dma_start3A_61 = tpu.memref_slice %arg10[%dma_start3A_59, %dma_start3A_60] : memref<128x128xf32, #tpu.memory_space<vmem>> -> memref<64x128xf32, #tpu.memory_space<vmem>>
      %dma_start3A_62 = arith.constant 0 : i32
      %dma_start3A_63 = tpu.memref_slice %arg7[%add3A_58, %dma_start3A_62] : memref<40x128xi32, #tpu.memory_space<vmem>> -> memref<1x64xi32, #tpu.memory_space<vmem>>
      %dma_start3A_64 = tpu.memref_squeeze %dma_start3A_63 : memref<1x64xi32, #tpu.memory_space<vmem>> -> memref<64xi32, #tpu.memory_space<vmem>>
      %dma_start3A_65 = arith.constant 0 : i32
      %dma_start3A_66 = arith.constant 0 : i32
      %dma_start3A_67 = tpu.memref_slice %arg2[%dma_start3A_65, %dma_start3A_66] : memref<10000x128xf32, #tpu.memory_space<hbm>> -> memref<10000x128xf32, #tpu.memory_space<hbm>>
      tpu.enqueue_indirect_dma source(%dma_start3A_67 : memref<10000x128xf32, #tpu.memory_space<hbm>>) target(%dma_start3A_61 : memref<64x128xf32, #tpu.memory_space<vmem>>) offsets(%dma_start3A_64 : memref<64xi32, #tpu.memory_space<vmem>>) semaphore(%arg13 : memref<!tpu.dma_semaphore, #tpu.memory_space<semaphore_mem>>)
      %dma_start3A_68 = arith.constant 64 : i32
      %dma_start3A_69 = arith.constant 0 : i32
      %dma_start3A_70 = tpu.memref_slice %arg10[%dma_start3A_68, %dma_start3A_69] : memref<128x128xf32, #tpu.memory_space<vmem>> -> memref<64x128xf32, #tpu.memory_space<vmem>>
      %dma_start3A_71 = arith.constant 64 : i32
      %dma_start3A_72 = tpu.memref_slice %arg7[%add3A_58, %dma_start3A_71] : memref<40x128xi32, #tpu.memory_space<vmem>> -> memref<1x64xi32, #tpu.memory_space<vmem>>
      %dma_start3A_73 = tpu.memref_squeeze %dma_start3A_72 : memref<1x64xi32, #tpu.memory_space<vmem>> -> memref<64xi32, #tpu.memory_space<vmem>>
      %dma_start3A_74 = arith.constant 0 : i32
      %dma_start3A_75 = arith.constant 0 : i32
      %dma_start3A_76 = tpu.memref_slice %arg2[%dma_start3A_74, %dma_start3A_75] : memref<10000x128xf32, #tpu.memory_space<hbm>> -> memref<10000x128xf32, #tpu.memory_space<hbm>>
      tpu.enqueue_indirect_dma source(%dma_start3A_76 : memref<10000x128xf32, #tpu.memory_space<hbm>>) target(%dma_start3A_70 : memref<64x128xf32, #tpu.memory_space<vmem>>) offsets(%dma_start3A_73 : memref<64xi32, #tpu.memory_space<vmem>>) semaphore(%arg13 : memref<!tpu.dma_semaphore, #tpu.memory_space<semaphore_mem>>)
      %dma_wait3A = arith.constant 0 : i32
      %dma_wait3A_77 = arith.constant 0 : i32
      %dma_wait3A_78 = tpu.memref_slice %arg9[%dma_wait3A, %dma_wait3A_77] : memref<128x128xf32, #tpu.memory_space<vmem>> -> memref<64x128xf32, #tpu.memory_space<vmem>>
      %dma_wait3A_79 = arith.constant 0 : i32
      %dma_wait3A_80 = tpu.memref_slice %arg7[%mul3A_56, %dma_wait3A_79] : memref<40x128xi32, #tpu.memory_space<vmem>> -> memref<1x64xi32, #tpu.memory_space<vmem>>
      %dma_wait3A_81 = tpu.memref_squeeze %dma_wait3A_80 : memref<1x64xi32, #tpu.memory_space<vmem>> -> memref<64xi32, #tpu.memory_space<vmem>>
      %dma_wait3A_82 = arith.constant 0 : i32
      %dma_wait3A_83 = arith.constant 0 : i32
      %dma_wait3A_84 = tpu.memref_slice %arg2[%dma_wait3A_82, %dma_wait3A_83] : memref<10000x128xf32, #tpu.memory_space<hbm>> -> memref<10000x128xf32, #tpu.memory_space<hbm>>
      tpu.wait_indirect_dma semaphore(%arg12 : memref<!tpu.dma_semaphore, #tpu.memory_space<semaphore_mem>>) src(%dma_wait3A_84 : memref<10000x128xf32, #tpu.memory_space<hbm>>) dst(%dma_wait3A_78 : memref<64x128xf32, #tpu.memory_space<vmem>>)
      %dma_wait3A_85 = arith.constant 64 : i32
      %dma_wait3A_86 = arith.constant 0 : i32
      %dma_wait3A_87 = tpu.memref_slice %arg9[%dma_wait3A_85, %dma_wait3A_86] : memref<128x128xf32, #tpu.memory_space<vmem>> -> memref<64x128xf32, #tpu.memory_space<vmem>>
      %dma_wait3A_88 = arith.constant 64 : i32
      %dma_wait3A_89 = tpu.memref_slice %arg7[%mul3A_56, %dma_wait3A_88] : memref<40x128xi32, #tpu.memory_space<vmem>> -> memref<1x64xi32, #tpu.memory_space<vmem>>
      %dma_wait3A_90 = tpu.memref_squeeze %dma_wait3A_89 : memref<1x64xi32, #tpu.memory_space<vmem>> -> memref<64xi32, #tpu.memory_space<vmem>>
      %dma_wait3A_91 = arith.constant 0 : i32
      %dma_wait3A_92 = arith.constant 0 : i32
      %dma_wait3A_93 = tpu.memref_slice %arg2[%dma_wait3A_91, %dma_wait3A_92] : memref<10000x128xf32, #tpu.memory_space<hbm>> -> memref<10000x128xf32, #tpu.memory_space<hbm>>
      tpu.wait_indirect_dma semaphore(%arg12 : memref<!tpu.dma_semaphore, #tpu.memory_space<semaphore_mem>>) src(%dma_wait3A_93 : memref<10000x128xf32, #tpu.memory_space<hbm>>) dst(%dma_wait3A_87 : memref<64x128xf32, #tpu.memory_space<vmem>>)
      "tpu.region"() ({
        %run_scoped3A = tpu.sem_alloc : memref<!tpu.dma_semaphore, #tpu.memory_space<semaphore_mem>>
        %dma_start3A_118 = arith.constant 0 : i32
        %dma_start3A_119 = tpu.memref_slice %arg8[%mul3A_56, %dma_start3A_118] : memref<40x128xi32, #tpu.memory_space<vmem>> -> memref<1x128xi32, #tpu.memory_space<vmem>>
        %dma_start3A_120 = tpu.memref_squeeze %dma_start3A_119 : memref<1x128xi32, #tpu.memory_space<vmem>> -> memref<128xi32, #tpu.memory_space<vmem>>
        %dma_start3A_121 = arith.constant 0 : i32
        %dma_start3A_122 = arith.constant 0 : i32
        %dma_start3A_123 = tpu.memref_slice %arg11[%dma_start3A_121, %dma_start3A_122] : memref<10112x128xf32, #tpu.memory_space<vmem_shared>> -> memref<10112x128xf32, #tpu.memory_space<vmem_shared>>
        tpu.enqueue_indirect_dma source(%arg9 : memref<128x128xf32, #tpu.memory_space<vmem>>) target(%dma_start3A_123 : memref<10112x128xf32, #tpu.memory_space<vmem_shared>>) offsets(%dma_start3A_120 : memref<128xi32, #tpu.memory_space<vmem>>) semaphore(%run_scoped3A : memref<!tpu.dma_semaphore, #tpu.memory_space<semaphore_mem>>) {add = true}
        %dma_wait3A_124 = arith.constant 0 : i32
        %dma_wait3A_125 = tpu.memref_slice %arg8[%mul3A_56, %dma_wait3A_124] : memref<40x128xi32, #tpu.memory_space<vmem>> -> memref<1x128xi32, #tpu.memory_space<vmem>>
        %dma_wait3A_126 = tpu.memref_squeeze %dma_wait3A_125 : memref<1x128xi32, #tpu.memory_space<vmem>> -> memref<128xi32, #tpu.memory_space<vmem>>
        %dma_wait3A_127 = arith.constant 0 : i32
        %dma_wait3A_128 = arith.constant 0 : i32
        %dma_wait3A_129 = tpu.memref_slice %arg11[%dma_wait3A_127, %dma_wait3A_128] : memref<10112x128xf32, #tpu.memory_space<vmem_shared>> -> memref<10112x128xf32, #tpu.memory_space<vmem_shared>>
        tpu.wait_indirect_dma semaphore(%run_scoped3A : memref<!tpu.dma_semaphore, #tpu.memory_space<semaphore_mem>>) src(%arg9 : memref<128x128xf32, #tpu.memory_space<vmem>>) dst(%dma_wait3A_129 : memref<10112x128xf32, #tpu.memory_space<vmem_shared>>)
        tpu.yield
      }) : () -> ()
      %lt3A = arith.constant 19 : i32
      %lt3A_94 = arith.cmpi slt, %scan3A_54, %lt3A : i32
      %convert_element_type3A = arith.extui %lt3A_94 : i1 to i32
      %cond3A = arith.constant 0 : i32
      %cond3A_95 = arith.cmpi ne, %convert_element_type3A, %cond3A : i32
      scf.if %cond3A_95 {
        %add3A_118 = arith.constant 2 : i32
        %add3A_119 = arith.addi %mul3A_56, %add3A_118 : i32
        %dma_start3A_120 = arith.constant 0 : i32
        %dma_start3A_121 = arith.constant 0 : i32
        %dma_start3A_122 = tpu.memref_slice %arg9[%dma_start3A_120, %dma_start3A_121] : memref<128x128xf32, #tpu.memory_space<vmem>> -> memref<64x128xf32, #tpu.memory_space<vmem>>
        %dma_start3A_123 = arith.constant 0 : i32
        %dma_start3A_124 = tpu.memref_slice %arg7[%add3A_119, %dma_start3A_123] : memref<40x128xi32, #tpu.memory_space<vmem>> -> memref<1x64xi32, #tpu.memory_space<vmem>>
        %dma_start3A_125 = tpu.memref_squeeze %dma_start3A_124 : memref<1x64xi32, #tpu.memory_space<vmem>> -> memref<64xi32, #tpu.memory_space<vmem>>
        %dma_start3A_126 = arith.constant 0 : i32
        %dma_start3A_127 = arith.constant 0 : i32
        %dma_start3A_128 = tpu.memref_slice %arg2[%dma_start3A_126, %dma_start3A_127] : memref<10000x128xf32, #tpu.memory_space<hbm>> -> memref<10000x128xf32, #tpu.memory_space<hbm>>
        tpu.enqueue_indirect_dma source(%dma_start3A_128 : memref<10000x128xf32, #tpu.memory_space<hbm>>) target(%dma_start3A_122 : memref<64x128xf32, #tpu.memory_space<vmem>>) offsets(%dma_start3A_125 : memref<64xi32, #tpu.memory_space<vmem>>) semaphore(%arg12 : memref<!tpu.dma_semaphore, #tpu.memory_space<semaphore_mem>>)
        %dma_start3A_129 = arith.constant 64 : i32
        %dma_start3A_130 = arith.constant 0 : i32
        %dma_start3A_131 = tpu.memref_slice %arg9[%dma_start3A_129, %dma_start3A_130] : memref<128x128xf32, #tpu.memory_space<vmem>> -> memref<64x128xf32, #tpu.memory_space<vmem>>
        %dma_start3A_132 = arith.constant 64 : i32
        %dma_start3A_133 = tpu.memref_slice %arg7[%add3A_119, %dma_start3A_132] : memref<40x128xi32, #tpu.memory_space<vmem>> -> memref<1x64xi32, #tpu.memory_space<vmem>>
        %dma_start3A_134 = tpu.memref_squeeze %dma_start3A_133 : memref<1x64xi32, #tpu.memory_space<vmem>> -> memref<64xi32, #tpu.memory_space<vmem>>
        %dma_start3A_135 = arith.constant 0 : i32
        %dma_start3A_136 = arith.constant 0 : i32
        %dma_start3A_137 = tpu.memref_slice %arg2[%dma_start3A_135, %dma_start3A_136] : memref<10000x128xf32, #tpu.memory_space<hbm>> -> memref<10000x128xf32, #tpu.memory_space<hbm>>
        tpu.enqueue_indirect_dma source(%dma_start3A_137 : memref<10000x128xf32, #tpu.memory_space<hbm>>) target(%dma_start3A_131 : memref<64x128xf32, #tpu.memory_space<vmem>>) offsets(%dma_start3A_134 : memref<64xi32, #tpu.memory_space<vmem>>) semaphore(%arg12 : memref<!tpu.dma_semaphore, #tpu.memory_space<semaphore_mem>>)
      } else {
      }
      %add3A_96 = arith.constant 1 : i32
      %add3A_97 = arith.addi %mul3A_56, %add3A_96 : i32
      %dma_wait3A_98 = arith.constant 0 : i32
      %dma_wait3A_99 = arith.constant 0 : i32
      %dma_wait3A_100 = tpu.memref_slice %arg10[%dma_wait3A_98, %dma_wait3A_99] : memref<128x128xf32, #tpu.memory_space<vmem>> -> memref<64x128xf32, #tpu.memory_space<vmem>>
      %dma_wait3A_101 = arith.constant 0 : i32
      %dma_wait3A_102 = tpu.memref_slice %arg7[%add3A_97, %dma_wait3A_101] : memref<40x128xi32, #tpu.memory_space<vmem>> -> memref<1x64xi32, #tpu.memory_space<vmem>>
      %dma_wait3A_103 = tpu.memref_squeeze %dma_wait3A_102 : memref<1x64xi32, #tpu.memory_space<vmem>> -> memref<64xi32, #tpu.memory_space<vmem>>
      %dma_wait3A_104 = arith.constant 0 : i32
      %dma_wait3A_105 = arith.constant 0 : i32
      %dma_wait3A_106 = tpu.memref_slice %arg2[%dma_wait3A_104, %dma_wait3A_105] : memref<10000x128xf32, #tpu.memory_space<hbm>> -> memref<10000x128xf32, #tpu.memory_space<hbm>>
      tpu.wait_indirect_dma semaphore(%arg13 : memref<!tpu.dma_semaphore, #tpu.memory_space<semaphore_mem>>) src(%dma_wait3A_106 : memref<10000x128xf32, #tpu.memory_space<hbm>>) dst(%dma_wait3A_100 : memref<64x128xf32, #tpu.memory_space<vmem>>)
      %dma_wait3A_107 = arith.constant 64 : i32
      %dma_wait3A_108 = arith.constant 0 : i32
      %dma_wait3A_109 = tpu.memref_slice %arg10[%dma_wait3A_107, %dma_wait3A_108] : memref<128x128xf32, #tpu.memory_space<vmem>> -> memref<64x128xf32, #tpu.memory_space<vmem>>
      %dma_wait3A_110 = arith.constant 64 : i32
      %dma_wait3A_111 = tpu.memref_slice %arg7[%add3A_97, %dma_wait3A_110] : memref<40x128xi32, #tpu.memory_space<vmem>> -> memref<1x64xi32, #tpu.memory_space<vmem>>
      %dma_wait3A_112 = tpu.memref_squeeze %dma_wait3A_111 : memref<1x64xi32, #tpu.memory_space<vmem>> -> memref<64xi32, #tpu.memory_space<vmem>>
      %dma_wait3A_113 = arith.constant 0 : i32
      %dma_wait3A_114 = arith.constant 0 : i32
      %dma_wait3A_115 = tpu.memref_slice %arg2[%dma_wait3A_113, %dma_wait3A_114] : memref<10000x128xf32, #tpu.memory_space<hbm>> -> memref<10000x128xf32, #tpu.memory_space<hbm>>
      tpu.wait_indirect_dma semaphore(%arg13 : memref<!tpu.dma_semaphore, #tpu.memory_space<semaphore_mem>>) src(%dma_wait3A_115 : memref<10000x128xf32, #tpu.memory_space<hbm>>) dst(%dma_wait3A_109 : memref<64x128xf32, #tpu.memory_space<vmem>>)
      %add3A_116 = arith.constant 1 : i32
      %add3A_117 = arith.addi %mul3A_56, %add3A_116 : i32
      "tpu.region"() ({
        %run_scoped3A = tpu.sem_alloc : memref<!tpu.dma_semaphore, #tpu.memory_space<semaphore_mem>>
        %dma_start3A_118 = arith.constant 0 : i32
        %dma_start3A_119 = tpu.memref_slice %arg8[%add3A_117, %dma_start3A_118] : memref<40x128xi32, #tpu.memory_space<vmem>> -> memref<1x128xi32, #tpu.memory_space<vmem>>
        %dma_start3A_120 = tpu.memref_squeeze %dma_start3A_119 : memref<1x128xi32, #tpu.memory_space<vmem>> -> memref<128xi32, #tpu.memory_space<vmem>>
        %dma_start3A_121 = arith.constant 0 : i32
        %dma_start3A_122 = arith.constant 0 : i32
        %dma_start3A_123 = tpu.memref_slice %arg11[%dma_start3A_121, %dma_start3A_122] : memref<10112x128xf32, #tpu.memory_space<vmem_shared>> -> memref<10112x128xf32, #tpu.memory_space<vmem_shared>>
        tpu.enqueue_indirect_dma source(%arg10 : memref<128x128xf32, #tpu.memory_space<vmem>>) target(%dma_start3A_123 : memref<10112x128xf32, #tpu.memory_space<vmem_shared>>) offsets(%dma_start3A_120 : memref<128xi32, #tpu.memory_space<vmem>>) semaphore(%run_scoped3A : memref<!tpu.dma_semaphore, #tpu.memory_space<semaphore_mem>>) {add = true}
        %dma_wait3A_124 = arith.constant 0 : i32
        %dma_wait3A_125 = tpu.memref_slice %arg8[%add3A_117, %dma_wait3A_124] : memref<40x128xi32, #tpu.memory_space<vmem>> -> memref<1x128xi32, #tpu.memory_space<vmem>>
        %dma_wait3A_126 = tpu.memref_squeeze %dma_wait3A_125 : memref<1x128xi32, #tpu.memory_space<vmem>> -> memref<128xi32, #tpu.memory_space<vmem>>
        %dma_wait3A_127 = arith.constant 0 : i32
        %dma_wait3A_128 = arith.constant 0 : i32
        %dma_wait3A_129 = tpu.memref_slice %arg11[%dma_wait3A_127, %dma_wait3A_128] : memref<10112x128xf32, #tpu.memory_space<vmem_shared>> -> memref<10112x128xf32, #tpu.memory_space<vmem_shared>>
        tpu.wait_indirect_dma semaphore(%run_scoped3A : memref<!tpu.dma_semaphore, #tpu.memory_space<semaphore_mem>>) src(%arg10 : memref<128x128xf32, #tpu.memory_space<vmem>>) dst(%dma_wait3A_129 : memref<10112x128xf32, #tpu.memory_space<vmem_shared>>)
        tpu.yield
      }) : () -> ()
    }
    %scan3A_52 = arith.constant 20 : i32
    %barrier3A_53 = arith.constant 0 : index
    tpu.barrier barrier_id(%barrier3A_53)
    "tpu.region"() ({
      %run_scoped3A = tpu.sem_alloc : memref<!tpu.dma_semaphore, #tpu.memory_space<semaphore_mem>>
      %dma_start3A_54 = arith.constant 0 : i32
      %dma_start3A_55 = tpu.memref_slice %arg6[%arg0, %mul3A_2, %dma_start3A_54] : memref<2x10112x128xf32, #tpu.memory_space<hbm>> -> memref<1x632x128xf32, #tpu.memory_space<hbm>>
      %dma_start3A_56 = tpu.memref_squeeze %dma_start3A_55 : memref<1x632x128xf32, #tpu.memory_space<hbm>> -> memref<632x128xf32, #tpu.memory_space<hbm>>
      %dma_start3A_57 = arith.constant 0 : i32
      %dma_start3A_58 = tpu.memref_slice %arg11[%mul3A_2, %dma_start3A_57] : memref<10112x128xf32, #tpu.memory_space<vmem_shared>> -> memref<632x128xf32, #tpu.memory_space<vmem_shared>>
      tpu.enqueue_dma source(%dma_start3A_58 : memref<632x128xf32, #tpu.memory_space<vmem_shared>>) target(%dma_start3A_56 : memref<632x128xf32, #tpu.memory_space<hbm>>) target_semaphore(%run_scoped3A : memref<!tpu.dma_semaphore, #tpu.memory_space<semaphore_mem>>)
      %dma_wait3A = arith.constant 0 : i32
      %dma_wait3A_59 = tpu.memref_slice %arg6[%arg0, %mul3A_2, %dma_wait3A] : memref<2x10112x128xf32, #tpu.memory_space<hbm>> -> memref<1x632x128xf32, #tpu.memory_space<hbm>>
      %dma_wait3A_60 = tpu.memref_squeeze %dma_wait3A_59 : memref<1x632x128xf32, #tpu.memory_space<hbm>> -> memref<632x128xf32, #tpu.memory_space<hbm>>
      %dma_wait3A_61 = arith.constant 0 : i32
      %dma_wait3A_62 = tpu.memref_slice %arg11[%mul3A_2, %dma_wait3A_61] : memref<10112x128xf32, #tpu.memory_space<vmem_shared>> -> memref<632x128xf32, #tpu.memory_space<vmem_shared>>
      tpu.wait_dma2 semaphore(%run_scoped3A : memref<!tpu.dma_semaphore, #tpu.memory_space<semaphore_mem>>) src(%dma_wait3A_62 : memref<632x128xf32, #tpu.memory_space<vmem_shared>>) dst(%dma_wait3A_60 : memref<632x128xf32, #tpu.memory_space<hbm>>)
      tpu.yield
    }) : () -> ()
    return
  }
}

#map = affine_map<(d0, d1) -> (0, 0)>
#map1 = affine_map<(d0, d1) -> (0, 0, 0)>
module attributes {stable_mosaic.version = 14 : i64} {
  func.func @body(%arg0: i32, %arg1: i32, %arg2: memref<10000x128xf32, #tpu.memory_space<hbm>>, %arg3: memref<32x80x128xi32, #tpu.memory_space<hbm>>, %arg4: memref<32x80x128xi32, #tpu.memory_space<hbm>>, %arg5: memref<632x128xf32, #tpu.memory_space<hbm>>, %arg6: memref<2x10112x128xf32, #tpu.memory_space<hbm>>, %arg7: memref<40x128xi32, #tpu.memory_space<vmem>>, %arg8: memref<40x128xi32, #tpu.memory_space<vmem>>, %arg9: memref<128x128xf32, #tpu.memory_space<vmem>>, %arg10: memref<128x128xf32, #tpu.memory_space<vmem>>, %arg11: memref<10112x128xf32, #tpu.memory_space<vmem_shared>>, %arg12: memref<!tpu.dma_semaphore, #tpu.memory_space<semaphore_mem>>, %arg13: memref<!tpu.dma_semaphore, #tpu.memory_space<semaphore_mem>>) attributes {dimension_semantics = [#tpu.dimension_semantics<core_parallel>, #tpu.dimension_semantics<subcore_parallel>], iteration_bounds = array<i64: 2, 16>, scalar_prefetch = 0 : i64, scratch_operands = 7 : i64, tpu.core_type = #tpu.core_type<sc_vector_subcore>, window_params = [{transform_indices = #map}, {transform_indices = #map1}, {transform_indices = #map1}, {transform_indices = #map}, {transform_indices = #map1}]} {
    %mul3A = arith.constant 16 : i32
    %mul3A_0 = arith.muli %arg0, %mul3A : i32
    %add3A = arith.addi %mul3A_0, %arg1 : i32
    %mul3A_1 = arith.constant 632 : i32
    %mul3A_2 = arith.muli %arg1, %mul3A_1 : i32
    "tpu.region"() ({
      %run_scoped3A = tpu.sem_alloc : memref<!tpu.dma_semaphore, #tpu.memory_space<semaphore_mem>>
      %dma_start3A_54 = arith.constant 0 : i32
      %dma_start3A_55 = tpu.memref_slice %arg11[%mul3A_2, %dma_start3A_54] : memref<10112x128xf32, #tpu.memory_space<vmem_shared>> -> memref<632x128xf32, #tpu.memory_space<vmem_shared>>
      tpu.enqueue_dma source(%arg5 : memref<632x128xf32, #tpu.memory_space<hbm>>) target(%dma_start3A_55 : memref<632x128xf32, #tpu.memory_space<vmem_shared>>) target_semaphore(%run_scoped3A : memref<!tpu.dma_semaphore, #tpu.memory_space<semaphore_mem>>)
      %dma_wait3A = arith.constant 0 : i32
      %dma_wait3A_56 = tpu.memref_slice %arg11[%mul3A_2, %dma_wait3A] : memref<10112x128xf32, #tpu.memory_space<vmem_shared>> -> memref<632x128xf32, #tpu.memory_space<vmem_shared>>
      tpu.wait_dma2 semaphore(%run_scoped3A : memref<!tpu.dma_semaphore, #tpu.memory_space<semaphore_mem>>) src(%arg5 : memref<632x128xf32, #tpu.memory_space<hbm>>) dst(%dma_wait3A_56 : memref<632x128xf32, #tpu.memory_space<vmem_shared>>)
      tpu.yield
    }) : () -> ()
    %barrier3A = arith.constant 0 : index
    tpu.barrier barrier_id(%barrier3A)
    "tpu.region"() ({
      %run_scoped3A = tpu.sem_alloc : memref<!tpu.dma_semaphore, #tpu.memory_space<semaphore_mem>>
      %dma_start3A_54 = arith.constant 0 : i32
      %dma_start3A_55 = arith.constant 0 : i32
      %dma_start3A_56 = tpu.memref_slice %arg3[%add3A, %dma_start3A_54, %dma_start3A_55] : memref<32x80x128xi32, #tpu.memory_space<hbm>> -> memref<1x40x128xi32, #tpu.memory_space<hbm>>
      %dma_start3A_57 = tpu.memref_squeeze %dma_start3A_56 : memref<1x40x128xi32, #tpu.memory_space<hbm>> -> memref<40x128xi32, #tpu.memory_space<hbm>>
      %dma_start3A_58 = arith.constant 0 : i32
      %dma_start3A_59 = arith.constant 0 : i32
      %dma_start3A_60 = tpu.memref_slice %arg3[%add3A, %dma_start3A_58, %dma_start3A_59] : memref<32x80x128xi32, #tpu.memory_space<hbm>> -> memref<1x40x128xi32, #tpu.memory_space<hbm>>
      %dma_start3A_61 = tpu.memref_squeeze %dma_start3A_60 : memref<1x40x128xi32, #tpu.memory_space<hbm>> -> memref<40x128xi32, #tpu.memory_space<hbm>>
      tpu.enqueue_dma source(%dma_start3A_61 : memref<40x128xi32, #tpu.memory_space<hbm>>) target(%arg7 : memref<40x128xi32, #tpu.memory_space<vmem>>) target_semaphore(%run_scoped3A : memref<!tpu.dma_semaphore, #tpu.memory_space<semaphore_mem>>)
      %dma_wait3A = arith.constant 0 : i32
      %dma_wait3A_62 = arith.constant 0 : i32
      %dma_wait3A_63 = tpu.memref_slice %arg3[%add3A, %dma_wait3A, %dma_wait3A_62] : memref<32x80x128xi32, #tpu.memory_space<hbm>> -> memref<1x40x128xi32, #tpu.memory_space<hbm>>
      %dma_wait3A_64 = tpu.memref_squeeze %dma_wait3A_63 : memref<1x40x128xi32, #tpu.memory_space<hbm>> -> memref<40x128xi32, #tpu.memory_space<hbm>>
      %dma_wait3A_65 = arith.constant 0 : i32
      %dma_wait3A_66 = arith.constant 0 : i32
      %dma_wait3A_67 = tpu.memref_slice %arg3[%add3A, %dma_wait3A_65, %dma_wait3A_66] : memref<32x80x128xi32, #tpu.memory_space<hbm>> -> memref<1x40x128xi32, #tpu.memory_space<hbm>>
      %dma_wait3A_68 = tpu.memref_squeeze %dma_wait3A_67 : memref<1x40x128xi32, #tpu.memory_space<hbm>> -> memref<40x128xi32, #tpu.memory_space<hbm>>
      tpu.wait_dma2 semaphore(%run_scoped3A : memref<!tpu.dma_semaphore, #tpu.memory_space<semaphore_mem>>) src(%dma_wait3A_68 : memref<40x128xi32, #tpu.memory_space<hbm>>) dst(%arg7 : memref<40x128xi32, #tpu.memory_space<vmem>>)
      tpu.yield
    }) : () -> ()
    "tpu.region"() ({
      %run_scoped3A = tpu.sem_alloc : memref<!tpu.dma_semaphore, #tpu.memory_space<semaphore_mem>>
      %dma_start3A_54 = arith.constant 0 : i32
      %dma_start3A_55 = arith.constant 0 : i32
      %dma_start3A_56 = tpu.memref_slice %arg4[%add3A, %dma_start3A_54, %dma_start3A_55] : memref<32x80x128xi32, #tpu.memory_space<hbm>> -> memref<1x40x128xi32, #tpu.memory_space<hbm>>
      %dma_start3A_57 = tpu.memref_squeeze %dma_start3A_56 : memref<1x40x128xi32, #tpu.memory_space<hbm>> -> memref<40x128xi32, #tpu.memory_space<hbm>>
      %dma_start3A_58 = arith.constant 0 : i32
      %dma_start3A_59 = arith.constant 0 : i32
      %dma_start3A_60 = tpu.memref_slice %arg4[%add3A, %dma_start3A_58, %dma_start3A_59] : memref<32x80x128xi32, #tpu.memory_space<hbm>> -> memref<1x40x128xi32, #tpu.memory_space<hbm>>
      %dma_start3A_61 = tpu.memref_squeeze %dma_start3A_60 : memref<1x40x128xi32, #tpu.memory_space<hbm>> -> memref<40x128xi32, #tpu.memory_space<hbm>>
      tpu.enqueue_dma source(%dma_start3A_61 : memref<40x128xi32, #tpu.memory_space<hbm>>) target(%arg8 : memref<40x128xi32, #tpu.memory_space<vmem>>) target_semaphore(%run_scoped3A : memref<!tpu.dma_semaphore, #tpu.memory_space<semaphore_mem>>)
      %dma_wait3A = arith.constant 0 : i32
      %dma_wait3A_62 = arith.constant 0 : i32
      %dma_wait3A_63 = tpu.memref_slice %arg4[%add3A, %dma_wait3A, %dma_wait3A_62] : memref<32x80x128xi32, #tpu.memory_space<hbm>> -> memref<1x40x128xi32, #tpu.memory_space<hbm>>
      %dma_wait3A_64 = tpu.memref_squeeze %dma_wait3A_63 : memref<1x40x128xi32, #tpu.memory_space<hbm>> -> memref<40x128xi32, #tpu.memory_space<hbm>>
      %dma_wait3A_65 = arith.constant 0 : i32
      %dma_wait3A_66 = arith.constant 0 : i32
      %dma_wait3A_67 = tpu.memref_slice %arg4[%add3A, %dma_wait3A_65, %dma_wait3A_66] : memref<32x80x128xi32, #tpu.memory_space<hbm>> -> memref<1x40x128xi32, #tpu.memory_space<hbm>>
      %dma_wait3A_68 = tpu.memref_squeeze %dma_wait3A_67 : memref<1x40x128xi32, #tpu.memory_space<hbm>> -> memref<40x128xi32, #tpu.memory_space<hbm>>
      tpu.wait_dma2 semaphore(%run_scoped3A : memref<!tpu.dma_semaphore, #tpu.memory_space<semaphore_mem>>) src(%dma_wait3A_68 : memref<40x128xi32, #tpu.memory_space<hbm>>) dst(%arg8 : memref<40x128xi32, #tpu.memory_space<vmem>>)
      tpu.yield
    }) : () -> ()
    %dma_start3A = arith.constant 0 : i32
    %dma_start3A_3 = arith.constant 0 : i32
    %dma_start3A_4 = arith.constant 0 : i32
    %dma_start3A_5 = tpu.memref_slice %arg9[%dma_start3A_3, %dma_start3A_4] : memref<128x128xf32, #tpu.memory_space<vmem>> -> memref<64x128xf32, #tpu.memory_space<vmem>>
    %dma_start3A_6 = arith.constant 0 : i32
    %dma_start3A_7 = tpu.memref_slice %arg7[%dma_start3A, %dma_start3A_6] : memref<40x128xi32, #tpu.memory_space<vmem>> -> memref<1x64xi32, #tpu.memory_space<vmem>>
    %dma_start3A_8 = tpu.memref_squeeze %dma_start3A_7 : memref<1x64xi32, #tpu.memory_space<vmem>> -> memref<64xi32, #tpu.memory_space<vmem>>
    %dma_start3A_9 = arith.constant 0 : i32
    %dma_start3A_10 = arith.constant 0 : i32
    %dma_start3A_11 = tpu.memref_slice %arg2[%dma_start3A_9, %dma_start3A_10] : memref<10000x128xf32, #tpu.memory_space<hbm>> -> memref<10000x128xf32, #tpu.memory_space<hbm>>
    tpu.enqueue_indirect_dma source(%dma_start3A_11 : memref<10000x128xf32, #tpu.memory_space<hbm>>) target(%dma_start3A_5 : memref<64x128xf32, #tpu.memory_space<vmem>>) offsets(%dma_start3A_8 : memref<64xi32, #tpu.memory_space<vmem>>) semaphore(%arg12 : memref<!tpu.dma_semaphore, #tpu.memory_space<semaphore_mem>>)
    %dma_start3A_12 = arith.constant 0 : i32
    %dma_start3A_13 = arith.constant 64 : i32
    %dma_start3A_14 = arith.constant 0 : i32
    %dma_start3A_15 = tpu.memref_slice %arg9[%dma_start3A_13, %dma_start3A_14] : memref<128x128xf32, #tpu.memory_space<vmem>> -> memref<64x128xf32, #tpu.memory_space<vmem>>
    %dma_start3A_16 = arith.constant 64 : i32
    %dma_start3A_17 = tpu.memref_slice %arg7[%dma_start3A_12, %dma_start3A_16] : memref<40x128xi32, #tpu.memory_space<vmem>> -> memref<1x64xi32, #tpu.memory_space<vmem>>
    %dma_start3A_18 = tpu.memref_squeeze %dma_start3A_17 : memref<1x64xi32, #tpu.memory_space<vmem>> -> memref<64xi32, #tpu.memory_space<vmem>>
    %dma_start3A_19 = arith.constant 0 : i32
    %dma_start3A_20 = arith.constant 0 : i32
    %dma_start3A_21 = tpu.memref_slice %arg2[%dma_start3A_19, %dma_start3A_20] : memref<10000x128xf32, #tpu.memory_space<hbm>> -> memref<10000x128xf32, #tpu.memory_space<hbm>>
    tpu.enqueue_indirect_dma source(%dma_start3A_21 : memref<10000x128xf32, #tpu.memory_space<hbm>>) target(%dma_start3A_15 : memref<64x128xf32, #tpu.memory_space<vmem>>) offsets(%dma_start3A_18 : memref<64xi32, #tpu.memory_space<vmem>>) semaphore(%arg12 : memref<!tpu.dma_semaphore, #tpu.memory_space<semaphore_mem>>)
    %scan3A = arith.constant 0 : i32
    %scan3A_22 = arith.constant 0 : i32
    %scan3A_23 = arith.constant 20 : i32
    %scan3A_24 = arith.addi %scan3A_22, %scan3A_23 : i32
    %scan3A_25 = arith.constant 1 : i32
    scf.for %scan3A_54 = %scan3A_22 to %scan3A_24 step %scan3A_25  : i32 {
      %mul3A_55 = arith.constant 2 : i32
      %mul3A_56 = arith.muli %mul3A_55, %scan3A_54 : i32
      %add3A_57 = arith.constant 1 : i32
      %add3A_58 = arith.addi %mul3A_56, %add3A_57 : i32
      %dma_start3A_59 = arith.constant 0 : i32
      %dma_start3A_60 = arith.constant 0 : i32
      %dma_start3A_61 = tpu.memref_slice %arg10[%dma_start3A_59, %dma_start3A_60] : memref<128x128xf32, #tpu.memory_space<vmem>> -> memref<64x128xf32, #tpu.memory_space<vmem>>
      %dma_start3A_62 = arith.constant 0 : i32
      %dma_start3A_63 = tpu.memref_slice %arg7[%add3A_58, %dma_start3A_62] : memref<40x128xi32, #tpu.memory_space<vmem>> -> memref<1x64xi32, #tpu.memory_space<vmem>>
      %dma_start3A_64 = tpu.memref_squeeze %dma_start3A_63 : memref<1x64xi32, #tpu.memory_space<vmem>> -> memref<64xi32, #tpu.memory_space<vmem>>
      %dma_start3A_65 = arith.constant 0 : i32
      %dma_start3A_66 = arith.constant 0 : i32
      %dma_start3A_67 = tpu.memref_slice %arg2[%dma_start3A_65, %dma_start3A_66] : memref<10000x128xf32, #tpu.memory_space<hbm>> -> memref<10000x128xf32, #tpu.memory_space<hbm>>
      tpu.enqueue_indirect_dma source(%dma_start3A_67 : memref<10000x128xf32, #tpu.memory_space<hbm>>) target(%dma_start3A_61 : memref<64x128xf32, #tpu.memory_space<vmem>>) offsets(%dma_start3A_64 : memref<64xi32, #tpu.memory_space<vmem>>) semaphore(%arg13 : memref<!tpu.dma_semaphore, #tpu.memory_space<semaphore_mem>>)
      %dma_start3A_68 = arith.constant 64 : i32
      %dma_start3A_69 = arith.constant 0 : i32
      %dma_start3A_70 = tpu.memref_slice %arg10[%dma_start3A_68, %dma_start3A_69] : memref<128x128xf32, #tpu.memory_space<vmem>> -> memref<64x128xf32, #tpu.memory_space<vmem>>
      %dma_start3A_71 = arith.constant 64 : i32
      %dma_start3A_72 = tpu.memref_slice %arg7[%add3A_58, %dma_start3A_71] : memref<40x128xi32, #tpu.memory_space<vmem>> -> memref<1x64xi32, #tpu.memory_space<vmem>>
      %dma_start3A_73 = tpu.memref_squeeze %dma_start3A_72 : memref<1x64xi32, #tpu.memory_space<vmem>> -> memref<64xi32, #tpu.memory_space<vmem>>
      %dma_start3A_74 = arith.constant 0 : i32
      %dma_start3A_75 = arith.constant 0 : i32
      %dma_start3A_76 = tpu.memref_slice %arg2[%dma_start3A_74, %dma_start3A_75] : memref<10000x128xf32, #tpu.memory_space<hbm>> -> memref<10000x128xf32, #tpu.memory_space<hbm>>
      tpu.enqueue_indirect_dma source(%dma_start3A_76 : memref<10000x128xf32, #tpu.memory_space<hbm>>) target(%dma_start3A_70 : memref<64x128xf32, #tpu.memory_space<vmem>>) offsets(%dma_start3A_73 : memref<64xi32, #tpu.memory_space<vmem>>) semaphore(%arg13 : memref<!tpu.dma_semaphore, #tpu.memory_space<semaphore_mem>>)
      %dma_wait3A = arith.constant 0 : i32
      %dma_wait3A_77 = arith.constant 0 : i32
      %dma_wait3A_78 = tpu.memref_slice %arg9[%dma_wait3A, %dma_wait3A_77] : memref<128x128xf32, #tpu.memory_space<vmem>> -> memref<64x128xf32, #tpu.memory_space<vmem>>
      %dma_wait3A_79 = arith.constant 0 : i32
      %dma_wait3A_80 = tpu.memref_slice %arg7[%mul3A_56, %dma_wait3A_79] : memref<40x128xi32, #tpu.memory_space<vmem>> -> memref<1x64xi32, #tpu.memory_space<vmem>>
      %dma_wait3A_81 = tpu.memref_squeeze %dma_wait3A_80 : memref<1x64xi32, #tpu.memory_space<vmem>> -> memref<64xi32, #tpu.memory_space<vmem>>
      %dma_wait3A_82 = arith.constant 0 : i32
      %dma_wait3A_83 = arith.constant 0 : i32
      %dma_wait3A_84 = tpu.memref_slice %arg2[%dma_wait3A_82, %dma_wait3A_83] : memref<10000x128xf32, #tpu.memory_space<hbm>> -> memref<10000x128xf32, #tpu.memory_space<hbm>>
      tpu.wait_indirect_dma semaphore(%arg12 : memref<!tpu.dma_semaphore, #tpu.memory_space<semaphore_mem>>) src(%dma_wait3A_84 : memref<10000x128xf32, #tpu.memory_space<hbm>>) dst(%dma_wait3A_78 : memref<64x128xf32, #tpu.memory_space<vmem>>)
      %dma_wait3A_85 = arith.constant 64 : i32
      %dma_wait3A_86 = arith.constant 0 : i32
      %dma_wait3A_87 = tpu.memref_slice %arg9[%dma_wait3A_85, %dma_wait3A_86] : memref<128x128xf32, #tpu.memory_space<vmem>> -> memref<64x128xf32, #tpu.memory_space<vmem>>
      %dma_wait3A_88 = arith.constant 64 : i32
      %dma_wait3A_89 = tpu.memref_slice %arg7[%mul3A_56, %dma_wait3A_88] : memref<40x128xi32, #tpu.memory_space<vmem>> -> memref<1x64xi32, #tpu.memory_space<vmem>>
      %dma_wait3A_90 = tpu.memref_squeeze %dma_wait3A_89 : memref<1x64xi32, #tpu.memory_space<vmem>> -> memref<64xi32, #tpu.memory_space<vmem>>
      %dma_wait3A_91 = arith.constant 0 : i32
      %dma_wait3A_92 = arith.constant 0 : i32
      %dma_wait3A_93 = tpu.memref_slice %arg2[%dma_wait3A_91, %dma_wait3A_92] : memref<10000x128xf32, #tpu.memory_space<hbm>> -> memref<10000x128xf32, #tpu.memory_space<hbm>>
      tpu.wait_indirect_dma semaphore(%arg12 : memref<!tpu.dma_semaphore, #tpu.memory_space<semaphore_mem>>) src(%dma_wait3A_93 : memref<10000x128xf32, #tpu.memory_space<hbm>>) dst(%dma_wait3A_87 : memref<64x128xf32, #tpu.memory_space<vmem>>)
      "tpu.region"() ({
        %run_scoped3A = tpu.sem_alloc : memref<!tpu.dma_semaphore, #tpu.memory_space<semaphore_mem>>
        %dma_start3A_118 = arith.constant 0 : i32
        %dma_start3A_119 = tpu.memref_slice %arg8[%mul3A_56, %dma_start3A_118] : memref<40x128xi32, #tpu.memory_space<vmem>> -> memref<1x128xi32, #tpu.memory_space<vmem>>
        %dma_start3A_120 = tpu.memref_squeeze %dma_start3A_119 : memref<1x128xi32, #tpu.memory_space<vmem>> -> memref<128xi32, #tpu.memory_space<vmem>>
        %dma_start3A_121 = arith.constant 0 : i32
        %dma_start3A_122 = arith.constant 0 : i32
        %dma_start3A_123 = tpu.memref_slice %arg11[%dma_start3A_121, %dma_start3A_122] : memref<10112x128xf32, #tpu.memory_space<vmem_shared>> -> memref<10112x128xf32, #tpu.memory_space<vmem_shared>>
        tpu.enqueue_indirect_dma source(%arg9 : memref<128x128xf32, #tpu.memory_space<vmem>>) target(%dma_start3A_123 : memref<10112x128xf32, #tpu.memory_space<vmem_shared>>) offsets(%dma_start3A_120 : memref<128xi32, #tpu.memory_space<vmem>>) semaphore(%run_scoped3A : memref<!tpu.dma_semaphore, #tpu.memory_space<semaphore_mem>>) {add = true}
        %dma_wait3A_124 = arith.constant 0 : i32
        %dma_wait3A_125 = tpu.memref_slice %arg8[%mul3A_56, %dma_wait3A_124] : memref<40x128xi32, #tpu.memory_space<vmem>> -> memref<1x128xi32, #tpu.memory_space<vmem>>
        %dma_wait3A_126 = tpu.memref_squeeze %dma_wait3A_125 : memref<1x128xi32, #tpu.memory_space<vmem>> -> memref<128xi32, #tpu.memory_space<vmem>>
        %dma_wait3A_127 = arith.constant 0 : i32
        %dma_wait3A_128 = arith.constant 0 : i32
        %dma_wait3A_129 = tpu.memref_slice %arg11[%dma_wait3A_127, %dma_wait3A_128] : memref<10112x128xf32, #tpu.memory_space<vmem_shared>> -> memref<10112x128xf32, #tpu.memory_space<vmem_shared>>
        tpu.wait_indirect_dma semaphore(%run_scoped3A : memref<!tpu.dma_semaphore, #tpu.memory_space<semaphore_mem>>) src(%arg9 : memref<128x128xf32, #tpu.memory_space<vmem>>) dst(%dma_wait3A_129 : memref<10112x128xf32, #tpu.memory_space<vmem_shared>>)
        tpu.yield
      }) : () -> ()
      %lt3A = arith.constant 19 : i32
      %lt3A_94 = arith.cmpi slt, %scan3A_54, %lt3A : i32
      %convert_element_type3A = arith.extui %lt3A_94 : i1 to i32
      %cond3A = arith.constant 0 : i32
      %cond3A_95 = arith.cmpi ne, %convert_element_type3A, %cond3A : i32
      scf.if %cond3A_95 {
        %add3A_118 = arith.constant 2 : i32
        %add3A_119 = arith.addi %mul3A_56, %add3A_118 : i32
        %dma_start3A_120 = arith.constant 0 : i32
        %dma_start3A_121 = arith.constant 0 : i32
        %dma_start3A_122 = tpu.memref_slice %arg9[%dma_start3A_120, %dma_start3A_121] : memref<128x128xf32, #tpu.memory_space<vmem>> -> memref<64x128xf32, #tpu.memory_space<vmem>>
        %dma_start3A_123 = arith.constant 0 : i32
        %dma_start3A_124 = tpu.memref_slice %arg7[%add3A_119, %dma_start3A_123] : memref<40x128xi32, #tpu.memory_space<vmem>> -> memref<1x64xi32, #tpu.memory_space<vmem>>
        %dma_start3A_125 = tpu.memref_squeeze %dma_start3A_124 : memref<1x64xi32, #tpu.memory_space<vmem>> -> memref<64xi32, #tpu.memory_space<vmem>>
        %dma_start3A_126 = arith.constant 0 : i32
        %dma_start3A_127 = arith.constant 0 : i32
        %dma_start3A_128 = tpu.memref_slice %arg2[%dma_start3A_126, %dma_start3A_127] : memref<10000x128xf32, #tpu.memory_space<hbm>> -> memref<10000x128xf32, #tpu.memory_space<hbm>>
        tpu.enqueue_indirect_dma source(%dma_start3A_128 : memref<10000x128xf32, #tpu.memory_space<hbm>>) target(%dma_start3A_122 : memref<64x128xf32, #tpu.memory_space<vmem>>) offsets(%dma_start3A_125 : memref<64xi32, #tpu.memory_space<vmem>>) semaphore(%arg12 : memref<!tpu.dma_semaphore, #tpu.memory_space<semaphore_mem>>)
        %dma_start3A_129 = arith.constant 64 : i32
        %dma_start3A_130 = arith.constant 0 : i32
        %dma_start3A_131 = tpu.memref_slice %arg9[%dma_start3A_129, %dma_start3A_130] : memref<128x128xf32, #tpu.memory_space<vmem>> -> memref<64x128xf32, #tpu.memory_space<vmem>>
        %dma_start3A_132 = arith.constant 64 : i32
        %dma_start3A_133 = tpu.memref_slice %arg7[%add3A_119, %dma_start3A_132] : memref<40x128xi32, #tpu.memory_space<vmem>> -> memref<1x64xi32, #tpu.memory_space<vmem>>
        %dma_start3A_134 = tpu.memref_squeeze %dma_start3A_133 : memref<1x64xi32, #tpu.memory_space<vmem>> -> memref<64xi32, #tpu.memory_space<vmem>>
        %dma_start3A_135 = arith.constant 0 : i32
        %dma_start3A_136 = arith.constant 0 : i32
        %dma_start3A_137 = tpu.memref_slice %arg2[%dma_start3A_135, %dma_start3A_136] : memref<10000x128xf32, #tpu.memory_space<hbm>> -> memref<10000x128xf32, #tpu.memory_space<hbm>>
        tpu.enqueue_indirect_dma source(%dma_start3A_137 : memref<10000x128xf32, #tpu.memory_space<hbm>>) target(%dma_start3A_131 : memref<64x128xf32, #tpu.memory_space<vmem>>) offsets(%dma_start3A_134 : memref<64xi32, #tpu.memory_space<vmem>>) semaphore(%arg12 : memref<!tpu.dma_semaphore, #tpu.memory_space<semaphore_mem>>)
      } else {
      }
      %add3A_96 = arith.constant 1 : i32
      %add3A_97 = arith.addi %mul3A_56, %add3A_96 : i32
      %dma_wait3A_98 = arith.constant 0 : i32
      %dma_wait3A_99 = arith.constant 0 : i32
      %dma_wait3A_100 = tpu.memref_slice %arg10[%dma_wait3A_98, %dma_wait3A_99] : memref<128x128xf32, #tpu.memory_space<vmem>> -> memref<64x128xf32, #tpu.memory_space<vmem>>
      %dma_wait3A_101 = arith.constant 0 : i32
      %dma_wait3A_102 = tpu.memref_slice %arg7[%add3A_97, %dma_wait3A_101] : memref<40x128xi32, #tpu.memory_space<vmem>> -> memref<1x64xi32, #tpu.memory_space<vmem>>
      %dma_wait3A_103 = tpu.memref_squeeze %dma_wait3A_102 : memref<1x64xi32, #tpu.memory_space<vmem>> -> memref<64xi32, #tpu.memory_space<vmem>>
      %dma_wait3A_104 = arith.constant 0 : i32
      %dma_wait3A_105 = arith.constant 0 : i32
      %dma_wait3A_106 = tpu.memref_slice %arg2[%dma_wait3A_104, %dma_wait3A_105] : memref<10000x128xf32, #tpu.memory_space<hbm>> -> memref<10000x128xf32, #tpu.memory_space<hbm>>
      tpu.wait_indirect_dma semaphore(%arg13 : memref<!tpu.dma_semaphore, #tpu.memory_space<semaphore_mem>>) src(%dma_wait3A_106 : memref<10000x128xf32, #tpu.memory_space<hbm>>) dst(%dma_wait3A_100 : memref<64x128xf32, #tpu.memory_space<vmem>>)
      %dma_wait3A_107 = arith.constant 64 : i32
      %dma_wait3A_108 = arith.constant 0 : i32
      %dma_wait3A_109 = tpu.memref_slice %arg10[%dma_wait3A_107, %dma_wait3A_108] : memref<128x128xf32, #tpu.memory_space<vmem>> -> memref<64x128xf32, #tpu.memory_space<vmem>>
      %dma_wait3A_110 = arith.constant 64 : i32
      %dma_wait3A_111 = tpu.memref_slice %arg7[%add3A_97, %dma_wait3A_110] : memref<40x128xi32, #tpu.memory_space<vmem>> -> memref<1x64xi32, #tpu.memory_space<vmem>>
      %dma_wait3A_112 = tpu.memref_squeeze %dma_wait3A_111 : memref<1x64xi32, #tpu.memory_space<vmem>> -> memref<64xi32, #tpu.memory_space<vmem>>
      %dma_wait3A_113 = arith.constant 0 : i32
      %dma_wait3A_114 = arith.constant 0 : i32
      %dma_wait3A_115 = tpu.memref_slice %arg2[%dma_wait3A_113, %dma_wait3A_114] : memref<10000x128xf32, #tpu.memory_space<hbm>> -> memref<10000x128xf32, #tpu.memory_space<hbm>>
      tpu.wait_indirect_dma semaphore(%arg13 : memref<!tpu.dma_semaphore, #tpu.memory_space<semaphore_mem>>) src(%dma_wait3A_115 : memref<10000x128xf32, #tpu.memory_space<hbm>>) dst(%dma_wait3A_109 : memref<64x128xf32, #tpu.memory_space<vmem>>)
      %add3A_116 = arith.constant 1 : i32
      %add3A_117 = arith.addi %mul3A_56, %add3A_116 : i32
      "tpu.region"() ({
        %run_scoped3A = tpu.sem_alloc : memref<!tpu.dma_semaphore, #tpu.memory_space<semaphore_mem>>
        %dma_start3A_118 = arith.constant 0 : i32
        %dma_start3A_119 = tpu.memref_slice %arg8[%add3A_117, %dma_start3A_118] : memref<40x128xi32, #tpu.memory_space<vmem>> -> memref<1x128xi32, #tpu.memory_space<vmem>>
        %dma_start3A_120 = tpu.memref_squeeze %dma_start3A_119 : memref<1x128xi32, #tpu.memory_space<vmem>> -> memref<128xi32, #tpu.memory_space<vmem>>
        %dma_start3A_121 = arith.constant 0 : i32
        %dma_start3A_122 = arith.constant 0 : i32
        %dma_start3A_123 = tpu.memref_slice %arg11[%dma_start3A_121, %dma_start3A_122] : memref<10112x128xf32, #tpu.memory_space<vmem_shared>> -> memref<10112x128xf32, #tpu.memory_space<vmem_shared>>
        tpu.enqueue_indirect_dma source(%arg10 : memref<128x128xf32, #tpu.memory_space<vmem>>) target(%dma_start3A_123 : memref<10112x128xf32, #tpu.memory_space<vmem_shared>>) offsets(%dma_start3A_120 : memref<128xi32, #tpu.memory_space<vmem>>) semaphore(%run_scoped3A : memref<!tpu.dma_semaphore, #tpu.memory_space<semaphore_mem>>) {add = true}
        %dma_wait3A_124 = arith.constant 0 : i32
        %dma_wait3A_125 = tpu.memref_slice %arg8[%add3A_117, %dma_wait3A_124] : memref<40x128xi32, #tpu.memory_space<vmem>> -> memref<1x128xi32, #tpu.memory_space<vmem>>
        %dma_wait3A_126 = tpu.memref_squeeze %dma_wait3A_125 : memref<1x128xi32, #tpu.memory_space<vmem>> -> memref<128xi32, #tpu.memory_space<vmem>>
        %dma_wait3A_127 = arith.constant 0 : i32
        %dma_wait3A_128 = arith.constant 0 : i32
        %dma_wait3A_129 = tpu.memref_slice %arg11[%dma_wait3A_127, %dma_wait3A_128] : memref<10112x128xf32, #tpu.memory_space<vmem_shared>> -> memref<10112x128xf32, #tpu.memory_space<vmem_shared>>
        tpu.wait_indirect_dma semaphore(%run_scoped3A : memref<!tpu.dma_semaphore, #tpu.memory_space<semaphore_mem>>) src(%arg10 : memref<128x128xf32, #tpu.memory_space<vmem>>) dst(%dma_wait3A_129 : memref<10112x128xf32, #tpu.memory_space<vmem_shared>>)
        tpu.yield
      }) : () -> ()
    }
    %scan3A_26 = arith.constant 20 : i32
    "tpu.region"() ({
      %run_scoped3A = tpu.sem_alloc : memref<!tpu.dma_semaphore, #tpu.memory_space<semaphore_mem>>
      %dma_start3A_54 = arith.constant 40 : i32
      %dma_start3A_55 = arith.constant 0 : i32
      %dma_start3A_56 = tpu.memref_slice %arg3[%add3A, %dma_start3A_54, %dma_start3A_55] : memref<32x80x128xi32, #tpu.memory_space<hbm>> -> memref<1x40x128xi32, #tpu.memory_space<hbm>>
      %dma_start3A_57 = tpu.memref_squeeze %dma_start3A_56 : memref<1x40x128xi32, #tpu.memory_space<hbm>> -> memref<40x128xi32, #tpu.memory_space<hbm>>
      %dma_start3A_58 = arith.constant 40 : i32
      %dma_start3A_59 = arith.constant 0 : i32
      %dma_start3A_60 = tpu.memref_slice %arg3[%add3A, %dma_start3A_58, %dma_start3A_59] : memref<32x80x128xi32, #tpu.memory_space<hbm>> -> memref<1x40x128xi32, #tpu.memory_space<hbm>>
      %dma_start3A_61 = tpu.memref_squeeze %dma_start3A_60 : memref<1x40x128xi32, #tpu.memory_space<hbm>> -> memref<40x128xi32, #tpu.memory_space<hbm>>
      tpu.enqueue_dma source(%dma_start3A_61 : memref<40x128xi32, #tpu.memory_space<hbm>>) target(%arg7 : memref<40x128xi32, #tpu.memory_space<vmem>>) target_semaphore(%run_scoped3A : memref<!tpu.dma_semaphore, #tpu.memory_space<semaphore_mem>>)
      %dma_wait3A = arith.constant 40 : i32
      %dma_wait3A_62 = arith.constant 0 : i32
      %dma_wait3A_63 = tpu.memref_slice %arg3[%add3A, %dma_wait3A, %dma_wait3A_62] : memref<32x80x128xi32, #tpu.memory_space<hbm>> -> memref<1x40x128xi32, #tpu.memory_space<hbm>>
      %dma_wait3A_64 = tpu.memref_squeeze %dma_wait3A_63 : memref<1x40x128xi32, #tpu.memory_space<hbm>> -> memref<40x128xi32, #tpu.memory_space<hbm>>
      %dma_wait3A_65 = arith.constant 40 : i32
      %dma_wait3A_66 = arith.constant 0 : i32
      %dma_wait3A_67 = tpu.memref_slice %arg3[%add3A, %dma_wait3A_65, %dma_wait3A_66] : memref<32x80x128xi32, #tpu.memory_space<hbm>> -> memref<1x40x128xi32, #tpu.memory_space<hbm>>
      %dma_wait3A_68 = tpu.memref_squeeze %dma_wait3A_67 : memref<1x40x128xi32, #tpu.memory_space<hbm>> -> memref<40x128xi32, #tpu.memory_space<hbm>>
      tpu.wait_dma2 semaphore(%run_scoped3A : memref<!tpu.dma_semaphore, #tpu.memory_space<semaphore_mem>>) src(%dma_wait3A_68 : memref<40x128xi32, #tpu.memory_space<hbm>>) dst(%arg7 : memref<40x128xi32, #tpu.memory_space<vmem>>)
      tpu.yield
    }) : () -> ()
    "tpu.region"() ({
      %run_scoped3A = tpu.sem_alloc : memref<!tpu.dma_semaphore, #tpu.memory_space<semaphore_mem>>
      %dma_start3A_54 = arith.constant 40 : i32
      %dma_start3A_55 = arith.constant 0 : i32
      %dma_start3A_56 = tpu.memref_slice %arg4[%add3A, %dma_start3A_54, %dma_start3A_55] : memref<32x80x128xi32, #tpu.memory_space<hbm>> -> memref<1x40x128xi32, #tpu.memory_space<hbm>>
      %dma_start3A_57 = tpu.memref_squeeze %dma_start3A_56 : memref<1x40x128xi32, #tpu.memory_space<hbm>> -> memref<40x128xi32, #tpu.memory_space<hbm>>
      %dma_start3A_58 = arith.constant 40 : i32
      %dma_start3A_59 = arith.constant 0 : i32
      %dma_start3A_60 = tpu.memref_slice %arg4[%add3A, %dma_start3A_58, %dma_start3A_59] : memref<32x80x128xi32, #tpu.memory_space<hbm>> -> memref<1x40x128xi32, #tpu.memory_space<hbm>>
      %dma_start3A_61 = tpu.memref_squeeze %dma_start3A_60 : memref<1x40x128xi32, #tpu.memory_space<hbm>> -> memref<40x128xi32, #tpu.memory_space<hbm>>
      tpu.enqueue_dma source(%dma_start3A_61 : memref<40x128xi32, #tpu.memory_space<hbm>>) target(%arg8 : memref<40x128xi32, #tpu.memory_space<vmem>>) target_semaphore(%run_scoped3A : memref<!tpu.dma_semaphore, #tpu.memory_space<semaphore_mem>>)
      %dma_wait3A = arith.constant 40 : i32
      %dma_wait3A_62 = arith.constant 0 : i32
      %dma_wait3A_63 = tpu.memref_slice %arg4[%add3A, %dma_wait3A, %dma_wait3A_62] : memref<32x80x128xi32, #tpu.memory_space<hbm>> -> memref<1x40x128xi32, #tpu.memory_space<hbm>>
      %dma_wait3A_64 = tpu.memref_squeeze %dma_wait3A_63 : memref<1x40x128xi32, #tpu.memory_space<hbm>> -> memref<40x128xi32, #tpu.memory_space<hbm>>
      %dma_wait3A_65 = arith.constant 40 : i32
      %dma_wait3A_66 = arith.constant 0 : i32
      %dma_wait3A_67 = tpu.memref_slice %arg4[%add3A, %dma_wait3A_65, %dma_wait3A_66] : memref<32x80x128xi32, #tpu.memory_space<hbm>> -> memref<1x40x128xi32, #tpu.memory_space<hbm>>
      %dma_wait3A_68 = tpu.memref_squeeze %dma_wait3A_67 : memref<1x40x128xi32, #tpu.memory_space<hbm>> -> memref<40x128xi32, #tpu.memory_space<hbm>>
      tpu.wait_dma2 semaphore(%run_scoped3A : memref<!tpu.dma_semaphore, #tpu.memory_space<semaphore_mem>>) src(%dma_wait3A_68 : memref<40x128xi32, #tpu.memory_space<hbm>>) dst(%arg8 : memref<40x128xi32, #tpu.memory_space<vmem>>)
      tpu.yield
    }) : () -> ()
    %dma_start3A_27 = arith.constant 0 : i32
    %dma_start3A_28 = arith.constant 0 : i32
    %dma_start3A_29 = arith.constant 0 : i32
    %dma_start3A_30 = tpu.memref_slice %arg9[%dma_start3A_28, %dma_start3A_29] : memref<128x128xf32, #tpu.memory_space<vmem>> -> memref<64x128xf32, #tpu.memory_space<vmem>>
    %dma_start3A_31 = arith.constant 0 : i32
    %dma_start3A_32 = tpu.memref_slice %arg7[%dma_start3A_27, %dma_start3A_31] : memref<40x128xi32, #tpu.memory_space<vmem>> -> memref<1x64xi32, #tpu.memory_space<vmem>>
    %dma_start3A_33 = tpu.memref_squeeze %dma_start3A_32 : memref<1x64xi32, #tpu.memory_space<vmem>> -> memref<64xi32, #tpu.memory_space<vmem>>
    %dma_start3A_34 = arith.constant 0 : i32
    %dma_start3A_35 = arith.constant 0 : i32
    %dma_start3A_36 = tpu.memref_slice %arg2[%dma_start3A_34, %dma_start3A_35] : memref<10000x128xf32, #tpu.memory_space<hbm>> -> memref<10000x128xf32, #tpu.memory_space<hbm>>
    tpu.enqueue_indirect_dma source(%dma_start3A_36 : memref<10000x128xf32, #tpu.memory_space<hbm>>) target(%dma_start3A_30 : memref<64x128xf32, #tpu.memory_space<vmem>>) offsets(%dma_start3A_33 : memref<64xi32, #tpu.memory_space<vmem>>) semaphore(%arg12 : memref<!tpu.dma_semaphore, #tpu.memory_space<semaphore_mem>>)
    %dma_start3A_37 = arith.constant 0 : i32
    %dma_start3A_38 = arith.constant 64 : i32
    %dma_start3A_39 = arith.constant 0 : i32
    %dma_start3A_40 = tpu.memref_slice %arg9[%dma_start3A_38, %dma_start3A_39] : memref<128x128xf32, #tpu.memory_space<vmem>> -> memref<64x128xf32, #tpu.memory_space<vmem>>
    %dma_start3A_41 = arith.constant 64 : i32
    %dma_start3A_42 = tpu.memref_slice %arg7[%dma_start3A_37, %dma_start3A_41] : memref<40x128xi32, #tpu.memory_space<vmem>> -> memref<1x64xi32, #tpu.memory_space<vmem>>
    %dma_start3A_43 = tpu.memref_squeeze %dma_start3A_42 : memref<1x64xi32, #tpu.memory_space<vmem>> -> memref<64xi32, #tpu.memory_space<vmem>>
    %dma_start3A_44 = arith.constant 0 : i32
    %dma_start3A_45 = arith.constant 0 : i32
    %dma_start3A_46 = tpu.memref_slice %arg2[%dma_start3A_44, %dma_start3A_45] : memref<10000x128xf32, #tpu.memory_space<hbm>> -> memref<10000x128xf32, #tpu.memory_space<hbm>>
    tpu.enqueue_indirect_dma source(%dma_start3A_46 : memref<10000x128xf32, #tpu.memory_space<hbm>>) target(%dma_start3A_40 : memref<64x128xf32, #tpu.memory_space<vmem>>) offsets(%dma_start3A_43 : memref<64xi32, #tpu.memory_space<vmem>>) semaphore(%arg12 : memref<!tpu.dma_semaphore, #tpu.memory_space<semaphore_mem>>)
    %scan3A_47 = arith.constant 0 : i32
    %scan3A_48 = arith.constant 0 : i32
    %scan3A_49 = arith.constant 20 : i32
    %scan3A_50 = arith.addi %scan3A_48, %scan3A_49 : i32
    %scan3A_51 = arith.constant 1 : i32
    scf.for %scan3A_54 = %scan3A_48 to %scan3A_50 step %scan3A_51  : i32 {
      %mul3A_55 = arith.constant 2 : i32
      %mul3A_56 = arith.muli %mul3A_55, %scan3A_54 : i32
      %add3A_57 = arith.constant 1 : i32
      %add3A_58 = arith.addi %mul3A_56, %add3A_57 : i32
      %dma_start3A_59 = arith.constant 0 : i32
      %dma_start3A_60 = arith.constant 0 : i32
      %dma_start3A_61 = tpu.memref_slice %arg10[%dma_start3A_59, %dma_start3A_60] : memref<128x128xf32, #tpu.memory_space<vmem>> -> memref<64x128xf32, #tpu.memory_space<vmem>>
      %dma_start3A_62 = arith.constant 0 : i32
      %dma_start3A_63 = tpu.memref_slice %arg7[%add3A_58, %dma_start3A_62] : memref<40x128xi32, #tpu.memory_space<vmem>> -> memref<1x64xi32, #tpu.memory_space<vmem>>
      %dma_start3A_64 = tpu.memref_squeeze %dma_start3A_63 : memref<1x64xi32, #tpu.memory_space<vmem>> -> memref<64xi32, #tpu.memory_space<vmem>>
      %dma_start3A_65 = arith.constant 0 : i32
      %dma_start3A_66 = arith.constant 0 : i32
      %dma_start3A_67 = tpu.memref_slice %arg2[%dma_start3A_65, %dma_start3A_66] : memref<10000x128xf32, #tpu.memory_space<hbm>> -> memref<10000x128xf32, #tpu.memory_space<hbm>>
      tpu.enqueue_indirect_dma source(%dma_start3A_67 : memref<10000x128xf32, #tpu.memory_space<hbm>>) target(%dma_start3A_61 : memref<64x128xf32, #tpu.memory_space<vmem>>) offsets(%dma_start3A_64 : memref<64xi32, #tpu.memory_space<vmem>>) semaphore(%arg13 : memref<!tpu.dma_semaphore, #tpu.memory_space<semaphore_mem>>)
      %dma_start3A_68 = arith.constant 64 : i32
      %dma_start3A_69 = arith.constant 0 : i32
      %dma_start3A_70 = tpu.memref_slice %arg10[%dma_start3A_68, %dma_start3A_69] : memref<128x128xf32, #tpu.memory_space<vmem>> -> memref<64x128xf32, #tpu.memory_space<vmem>>
      %dma_start3A_71 = arith.constant 64 : i32
      %dma_start3A_72 = tpu.memref_slice %arg7[%add3A_58, %dma_start3A_71] : memref<40x128xi32, #tpu.memory_space<vmem>> -> memref<1x64xi32, #tpu.memory_space<vmem>>
      %dma_start3A_73 = tpu.memref_squeeze %dma_start3A_72 : memref<1x64xi32, #tpu.memory_space<vmem>> -> memref<64xi32, #tpu.memory_space<vmem>>
      %dma_start3A_74 = arith.constant 0 : i32
      %dma_start3A_75 = arith.constant 0 : i32
      %dma_start3A_76 = tpu.memref_slice %arg2[%dma_start3A_74, %dma_start3A_75] : memref<10000x128xf32, #tpu.memory_space<hbm>> -> memref<10000x128xf32, #tpu.memory_space<hbm>>
      tpu.enqueue_indirect_dma source(%dma_start3A_76 : memref<10000x128xf32, #tpu.memory_space<hbm>>) target(%dma_start3A_70 : memref<64x128xf32, #tpu.memory_space<vmem>>) offsets(%dma_start3A_73 : memref<64xi32, #tpu.memory_space<vmem>>) semaphore(%arg13 : memref<!tpu.dma_semaphore, #tpu.memory_space<semaphore_mem>>)
      %dma_wait3A = arith.constant 0 : i32
      %dma_wait3A_77 = arith.constant 0 : i32
      %dma_wait3A_78 = tpu.memref_slice %arg9[%dma_wait3A, %dma_wait3A_77] : memref<128x128xf32, #tpu.memory_space<vmem>> -> memref<64x128xf32, #tpu.memory_space<vmem>>
      %dma_wait3A_79 = arith.constant 0 : i32
      %dma_wait3A_80 = tpu.memref_slice %arg7[%mul3A_56, %dma_wait3A_79] : memref<40x128xi32, #tpu.memory_space<vmem>> -> memref<1x64xi32, #tpu.memory_space<vmem>>
      %dma_wait3A_81 = tpu.memref_squeeze %dma_wait3A_80 : memref<1x64xi32, #tpu.memory_space<vmem>> -> memref<64xi32, #tpu.memory_space<vmem>>
      %dma_wait3A_82 = arith.constant 0 : i32
      %dma_wait3A_83 = arith.constant 0 : i32
      %dma_wait3A_84 = tpu.memref_slice %arg2[%dma_wait3A_82, %dma_wait3A_83] : memref<10000x128xf32, #tpu.memory_space<hbm>> -> memref<10000x128xf32, #tpu.memory_space<hbm>>
      tpu.wait_indirect_dma semaphore(%arg12 : memref<!tpu.dma_semaphore, #tpu.memory_space<semaphore_mem>>) src(%dma_wait3A_84 : memref<10000x128xf32, #tpu.memory_space<hbm>>) dst(%dma_wait3A_78 : memref<64x128xf32, #tpu.memory_space<vmem>>)
      %dma_wait3A_85 = arith.constant 64 : i32
      %dma_wait3A_86 = arith.constant 0 : i32
      %dma_wait3A_87 = tpu.memref_slice %arg9[%dma_wait3A_85, %dma_wait3A_86] : memref<128x128xf32, #tpu.memory_space<vmem>> -> memref<64x128xf32, #tpu.memory_space<vmem>>
      %dma_wait3A_88 = arith.constant 64 : i32
      %dma_wait3A_89 = tpu.memref_slice %arg7[%mul3A_56, %dma_wait3A_88] : memref<40x128xi32, #tpu.memory_space<vmem>> -> memref<1x64xi32, #tpu.memory_space<vmem>>
      %dma_wait3A_90 = tpu.memref_squeeze %dma_wait3A_89 : memref<1x64xi32, #tpu.memory_space<vmem>> -> memref<64xi32, #tpu.memory_space<vmem>>
      %dma_wait3A_91 = arith.constant 0 : i32
      %dma_wait3A_92 = arith.constant 0 : i32
      %dma_wait3A_93 = tpu.memref_slice %arg2[%dma_wait3A_91, %dma_wait3A_92] : memref<10000x128xf32, #tpu.memory_space<hbm>> -> memref<10000x128xf32, #tpu.memory_space<hbm>>
      tpu.wait_indirect_dma semaphore(%arg12 : memref<!tpu.dma_semaphore, #tpu.memory_space<semaphore_mem>>) src(%dma_wait3A_93 : memref<10000x128xf32, #tpu.memory_space<hbm>>) dst(%dma_wait3A_87 : memref<64x128xf32, #tpu.memory_space<vmem>>)
      "tpu.region"() ({
        %run_scoped3A = tpu.sem_alloc : memref<!tpu.dma_semaphore, #tpu.memory_space<semaphore_mem>>
        %dma_start3A_118 = arith.constant 0 : i32
        %dma_start3A_119 = tpu.memref_slice %arg8[%mul3A_56, %dma_start3A_118] : memref<40x128xi32, #tpu.memory_space<vmem>> -> memref<1x128xi32, #tpu.memory_space<vmem>>
        %dma_start3A_120 = tpu.memref_squeeze %dma_start3A_119 : memref<1x128xi32, #tpu.memory_space<vmem>> -> memref<128xi32, #tpu.memory_space<vmem>>
        %dma_start3A_121 = arith.constant 0 : i32
        %dma_start3A_122 = arith.constant 0 : i32
        %dma_start3A_123 = tpu.memref_slice %arg11[%dma_start3A_121, %dma_start3A_122] : memref<10112x128xf32, #tpu.memory_space<vmem_shared>> -> memref<10112x128xf32, #tpu.memory_space<vmem_shared>>
        tpu.enqueue_indirect_dma source(%arg9 : memref<128x128xf32, #tpu.memory_space<vmem>>) target(%dma_start3A_123 : memref<10112x128xf32, #tpu.memory_space<vmem_shared>>) offsets(%dma_start3A_120 : memref<128xi32, #tpu.memory_space<vmem>>) semaphore(%run_scoped3A : memref<!tpu.dma_semaphore, #tpu.memory_space<semaphore_mem>>) {add = true}
        %dma_wait3A_124 = arith.constant 0 : i32
        %dma_wait3A_125 = tpu.memref_slice %arg8[%mul3A_56, %dma_wait3A_124] : memref<40x128xi32, #tpu.memory_space<vmem>> -> memref<1x128xi32, #tpu.memory_space<vmem>>
        %dma_wait3A_126 = tpu.memref_squeeze %dma_wait3A_125 : memref<1x128xi32, #tpu.memory_space<vmem>> -> memref<128xi32, #tpu.memory_space<vmem>>
        %dma_wait3A_127 = arith.constant 0 : i32
        %dma_wait3A_128 = arith.constant 0 : i32
        %dma_wait3A_129 = tpu.memref_slice %arg11[%dma_wait3A_127, %dma_wait3A_128] : memref<10112x128xf32, #tpu.memory_space<vmem_shared>> -> memref<10112x128xf32, #tpu.memory_space<vmem_shared>>
        tpu.wait_indirect_dma semaphore(%run_scoped3A : memref<!tpu.dma_semaphore, #tpu.memory_space<semaphore_mem>>) src(%arg9 : memref<128x128xf32, #tpu.memory_space<vmem>>) dst(%dma_wait3A_129 : memref<10112x128xf32, #tpu.memory_space<vmem_shared>>)
        tpu.yield
      }) : () -> ()
      %lt3A = arith.constant 19 : i32
      %lt3A_94 = arith.cmpi slt, %scan3A_54, %lt3A : i32
      %convert_element_type3A = arith.extui %lt3A_94 : i1 to i32
      %cond3A = arith.constant 0 : i32
      %cond3A_95 = arith.cmpi ne, %convert_element_type3A, %cond3A : i32
      scf.if %cond3A_95 {
        %add3A_118 = arith.constant 2 : i32
        %add3A_119 = arith.addi %mul3A_56, %add3A_118 : i32
        %dma_start3A_120 = arith.constant 0 : i32
        %dma_start3A_121 = arith.constant 0 : i32
        %dma_start3A_122 = tpu.memref_slice %arg9[%dma_start3A_120, %dma_start3A_121] : memref<128x128xf32, #tpu.memory_space<vmem>> -> memref<64x128xf32, #tpu.memory_space<vmem>>
        %dma_start3A_123 = arith.constant 0 : i32
        %dma_start3A_124 = tpu.memref_slice %arg7[%add3A_119, %dma_start3A_123] : memref<40x128xi32, #tpu.memory_space<vmem>> -> memref<1x64xi32, #tpu.memory_space<vmem>>
        %dma_start3A_125 = tpu.memref_squeeze %dma_start3A_124 : memref<1x64xi32, #tpu.memory_space<vmem>> -> memref<64xi32, #tpu.memory_space<vmem>>
        %dma_start3A_126 = arith.constant 0 : i32
        %dma_start3A_127 = arith.constant 0 : i32
        %dma_start3A_128 = tpu.memref_slice %arg2[%dma_start3A_126, %dma_start3A_127] : memref<10000x128xf32, #tpu.memory_space<hbm>> -> memref<10000x128xf32, #tpu.memory_space<hbm>>
        tpu.enqueue_indirect_dma source(%dma_start3A_128 : memref<10000x128xf32, #tpu.memory_space<hbm>>) target(%dma_start3A_122 : memref<64x128xf32, #tpu.memory_space<vmem>>) offsets(%dma_start3A_125 : memref<64xi32, #tpu.memory_space<vmem>>) semaphore(%arg12 : memref<!tpu.dma_semaphore, #tpu.memory_space<semaphore_mem>>)
        %dma_start3A_129 = arith.constant 64 : i32
        %dma_start3A_130 = arith.constant 0 : i32
        %dma_start3A_131 = tpu.memref_slice %arg9[%dma_start3A_129, %dma_start3A_130] : memref<128x128xf32, #tpu.memory_space<vmem>> -> memref<64x128xf32, #tpu.memory_space<vmem>>
        %dma_start3A_132 = arith.constant 64 : i32
        %dma_start3A_133 = tpu.memref_slice %arg7[%add3A_119, %dma_start3A_132] : memref<40x128xi32, #tpu.memory_space<vmem>> -> memref<1x64xi32, #tpu.memory_space<vmem>>
        %dma_start3A_134 = tpu.memref_squeeze %dma_start3A_133 : memref<1x64xi32, #tpu.memory_space<vmem>> -> memref<64xi32, #tpu.memory_space<vmem>>
        %dma_start3A_135 = arith.constant 0 : i32
        %dma_start3A_136 = arith.constant 0 : i32
        %dma_start3A_137 = tpu.memref_slice %arg2[%dma_start3A_135, %dma_start3A_136] : memref<10000x128xf32, #tpu.memory_space<hbm>> -> memref<10000x128xf32, #tpu.memory_space<hbm>>
        tpu.enqueue_indirect_dma source(%dma_start3A_137 : memref<10000x128xf32, #tpu.memory_space<hbm>>) target(%dma_start3A_131 : memref<64x128xf32, #tpu.memory_space<vmem>>) offsets(%dma_start3A_134 : memref<64xi32, #tpu.memory_space<vmem>>) semaphore(%arg12 : memref<!tpu.dma_semaphore, #tpu.memory_space<semaphore_mem>>)
      } else {
      }
      %add3A_96 = arith.constant 1 : i32
      %add3A_97 = arith.addi %mul3A_56, %add3A_96 : i32
      %dma_wait3A_98 = arith.constant 0 : i32
      %dma_wait3A_99 = arith.constant 0 : i32
      %dma_wait3A_100 = tpu.memref_slice %arg10[%dma_wait3A_98, %dma_wait3A_99] : memref<128x128xf32, #tpu.memory_space<vmem>> -> memref<64x128xf32, #tpu.memory_space<vmem>>
      %dma_wait3A_101 = arith.constant 0 : i32
      %dma_wait3A_102 = tpu.memref_slice %arg7[%add3A_97, %dma_wait3A_101] : memref<40x128xi32, #tpu.memory_space<vmem>> -> memref<1x64xi32, #tpu.memory_space<vmem>>
      %dma_wait3A_103 = tpu.memref_squeeze %dma_wait3A_102 : memref<1x64xi32, #tpu.memory_space<vmem>> -> memref<64xi32, #tpu.memory_space<vmem>>
      %dma_wait3A_104 = arith.constant 0 : i32
      %dma_wait3A_105 = arith.constant 0 : i32
      %dma_wait3A_106 = tpu.memref_slice %arg2[%dma_wait3A_104, %dma_wait3A_105] : memref<10000x128xf32, #tpu.memory_space<hbm>> -> memref<10000x128xf32, #tpu.memory_space<hbm>>
      tpu.wait_indirect_dma semaphore(%arg13 : memref<!tpu.dma_semaphore, #tpu.memory_space<semaphore_mem>>) src(%dma_wait3A_106 : memref<10000x128xf32, #tpu.memory_space<hbm>>) dst(%dma_wait3A_100 : memref<64x128xf32, #tpu.memory_space<vmem>>)
      %dma_wait3A_107 = arith.constant 64 : i32
      %dma_wait3A_108 = arith.constant 0 : i32
      %dma_wait3A_109 = tpu.memref_slice %arg10[%dma_wait3A_107, %dma_wait3A_108] : memref<128x128xf32, #tpu.memory_space<vmem>> -> memref<64x128xf32, #tpu.memory_space<vmem>>
      %dma_wait3A_110 = arith.constant 64 : i32
      %dma_wait3A_111 = tpu.memref_slice %arg7[%add3A_97, %dma_wait3A_110] : memref<40x128xi32, #tpu.memory_space<vmem>> -> memref<1x64xi32, #tpu.memory_space<vmem>>
      %dma_wait3A_112 = tpu.memref_squeeze %dma_wait3A_111 : memref<1x64xi32, #tpu.memory_space<vmem>> -> memref<64xi32, #tpu.memory_space<vmem>>
      %dma_wait3A_113 = arith.constant 0 : i32
      %dma_wait3A_114 = arith.constant 0 : i32
      %dma_wait3A_115 = tpu.memref_slice %arg2[%dma_wait3A_113, %dma_wait3A_114] : memref<10000x128xf32, #tpu.memory_space<hbm>> -> memref<10000x128xf32, #tpu.memory_space<hbm>>
      tpu.wait_indirect_dma semaphore(%arg13 : memref<!tpu.dma_semaphore, #tpu.memory_space<semaphore_mem>>) src(%dma_wait3A_115 : memref<10000x128xf32, #tpu.memory_space<hbm>>) dst(%dma_wait3A_109 : memref<64x128xf32, #tpu.memory_space<vmem>>)
      %add3A_116 = arith.constant 1 : i32
      %add3A_117 = arith.addi %mul3A_56, %add3A_116 : i32
      "tpu.region"() ({
        %run_scoped3A = tpu.sem_alloc : memref<!tpu.dma_semaphore, #tpu.memory_space<semaphore_mem>>
        %dma_start3A_118 = arith.constant 0 : i32
        %dma_start3A_119 = tpu.memref_slice %arg8[%add3A_117, %dma_start3A_118] : memref<40x128xi32, #tpu.memory_space<vmem>> -> memref<1x128xi32, #tpu.memory_space<vmem>>
        %dma_start3A_120 = tpu.memref_squeeze %dma_start3A_119 : memref<1x128xi32, #tpu.memory_space<vmem>> -> memref<128xi32, #tpu.memory_space<vmem>>
        %dma_start3A_121 = arith.constant 0 : i32
        %dma_start3A_122 = arith.constant 0 : i32
        %dma_start3A_123 = tpu.memref_slice %arg11[%dma_start3A_121, %dma_start3A_122] : memref<10112x128xf32, #tpu.memory_space<vmem_shared>> -> memref<10112x128xf32, #tpu.memory_space<vmem_shared>>
        tpu.enqueue_indirect_dma source(%arg10 : memref<128x128xf32, #tpu.memory_space<vmem>>) target(%dma_start3A_123 : memref<10112x128xf32, #tpu.memory_space<vmem_shared>>) offsets(%dma_start3A_120 : memref<128xi32, #tpu.memory_space<vmem>>) semaphore(%run_scoped3A : memref<!tpu.dma_semaphore, #tpu.memory_space<semaphore_mem>>) {add = true}
        %dma_wait3A_124 = arith.constant 0 : i32
        %dma_wait3A_125 = tpu.memref_slice %arg8[%add3A_117, %dma_wait3A_124] : memref<40x128xi32, #tpu.memory_space<vmem>> -> memref<1x128xi32, #tpu.memory_space<vmem>>
        %dma_wait3A_126 = tpu.memref_squeeze %dma_wait3A_125 : memref<1x128xi32, #tpu.memory_space<vmem>> -> memref<128xi32, #tpu.memory_space<vmem>>
        %dma_wait3A_127 = arith.constant 0 : i32
        %dma_wait3A_128 = arith.constant 0 : i32
        %dma_wait3A_129 = tpu.memref_slice %arg11[%dma_wait3A_127, %dma_wait3A_128] : memref<10112x128xf32, #tpu.memory_space<vmem_shared>> -> memref<10112x128xf32, #tpu.memory_space<vmem_shared>>
        tpu.wait_indirect_dma semaphore(%run_scoped3A : memref<!tpu.dma_semaphore, #tpu.memory_space<semaphore_mem>>) src(%arg10 : memref<128x128xf32, #tpu.memory_space<vmem>>) dst(%dma_wait3A_129 : memref<10112x128xf32, #tpu.memory_space<vmem_shared>>)
        tpu.yield
      }) : () -> ()
    }
    %scan3A_52 = arith.constant 20 : i32
    %barrier3A_53 = arith.constant 0 : index
    tpu.barrier barrier_id(%barrier3A_53)
    "tpu.region"() ({
      %run_scoped3A = tpu.sem_alloc : memref<!tpu.dma_semaphore, #tpu.memory_space<semaphore_mem>>
      %dma_start3A_54 = arith.constant 0 : i32
      %dma_start3A_55 = tpu.memref_slice %arg6[%arg0, %mul3A_2, %dma_start3A_54] : memref<2x10112x128xf32, #tpu.memory_space<hbm>> -> memref<1x632x128xf32, #tpu.memory_space<hbm>>
      %dma_start3A_56 = tpu.memref_squeeze %dma_start3A_55 : memref<1x632x128xf32, #tpu.memory_space<hbm>> -> memref<632x128xf32, #tpu.memory_space<hbm>>
      %dma_start3A_57 = arith.constant 0 : i32
      %dma_start3A_58 = tpu.memref_slice %arg11[%mul3A_2, %dma_start3A_57] : memref<10112x128xf32, #tpu.memory_space<vmem_shared>> -> memref<632x128xf32, #tpu.memory_space<vmem_shared>>
      tpu.enqueue_dma source(%dma_start3A_58 : memref<632x128xf32, #tpu.memory_space<vmem_shared>>) target(%dma_start3A_56 : memref<632x128xf32, #tpu.memory_space<hbm>>) target_semaphore(%run_scoped3A : memref<!tpu.dma_semaphore, #tpu.memory_space<semaphore_mem>>)
      %dma_wait3A = arith.constant 0 : i32
      %dma_wait3A_59 = tpu.memref_slice %arg6[%arg0, %mul3A_2, %dma_wait3A] : memref<2x10112x128xf32, #tpu.memory_space<hbm>> -> memref<1x632x128xf32, #tpu.memory_space<hbm>>
      %dma_wait3A_60 = tpu.memref_squeeze %dma_wait3A_59 : memref<1x632x128xf32, #tpu.memory_space<hbm>> -> memref<632x128xf32, #tpu.memory_space<hbm>>
      %dma_wait3A_61 = arith.constant 0 : i32
      %dma_wait3A_62 = tpu.memref_slice %arg11[%mul3A_2, %dma_wait3A_61] : memref<10112x128xf32, #tpu.memory_space<vmem_shared>> -> memref<632x128xf32, #tpu.memory_space<vmem_shared>>
      tpu.wait_dma2 semaphore(%run_scoped3A : memref<!tpu.dma_semaphore, #tpu.memory_space<semaphore_mem>>) src(%dma_wait3A_62 : memref<632x128xf32, #tpu.memory_space<vmem_shared>>) dst(%dma_wait3A_60 : memref<632x128xf32, #tpu.memory_space<hbm>>)
      tpu.yield
    }) : () -> ()
    return
  }
}

#map = affine_map<(d0, d1) -> (0, 0, 0)>
#map1 = affine_map<(d0, d1) -> (0, 0)>
module attributes {stable_mosaic.version = 14 : i64} {
  func.func @body(%arg0: i32, %arg1: i32, %arg2: memref<32x80x128xi32, #tpu.memory_space<hbm>>, %arg3: memref<632x128xf32, #tpu.memory_space<hbm>>, %arg4: memref<128x128xf32, #tpu.memory_space<hbm>>, %arg5: memref<2x10112x128xf32, #tpu.memory_space<hbm>>, %arg6: memref<80x128xi32, #tpu.memory_space<vmem>>, %arg7: memref<128x128xf32, #tpu.memory_space<vmem>>, %arg8: memref<10112x128xf32, #tpu.memory_space<vmem_shared>>) attributes {dimension_semantics = [#tpu.dimension_semantics<core_parallel>, #tpu.dimension_semantics<subcore_parallel>], iteration_bounds = array<i64: 2, 16>, scalar_prefetch = 0 : i64, scratch_operands = 3 : i64, tpu.core_type = #tpu.core_type<sc_vector_subcore>, window_params = [{transform_indices = #map}, {transform_indices = #map1}, {transform_indices = #map1}, {transform_indices = #map}]} {
    %mul3A = arith.constant 16 : i32
    %mul3A_0 = arith.muli %arg0, %mul3A : i32
    %add3A = arith.addi %mul3A_0, %arg1 : i32
    %mul3A_1 = arith.constant 632 : i32
    %mul3A_2 = arith.muli %arg1, %mul3A_1 : i32
    "tpu.region"() ({
      %run_scoped3A = tpu.sem_alloc : memref<!tpu.dma_semaphore, #tpu.memory_space<semaphore_mem>>
      %dma_start3A = arith.constant 0 : i32
      %dma_start3A_9 = tpu.memref_slice %arg8[%mul3A_2, %dma_start3A] : memref<10112x128xf32, #tpu.memory_space<vmem_shared>> -> memref<632x128xf32, #tpu.memory_space<vmem_shared>>
      tpu.enqueue_dma source(%arg3 : memref<632x128xf32, #tpu.memory_space<hbm>>) target(%dma_start3A_9 : memref<632x128xf32, #tpu.memory_space<vmem_shared>>) target_semaphore(%run_scoped3A : memref<!tpu.dma_semaphore, #tpu.memory_space<semaphore_mem>>)
      %dma_wait3A = arith.constant 0 : i32
      %dma_wait3A_10 = tpu.memref_slice %arg8[%mul3A_2, %dma_wait3A] : memref<10112x128xf32, #tpu.memory_space<vmem_shared>> -> memref<632x128xf32, #tpu.memory_space<vmem_shared>>
      tpu.wait_dma2 semaphore(%run_scoped3A : memref<!tpu.dma_semaphore, #tpu.memory_space<semaphore_mem>>) src(%arg3 : memref<632x128xf32, #tpu.memory_space<hbm>>) dst(%dma_wait3A_10 : memref<632x128xf32, #tpu.memory_space<vmem_shared>>)
      tpu.yield
    }) : () -> ()
    "tpu.region"() ({
      %run_scoped3A = tpu.sem_alloc : memref<!tpu.dma_semaphore, #tpu.memory_space<semaphore_mem>>
      tpu.enqueue_dma source(%arg4 : memref<128x128xf32, #tpu.memory_space<hbm>>) target(%arg7 : memref<128x128xf32, #tpu.memory_space<vmem>>) target_semaphore(%run_scoped3A : memref<!tpu.dma_semaphore, #tpu.memory_space<semaphore_mem>>)
      tpu.wait_dma2 semaphore(%run_scoped3A : memref<!tpu.dma_semaphore, #tpu.memory_space<semaphore_mem>>) src(%arg4 : memref<128x128xf32, #tpu.memory_space<hbm>>) dst(%arg7 : memref<128x128xf32, #tpu.memory_space<vmem>>)
      tpu.yield
    }) : () -> ()
    "tpu.region"() ({
      %run_scoped3A = tpu.sem_alloc : memref<!tpu.dma_semaphore, #tpu.memory_space<semaphore_mem>>
      %dma_start3A = arith.constant 0 : i32
      %dma_start3A_9 = arith.constant 0 : i32
      %dma_start3A_10 = tpu.memref_slice %arg2[%add3A, %dma_start3A, %dma_start3A_9] : memref<32x80x128xi32, #tpu.memory_space<hbm>> -> memref<1x80x128xi32, #tpu.memory_space<hbm>>
      %dma_start3A_11 = tpu.memref_squeeze %dma_start3A_10 : memref<1x80x128xi32, #tpu.memory_space<hbm>> -> memref<80x128xi32, #tpu.memory_space<hbm>>
      %dma_start3A_12 = arith.constant 0 : i32
      %dma_start3A_13 = arith.constant 0 : i32
      %dma_start3A_14 = tpu.memref_slice %arg2[%add3A, %dma_start3A_12, %dma_start3A_13] : memref<32x80x128xi32, #tpu.memory_space<hbm>> -> memref<1x80x128xi32, #tpu.memory_space<hbm>>
      %dma_start3A_15 = tpu.memref_squeeze %dma_start3A_14 : memref<1x80x128xi32, #tpu.memory_space<hbm>> -> memref<80x128xi32, #tpu.memory_space<hbm>>
      tpu.enqueue_dma source(%dma_start3A_15 : memref<80x128xi32, #tpu.memory_space<hbm>>) target(%arg6 : memref<80x128xi32, #tpu.memory_space<vmem>>) target_semaphore(%run_scoped3A : memref<!tpu.dma_semaphore, #tpu.memory_space<semaphore_mem>>)
      %dma_wait3A = arith.constant 0 : i32
      %dma_wait3A_16 = arith.constant 0 : i32
      %dma_wait3A_17 = tpu.memref_slice %arg2[%add3A, %dma_wait3A, %dma_wait3A_16] : memref<32x80x128xi32, #tpu.memory_space<hbm>> -> memref<1x80x128xi32, #tpu.memory_space<hbm>>
      %dma_wait3A_18 = tpu.memref_squeeze %dma_wait3A_17 : memref<1x80x128xi32, #tpu.memory_space<hbm>> -> memref<80x128xi32, #tpu.memory_space<hbm>>
      %dma_wait3A_19 = arith.constant 0 : i32
      %dma_wait3A_20 = arith.constant 0 : i32
      %dma_wait3A_21 = tpu.memref_slice %arg2[%add3A, %dma_wait3A_19, %dma_wait3A_20] : memref<32x80x128xi32, #tpu.memory_space<hbm>> -> memref<1x80x128xi32, #tpu.memory_space<hbm>>
      %dma_wait3A_22 = tpu.memref_squeeze %dma_wait3A_21 : memref<1x80x128xi32, #tpu.memory_space<hbm>> -> memref<80x128xi32, #tpu.memory_space<hbm>>
      tpu.wait_dma2 semaphore(%run_scoped3A : memref<!tpu.dma_semaphore, #tpu.memory_space<semaphore_mem>>) src(%dma_wait3A_22 : memref<80x128xi32, #tpu.memory_space<hbm>>) dst(%arg6 : memref<80x128xi32, #tpu.memory_space<vmem>>)
      tpu.yield
    }) : () -> ()
    %barrier3A = arith.constant 0 : index
    tpu.barrier barrier_id(%barrier3A)
    %scan3A = arith.constant 0 : i32
    %scan3A_3 = arith.constant 0 : i32
    %scan3A_4 = arith.constant 80 : i32
    %scan3A_5 = arith.addi %scan3A_3, %scan3A_4 : i32
    %scan3A_6 = arith.constant 1 : i32
    scf.for %scan3A_9 = %scan3A_3 to %scan3A_5 step %scan3A_6  : i32 {
      "tpu.region"() ({
        %run_scoped3A = tpu.sem_alloc : memref<!tpu.dma_semaphore, #tpu.memory_space<semaphore_mem>>
        %dma_start3A = arith.constant 0 : i32
        %dma_start3A_10 = tpu.memref_slice %arg6[%scan3A_9, %dma_start3A] : memref<80x128xi32, #tpu.memory_space<vmem>> -> memref<1x128xi32, #tpu.memory_space<vmem>>
        %dma_start3A_11 = tpu.memref_squeeze %dma_start3A_10 : memref<1x128xi32, #tpu.memory_space<vmem>> -> memref<128xi32, #tpu.memory_space<vmem>>
        %dma_start3A_12 = arith.constant 0 : i32
        %dma_start3A_13 = arith.constant 0 : i32
        %dma_start3A_14 = tpu.memref_slice %arg8[%dma_start3A_12, %dma_start3A_13] : memref<10112x128xf32, #tpu.memory_space<vmem_shared>> -> memref<10112x128xf32, #tpu.memory_space<vmem_shared>>
        tpu.enqueue_indirect_dma source(%arg7 : memref<128x128xf32, #tpu.memory_space<vmem>>) target(%dma_start3A_14 : memref<10112x128xf32, #tpu.memory_space<vmem_shared>>) offsets(%dma_start3A_11 : memref<128xi32, #tpu.memory_space<vmem>>) semaphore(%run_scoped3A : memref<!tpu.dma_semaphore, #tpu.memory_space<semaphore_mem>>) {add = true}
        %dma_wait3A = arith.constant 0 : i32
        %dma_wait3A_15 = tpu.memref_slice %arg6[%scan3A_9, %dma_wait3A] : memref<80x128xi32, #tpu.memory_space<vmem>> -> memref<1x128xi32, #tpu.memory_space<vmem>>
        %dma_wait3A_16 = tpu.memref_squeeze %dma_wait3A_15 : memref<1x128xi32, #tpu.memory_space<vmem>> -> memref<128xi32, #tpu.memory_space<vmem>>
        %dma_wait3A_17 = arith.constant 0 : i32
        %dma_wait3A_18 = arith.constant 0 : i32
        %dma_wait3A_19 = tpu.memref_slice %arg8[%dma_wait3A_17, %dma_wait3A_18] : memref<10112x128xf32, #tpu.memory_space<vmem_shared>> -> memref<10112x128xf32, #tpu.memory_space<vmem_shared>>
        tpu.wait_indirect_dma semaphore(%run_scoped3A : memref<!tpu.dma_semaphore, #tpu.memory_space<semaphore_mem>>) src(%arg7 : memref<128x128xf32, #tpu.memory_space<vmem>>) dst(%dma_wait3A_19 : memref<10112x128xf32, #tpu.memory_space<vmem_shared>>)
        tpu.yield
      }) : () -> ()
    }
    %scan3A_7 = arith.constant 80 : i32
    %barrier3A_8 = arith.constant 0 : index
    tpu.barrier barrier_id(%barrier3A_8)
    "tpu.region"() ({
      %run_scoped3A = tpu.sem_alloc : memref<!tpu.dma_semaphore, #tpu.memory_space<semaphore_mem>>
      %dma_start3A = arith.constant 0 : i32
      %dma_start3A_9 = tpu.memref_slice %arg5[%arg0, %mul3A_2, %dma_start3A] : memref<2x10112x128xf32, #tpu.memory_space<hbm>> -> memref<1x632x128xf32, #tpu.memory_space<hbm>>
      %dma_start3A_10 = tpu.memref_squeeze %dma_start3A_9 : memref<1x632x128xf32, #tpu.memory_space<hbm>> -> memref<632x128xf32, #tpu.memory_space<hbm>>
      %dma_start3A_11 = arith.constant 0 : i32
      %dma_start3A_12 = tpu.memref_slice %arg8[%mul3A_2, %dma_start3A_11] : memref<10112x128xf32, #tpu.memory_space<vmem_shared>> -> memref<632x128xf32, #tpu.memory_space<vmem_shared>>
      tpu.enqueue_dma source(%dma_start3A_12 : memref<632x128xf32, #tpu.memory_space<vmem_shared>>) target(%dma_start3A_10 : memref<632x128xf32, #tpu.memory_space<hbm>>) target_semaphore(%run_scoped3A : memref<!tpu.dma_semaphore, #tpu.memory_space<semaphore_mem>>)
      %dma_wait3A = arith.constant 0 : i32
      %dma_wait3A_13 = tpu.memref_slice %arg5[%arg0, %mul3A_2, %dma_wait3A] : memref<2x10112x128xf32, #tpu.memory_space<hbm>> -> memref<1x632x128xf32, #tpu.memory_space<hbm>>
      %dma_wait3A_14 = tpu.memref_squeeze %dma_wait3A_13 : memref<1x632x128xf32, #tpu.memory_space<hbm>> -> memref<632x128xf32, #tpu.memory_space<hbm>>
      %dma_wait3A_15 = arith.constant 0 : i32
      %dma_wait3A_16 = tpu.memref_slice %arg8[%mul3A_2, %dma_wait3A_15] : memref<10112x128xf32, #tpu.memory_space<vmem_shared>> -> memref<632x128xf32, #tpu.memory_space<vmem_shared>>
      tpu.wait_dma2 semaphore(%run_scoped3A : memref<!tpu.dma_semaphore, #tpu.memory_space<semaphore_mem>>) src(%dma_wait3A_16 : memref<632x128xf32, #tpu.memory_space<vmem_shared>>) dst(%dma_wait3A_14 : memref<632x128xf32, #tpu.memory_space<hbm>>)
      tpu.yield
    }) : () -> ()
    return
  }
}

module attributes {stable_mosaic.version = 14 : i64} {
  func.func @body(%arg0: i32, %arg1: memref<2x1000x128xf32, #tpu.memory_space<vmem>>, %arg2: memref<2x1000x128xf32, #tpu.memory_space<vmem>>, %arg3: memref<1000x128xf32, #tpu.memory_space<vmem>>, %arg4: memref<128x128xf32, #tpu.memory_space<vmem>>, %arg5: memref<128x128xf32, #tpu.memory_space<vmem>>, %arg6: memref<5x128xf32, #tpu.memory_space<vmem>>, %arg7: memref<1000x128xf32, #tpu.memory_space<vmem>>) attributes {dimension_semantics = [#tpu.dimension_semantics<arbitrary>], iteration_bounds = array<i64: 10>, scalar_prefetch = 0 : i64, scratch_operands = 0 : i64, tpu.core_type = #tpu.core_type<tc>, window_params = [{transform_indices = @transform_0, window_bounds = array<i64: 2, 1000, 128>}, {transform_indices = @transform_1, window_bounds = array<i64: 2, 1000, 128>}, {transform_indices = @transform_2, window_bounds = array<i64: 1000, 128>}, {pipeline_mode = #tpu.pipeline_mode<synchronous>, transform_indices = @transform_3, window_bounds = array<i64: 128, 128>}, {pipeline_mode = #tpu.pipeline_mode<synchronous>, transform_indices = @transform_4, window_bounds = array<i64: 128, 128>}, {pipeline_mode = #tpu.pipeline_mode<synchronous>, transform_indices = @transform_5, window_bounds = array<i64: 5, 128>}, {transform_indices = @transform_6, window_bounds = array<i64: 1000, 128>}]} {
    %get3A = arith.constant 0 : index
    %get3A_0 = arith.constant 0 : index
    %get3A_1 = vector.load %arg6[%get3A, %get3A_0] : memref<5x128xf32, #tpu.memory_space<vmem>>, vector<5x128xf32>
    %slice3A = vector.extract_strided_slice %get3A_1 {offsets = [0, 0], sizes = [1, 128], strides = [1, 1]} : vector<5x128xf32> to vector<1x128xf32>
    %squeeze3A = vector.shape_cast %slice3A : vector<1x128xf32> to vector<128xf32>
    %slice3A_2 = vector.extract_strided_slice %get3A_1 {offsets = [1, 0], sizes = [1, 128], strides = [1, 1]} : vector<5x128xf32> to vector<1x128xf32>
    %squeeze3A_3 = vector.shape_cast %slice3A_2 : vector<1x128xf32> to vector<128xf32>
    %slice3A_4 = vector.extract_strided_slice %get3A_1 {offsets = [2, 0], sizes = [1, 128], strides = [1, 1]} : vector<5x128xf32> to vector<1x128xf32>
    %squeeze3A_5 = vector.shape_cast %slice3A_4 : vector<1x128xf32> to vector<128xf32>
    %slice3A_6 = vector.extract_strided_slice %get3A_1 {offsets = [3, 0], sizes = [1, 128], strides = [1, 1]} : vector<5x128xf32> to vector<1x128xf32>
    %squeeze3A_7 = vector.shape_cast %slice3A_6 : vector<1x128xf32> to vector<128xf32>
    %slice3A_8 = vector.extract_strided_slice %get3A_1 {offsets = [4, 0], sizes = [1, 128], strides = [1, 1]} : vector<5x128xf32> to vector<1x128xf32>
    %squeeze3A_9 = vector.shape_cast %slice3A_8 : vector<1x128xf32> to vector<128xf32>
    %add3A = arith.constant 9.99999974E-6 : f32
    %add3A_10 = vector.broadcast %add3A : f32 to vector<128xf32>
    %add3A_11 = arith.addf %squeeze3A_9, %add3A_10 : vector<128xf32>
    %rsqrt3A = math.rsqrt %add3A_11 : vector<128xf32>
    %mul3A = arith.mulf %squeeze3A_3, %rsqrt3A : vector<128xf32>
    %get3A_12 = arith.constant 0 : index
    %get3A_13 = arith.constant 0 : index
    %get3A_14 = arith.constant 0 : index
    %get3A_15 = vector.load %arg2[%get3A_12, %get3A_13, %get3A_14] : memref<2x1000x128xf32, #tpu.memory_space<vmem>>, vector<1x1000x1xf32>
    %get3A_16 = vector.shape_cast %get3A_15 : vector<1x1000x1xf32> to vector<1000xf32>
    %get3A_17 = arith.constant 1 : index
    %get3A_18 = arith.constant 0 : index
    %get3A_19 = arith.constant 0 : index
    %get3A_20 = vector.load %arg2[%get3A_17, %get3A_18, %get3A_19] : memref<2x1000x128xf32, #tpu.memory_space<vmem>>, vector<1x1000x1xf32>
    %get3A_21 = vector.shape_cast %get3A_20 : vector<1x1000x1xf32> to vector<1000xf32>
    %add3A_22 = arith.addf %get3A_16, %get3A_21 : vector<1000xf32>
    %get3A_23 = arith.constant 0 : index
    %get3A_24 = arith.constant 0 : index
    %get3A_25 = arith.constant 0 : index
    %get3A_26 = vector.load %arg1[%get3A_23, %get3A_24, %get3A_25] : memref<2x1000x128xf32, #tpu.memory_space<vmem>>, vector<1x1000x128xf32>
    %get3A_27 = vector.shape_cast %get3A_26 : vector<1x1000x128xf32> to vector<1000x128xf32>
    %get3A_28 = arith.constant 1 : index
    %get3A_29 = arith.constant 0 : index
    %get3A_30 = arith.constant 0 : index
    %get3A_31 = vector.load %arg1[%get3A_28, %get3A_29, %get3A_30] : memref<2x1000x128xf32, #tpu.memory_space<vmem>>, vector<1x1000x128xf32>
    %get3A_32 = vector.shape_cast %get3A_31 : vector<1x1000x128xf32> to vector<1000x128xf32>
    %add3A_33 = arith.addf %get3A_27, %get3A_32 : vector<1000x128xf32>
    %max3A = arith.constant 1.000000e+00 : f32
    %max3A_34 = vector.broadcast %max3A : f32 to vector<1000xf32>
    %max3A_35 = arith.maximumf %add3A_22, %max3A_34 : vector<1000xf32>
    %broadcast_in_dim3A = vector.shape_cast %max3A_35 : vector<1000xf32> to vector<1000x1xf32>
    %div3A = vector.broadcast %broadcast_in_dim3A : vector<1000x1xf32> to vector<1000x128xf32>
    %div3A_36 = arith.divf %add3A_33, %div3A : vector<1000x128xf32>
    %get3A_37 = arith.constant 0 : index
    %get3A_38 = arith.constant 0 : index
    %get3A_39 = vector.load %arg4[%get3A_37, %get3A_38] : memref<128x128xf32, #tpu.memory_space<vmem>>, vector<128x128xf32>
    %dot_general3A = arith.constant dense<0.000000e+00> : vector<1000x128xf32>
    %dot_general3A_40 = tpu.matmul %div3A_36, %get3A_39, %dot_general3A {dimension_numbers = #tpu.dot_dimension_numbers<[1], [0], [0], [1], [0, 0, 1, 1], [], []>, transpose_lhs_hint = false} : vector<1000x128xf32>, vector<128x128xf32>, vector<1000x128xf32> -> vector<1000x128xf32>
    %get3A_41 = arith.constant 0 : index
    %get3A_42 = arith.constant 0 : index
    %get3A_43 = vector.load %arg3[%get3A_41, %get3A_42] : memref<1000x128xf32, #tpu.memory_space<vmem>>, vector<1000x128xf32>
    %get3A_44 = arith.constant 0 : index
    %get3A_45 = arith.constant 0 : index
    %get3A_46 = vector.load %arg5[%get3A_44, %get3A_45] : memref<128x128xf32, #tpu.memory_space<vmem>>, vector<128x128xf32>
    %dot_general3A_47 = arith.constant dense<0.000000e+00> : vector<1000x128xf32>
    %dot_general3A_48 = tpu.matmul %get3A_43, %get3A_46, %dot_general3A_47 {dimension_numbers = #tpu.dot_dimension_numbers<[1], [0], [0], [1], [0, 0, 1, 1], [], []>, transpose_lhs_hint = false} : vector<1000x128xf32>, vector<128x128xf32>, vector<1000x128xf32> -> vector<1000x128xf32>
    %add3A_49 = arith.addf %dot_general3A_40, %dot_general3A_48 : vector<1000x128xf32>
    %broadcast_in_dim3A_50 = vector.shape_cast %squeeze3A : vector<128xf32> to vector<1x128xf32>
    %add3A_51 = vector.broadcast %broadcast_in_dim3A_50 : vector<1x128xf32> to vector<1000x128xf32>
    %add3A_52 = arith.addf %add3A_49, %add3A_51 : vector<1000x128xf32>
    %broadcast_in_dim3A_53 = vector.shape_cast %squeeze3A_7 : vector<128xf32> to vector<1x128xf32>
    %sub3A = vector.broadcast %broadcast_in_dim3A_53 : vector<1x128xf32> to vector<1000x128xf32>
    %sub3A_54 = arith.subf %add3A_52, %sub3A : vector<1000x128xf32>
    %broadcast_in_dim3A_55 = vector.shape_cast %mul3A : vector<128xf32> to vector<1x128xf32>
    %mul3A_56 = vector.broadcast %broadcast_in_dim3A_55 : vector<1x128xf32> to vector<1000x128xf32>
    %mul3A_57 = arith.mulf %sub3A_54, %mul3A_56 : vector<1000x128xf32>
    %broadcast_in_dim3A_58 = vector.shape_cast %squeeze3A_5 : vector<128xf32> to vector<1x128xf32>
    %add3A_59 = vector.broadcast %broadcast_in_dim3A_58 : vector<1x128xf32> to vector<1000x128xf32>
    %add3A_60 = arith.addf %mul3A_57, %add3A_59 : vector<1000x128xf32>
    %max3A_61 = arith.constant 0.000000e+00 : f32
    %max3A_62 = vector.broadcast %max3A_61 : f32 to vector<1000x128xf32>
    %max3A_63 = arith.maximumf %add3A_60, %max3A_62 : vector<1000x128xf32>
    %swap3A = arith.constant 0 : index
    %swap3A_64 = arith.constant 0 : index
    %swap3A_65 = vector.load %arg7[%swap3A, %swap3A_64] : memref<1000x128xf32, #tpu.memory_space<vmem>>, vector<1000x128xf32>
    tpu.vector_store %arg7[%swap3A, %swap3A_64], %max3A_63 {strides = array<i32>} : memref<1000x128xf32, #tpu.memory_space<vmem>>, vector<1000x128xf32>,
    return
  }
  func.func @transform_0(%arg0: i32) -> (i32, i32, i32) {
    %c0_i32 = arith.constant 0 : i32
    %c0_i32_0 = arith.constant 0 : i32
    %c0_i32_1 = arith.constant 0 : i32
    return %c0_i32, %arg0, %c0_i32_0 : i32, i32, i32
  }
  func.func @transform_1(%arg0: i32) -> (i32, i32, i32) {
    %c0_i32 = arith.constant 0 : i32
    %c0_i32_0 = arith.constant 0 : i32
    %c0_i32_1 = arith.constant 0 : i32
    return %c0_i32, %arg0, %c0_i32_0 : i32, i32, i32
  }
  func.func @transform_2(%arg0: i32) -> (i32, i32) {
    %c0_i32 = arith.constant 0 : i32
    %c0_i32_0 = arith.constant 0 : i32
    return %arg0, %c0_i32 : i32, i32
  }
  func.func @transform_3(%arg0: i32) -> (i32, i32) {
    %c0_i32 = arith.constant 0 : i32
    %c0_i32_0 = arith.constant 0 : i32
    %c0_i32_1 = arith.constant 0 : i32
    return %c0_i32, %c0_i32_0 : i32, i32
  }
  func.func @transform_4(%arg0: i32) -> (i32, i32) {
    %c0_i32 = arith.constant 0 : i32
    %c0_i32_0 = arith.constant 0 : i32
    %c0_i32_1 = arith.constant 0 : i32
    return %c0_i32, %c0_i32_0 : i32, i32
  }
  func.func @transform_5(%arg0: i32) -> (i32, i32) {
    %c0_i32 = arith.constant 0 : i32
    %c0_i32_0 = arith.constant 0 : i32
    %c0_i32_1 = arith.constant 0 : i32
    return %c0_i32, %c0_i32_0 : i32, i32
  }
  func.func @transform_6(%arg0: i32) -> (i32, i32) {
    %c0_i32 = arith.constant 0 : i32
    %c0_i32_0 = arith.constant 0 : i32
    return %arg0, %c0_i32 : i32, i32
  }
}

module attributes {stable_mosaic.version = 14 : i64} {
  func.func @body(%arg0: i32, %arg1: memref<2x1000x128xf32, #tpu.memory_space<vmem>>, %arg2: memref<2x1000x128xf32, #tpu.memory_space<vmem>>, %arg3: memref<1000x128xf32, #tpu.memory_space<vmem>>, %arg4: memref<128x128xf32, #tpu.memory_space<vmem>>, %arg5: memref<128x128xf32, #tpu.memory_space<vmem>>, %arg6: memref<7x128xf32, #tpu.memory_space<vmem>>, %arg7: memref<1000x1xf32, #tpu.memory_space<vmem>>) attributes {dimension_semantics = [#tpu.dimension_semantics<arbitrary>], iteration_bounds = array<i64: 10>, scalar_prefetch = 0 : i64, scratch_operands = 0 : i64, tpu.core_type = #tpu.core_type<tc>, window_params = [{transform_indices = @transform_0, window_bounds = array<i64: 2, 1000, 128>}, {transform_indices = @transform_1, window_bounds = array<i64: 2, 1000, 128>}, {transform_indices = @transform_2, window_bounds = array<i64: 1000, 128>}, {pipeline_mode = #tpu.pipeline_mode<synchronous>, transform_indices = @transform_3, window_bounds = array<i64: 128, 128>}, {pipeline_mode = #tpu.pipeline_mode<synchronous>, transform_indices = @transform_4, window_bounds = array<i64: 128, 128>}, {pipeline_mode = #tpu.pipeline_mode<synchronous>, transform_indices = @transform_5, window_bounds = array<i64: 7, 128>}, {transform_indices = @transform_6, window_bounds = array<i64: 1000, 1>}]} {
    %get3A = arith.constant 0 : index
    %get3A_0 = arith.constant 0 : index
    %get3A_1 = vector.load %arg6[%get3A, %get3A_0] : memref<7x128xf32, #tpu.memory_space<vmem>>, vector<7x128xf32>
    %slice3A = vector.extract_strided_slice %get3A_1 {offsets = [0, 0], sizes = [1, 128], strides = [1, 1]} : vector<7x128xf32> to vector<1x128xf32>
    %squeeze3A = vector.shape_cast %slice3A : vector<1x128xf32> to vector<128xf32>
    %slice3A_2 = vector.extract_strided_slice %get3A_1 {offsets = [1, 0], sizes = [1, 128], strides = [1, 1]} : vector<7x128xf32> to vector<1x128xf32>
    %squeeze3A_3 = vector.shape_cast %slice3A_2 : vector<1x128xf32> to vector<128xf32>
    %slice3A_4 = vector.extract_strided_slice %get3A_1 {offsets = [2, 0], sizes = [1, 128], strides = [1, 1]} : vector<7x128xf32> to vector<1x128xf32>
    %squeeze3A_5 = vector.shape_cast %slice3A_4 : vector<1x128xf32> to vector<128xf32>
    %slice3A_6 = vector.extract_strided_slice %get3A_1 {offsets = [3, 0], sizes = [1, 128], strides = [1, 1]} : vector<7x128xf32> to vector<1x128xf32>
    %squeeze3A_7 = vector.shape_cast %slice3A_6 : vector<1x128xf32> to vector<128xf32>
    %slice3A_8 = vector.extract_strided_slice %get3A_1 {offsets = [4, 0], sizes = [1, 128], strides = [1, 1]} : vector<7x128xf32> to vector<1x128xf32>
    %squeeze3A_9 = vector.shape_cast %slice3A_8 : vector<1x128xf32> to vector<128xf32>
    %slice3A_10 = vector.extract_strided_slice %get3A_1 {offsets = [5, 0], sizes = [1, 128], strides = [1, 1]} : vector<7x128xf32> to vector<1x128xf32>
    %squeeze3A_11 = vector.shape_cast %slice3A_10 : vector<1x128xf32> to vector<128xf32>
    %slice3A_12 = vector.extract_strided_slice %get3A_1 {offsets = [6, 0], sizes = [1, 128], strides = [1, 1]} : vector<7x128xf32> to vector<1x128xf32>
    %squeeze3A_13 = vector.shape_cast %slice3A_12 : vector<1x128xf32> to vector<128xf32>
    %add3A = arith.constant 9.99999974E-6 : f32
    %add3A_14 = vector.broadcast %add3A : f32 to vector<128xf32>
    %add3A_15 = arith.addf %squeeze3A_9, %add3A_14 : vector<128xf32>
    %rsqrt3A = math.rsqrt %add3A_15 : vector<128xf32>
    %mul3A = arith.mulf %squeeze3A_3, %rsqrt3A : vector<128xf32>
    %get3A_16 = arith.constant 0 : index
    %get3A_17 = arith.constant 0 : index
    %get3A_18 = arith.constant 0 : index
    %get3A_19 = vector.load %arg2[%get3A_16, %get3A_17, %get3A_18] : memref<2x1000x128xf32, #tpu.memory_space<vmem>>, vector<1x1000x1xf32>
    %get3A_20 = vector.shape_cast %get3A_19 : vector<1x1000x1xf32> to vector<1000xf32>
    %get3A_21 = arith.constant 1 : index
    %get3A_22 = arith.constant 0 : index
    %get3A_23 = arith.constant 0 : index
    %get3A_24 = vector.load %arg2[%get3A_21, %get3A_22, %get3A_23] : memref<2x1000x128xf32, #tpu.memory_space<vmem>>, vector<1x1000x1xf32>
    %get3A_25 = vector.shape_cast %get3A_24 : vector<1x1000x1xf32> to vector<1000xf32>
    %add3A_26 = arith.addf %get3A_20, %get3A_25 : vector<1000xf32>
    %get3A_27 = arith.constant 0 : index
    %get3A_28 = arith.constant 0 : index
    %get3A_29 = arith.constant 0 : index
    %get3A_30 = vector.load %arg1[%get3A_27, %get3A_28, %get3A_29] : memref<2x1000x128xf32, #tpu.memory_space<vmem>>, vector<1x1000x128xf32>
    %get3A_31 = vector.shape_cast %get3A_30 : vector<1x1000x128xf32> to vector<1000x128xf32>
    %get3A_32 = arith.constant 1 : index
    %get3A_33 = arith.constant 0 : index
    %get3A_34 = arith.constant 0 : index
    %get3A_35 = vector.load %arg1[%get3A_32, %get3A_33, %get3A_34] : memref<2x1000x128xf32, #tpu.memory_space<vmem>>, vector<1x1000x128xf32>
    %get3A_36 = vector.shape_cast %get3A_35 : vector<1x1000x128xf32> to vector<1000x128xf32>
    %add3A_37 = arith.addf %get3A_31, %get3A_36 : vector<1000x128xf32>
    %max3A = arith.constant 1.000000e+00 : f32
    %max3A_38 = vector.broadcast %max3A : f32 to vector<1000xf32>
    %max3A_39 = arith.maximumf %add3A_26, %max3A_38 : vector<1000xf32>
    %broadcast_in_dim3A = vector.shape_cast %max3A_39 : vector<1000xf32> to vector<1000x1xf32>
    %div3A = vector.broadcast %broadcast_in_dim3A : vector<1000x1xf32> to vector<1000x128xf32>
    %div3A_40 = arith.divf %add3A_37, %div3A : vector<1000x128xf32>
    %get3A_41 = arith.constant 0 : index
    %get3A_42 = arith.constant 0 : index
    %get3A_43 = vector.load %arg3[%get3A_41, %get3A_42] : memref<1000x128xf32, #tpu.memory_space<vmem>>, vector<1000x128xf32>
    %get3A_44 = arith.constant 0 : index
    %get3A_45 = arith.constant 0 : index
    %get3A_46 = vector.load %arg4[%get3A_44, %get3A_45] : memref<128x128xf32, #tpu.memory_space<vmem>>, vector<128x128xf32>
    %dot_general3A = arith.constant dense<0.000000e+00> : vector<1000x128xf32>
    %dot_general3A_47 = tpu.matmul %div3A_40, %get3A_46, %dot_general3A {dimension_numbers = #tpu.dot_dimension_numbers<[1], [0], [0], [1], [0, 0, 1, 1], [], []>, transpose_lhs_hint = false} : vector<1000x128xf32>, vector<128x128xf32>, vector<1000x128xf32> -> vector<1000x128xf32>
    %get3A_48 = arith.constant 0 : index
    %get3A_49 = arith.constant 0 : index
    %get3A_50 = vector.load %arg5[%get3A_48, %get3A_49] : memref<128x128xf32, #tpu.memory_space<vmem>>, vector<128x128xf32>
    %dot_general3A_51 = arith.constant dense<0.000000e+00> : vector<1000x128xf32>
    %dot_general3A_52 = tpu.matmul %get3A_43, %get3A_50, %dot_general3A_51 {dimension_numbers = #tpu.dot_dimension_numbers<[1], [0], [0], [1], [0, 0, 1, 1], [], []>, transpose_lhs_hint = false} : vector<1000x128xf32>, vector<128x128xf32>, vector<1000x128xf32> -> vector<1000x128xf32>
    %add3A_53 = arith.addf %dot_general3A_47, %dot_general3A_52 : vector<1000x128xf32>
    %broadcast_in_dim3A_54 = vector.shape_cast %squeeze3A : vector<128xf32> to vector<1x128xf32>
    %add3A_55 = vector.broadcast %broadcast_in_dim3A_54 : vector<1x128xf32> to vector<1000x128xf32>
    %add3A_56 = arith.addf %add3A_53, %add3A_55 : vector<1000x128xf32>
    %broadcast_in_dim3A_57 = vector.shape_cast %squeeze3A_7 : vector<128xf32> to vector<1x128xf32>
    %sub3A = vector.broadcast %broadcast_in_dim3A_57 : vector<1x128xf32> to vector<1000x128xf32>
    %sub3A_58 = arith.subf %add3A_56, %sub3A : vector<1000x128xf32>
    %broadcast_in_dim3A_59 = vector.shape_cast %mul3A : vector<128xf32> to vector<1x128xf32>
    %mul3A_60 = vector.broadcast %broadcast_in_dim3A_59 : vector<1x128xf32> to vector<1000x128xf32>
    %mul3A_61 = arith.mulf %sub3A_58, %mul3A_60 : vector<1000x128xf32>
    %broadcast_in_dim3A_62 = vector.shape_cast %squeeze3A_5 : vector<128xf32> to vector<1x128xf32>
    %add3A_63 = vector.broadcast %broadcast_in_dim3A_62 : vector<1x128xf32> to vector<1000x128xf32>
    %add3A_64 = arith.addf %mul3A_61, %add3A_63 : vector<1000x128xf32>
    %add3A_65 = arith.addf %add3A_64, %get3A_43 : vector<1000x128xf32>
    %max3A_66 = arith.constant 0.000000e+00 : f32
    %max3A_67 = vector.broadcast %max3A_66 : f32 to vector<1000x128xf32>
    %max3A_68 = arith.maximumf %add3A_65, %max3A_67 : vector<1000x128xf32>
    %broadcast_in_dim3A_69 = vector.shape_cast %squeeze3A_11 : vector<128xf32> to vector<1x128xf32>
    %mul3A_70 = vector.broadcast %broadcast_in_dim3A_69 : vector<1x128xf32> to vector<1000x128xf32>
    %mul3A_71 = arith.mulf %max3A_68, %mul3A_70 : vector<1000x128xf32>
    %reduce_sum3A = arith.constant dense<0.000000e+00> : vector<1000xf32>
    %reduce_sum3A_72 = vector.multi_reduction <add>, %mul3A_71, %reduce_sum3A [1] : vector<1000x128xf32> to vector<1000xf32>
    %broadcast_in_dim3A_73 = vector.shape_cast %reduce_sum3A_72 : vector<1000xf32> to vector<1000x1xf32>
    %slice3A_74 = vector.extract_strided_slice %squeeze3A_13 {offsets = [0], sizes = [1], strides = [1]} : vector<128xf32> to vector<1xf32>
    %squeeze3A_75 = vector.extract %slice3A_74[0] : f32 from vector<1xf32>
    %add3A_76 = vector.broadcast %squeeze3A_75 : f32 to vector<1000x1xf32>
    %add3A_77 = arith.addf %broadcast_in_dim3A_73, %add3A_76 : vector<1000x1xf32>
    %swap3A = arith.constant 0 : index
    %swap3A_78 = arith.constant 0 : index
    %swap3A_79 = vector.load %arg7[%swap3A, %swap3A_78] : memref<1000x1xf32, #tpu.memory_space<vmem>>, vector<1000x1xf32>
    tpu.vector_store %arg7[%swap3A, %swap3A_78], %add3A_77 {strides = array<i32>} : memref<1000x1xf32, #tpu.memory_space<vmem>>, vector<1000x1xf32>,
    return
  }
  func.func @transform_0(%arg0: i32) -> (i32, i32, i32) {
    %c0_i32 = arith.constant 0 : i32
    %c0_i32_0 = arith.constant 0 : i32
    %c0_i32_1 = arith.constant 0 : i32
    return %c0_i32, %arg0, %c0_i32_0 : i32, i32, i32
  }
  func.func @transform_1(%arg0: i32) -> (i32, i32, i32) {
    %c0_i32 = arith.constant 0 : i32
    %c0_i32_0 = arith.constant 0 : i32
    %c0_i32_1 = arith.constant 0 : i32
    return %c0_i32, %arg0, %c0_i32_0 : i32, i32, i32
  }
  func.func @transform_2(%arg0: i32) -> (i32, i32) {
    %c0_i32 = arith.constant 0 : i32
    %c0_i32_0 = arith.constant 0 : i32
    return %arg0, %c0_i32 : i32, i32
  }
  func.func @transform_3(%arg0: i32) -> (i32, i32) {
    %c0_i32 = arith.constant 0 : i32
    %c0_i32_0 = arith.constant 0 : i32
    %c0_i32_1 = arith.constant 0 : i32
    return %c0_i32, %c0_i32_0 : i32, i32
  }
  func.func @transform_4(%arg0: i32) -> (i32, i32) {
    %c0_i32 = arith.constant 0 : i32
    %c0_i32_0 = arith.constant 0 : i32
    %c0_i32_1 = arith.constant 0 : i32
    return %c0_i32, %c0_i32_0 : i32, i32
  }
  func.func @transform_5(%arg0: i32) -> (i32, i32) {
    %c0_i32 = arith.constant 0 : i32
    %c0_i32_0 = arith.constant 0 : i32
    %c0_i32_1 = arith.constant 0 : i32
    return %c0_i32, %c0_i32_0 : i32, i32
  }
  func.func @transform_6(%arg0: i32) -> (i32, i32) {
    %c0_i32 = arith.constant 0 : i32
    %c0_i32_0 = arith.constant 0 : i32
    return %arg0, %c0_i32 : i32, i32
  }
}

</mosaic_0001>

<sc_bundles>
// kernel: kernel.10.cloned.1.call-start
scs
__scs_entry_jumppad:
0x0: {  	(pc) =	sbr.rel $0x88, $3  }
0x1: {  	(tag) =	ssettag $0x0;
	lr =	simm.s32 $0x1  }
0x2: {  	[smem:$0x3F8F] =	sst lr;
	_ =	strace $0xD0000000  }
0x3: {  	_ = 	snop  }
0x4: {  	_ = 	snop  }
0x5: {  	_ = 	snop  }
0x6: {  	_ = 	snop  }
0x7: {  	_ = 	snop  }
__scs_overlays_trampoline_lowered:
0x8: {  	[smem:$0x3F9E] =	sst s0  }
0x9: {  	[smem:$0x3F9F] =	sst s1  }
0xa: {  	[smem:$0x3FA0] =	sst s2  }
0xb: {  	[smem:$0x3FA1] =	sst s3  }
0xc: {  	[smem:$0x3FA2] =	sst s4  }
0xd: {  	[smem:$0x3FA3] =	sst s5  }
0xe: {  	[smem:$0x3FA4] =	sst s6  }
0xf: {  	[smem:$0x3FA5] =	sst s7  }
0x10: {  	[smem:$0x3FA6] =	sst s8  }
0x11: {  	[smem:$0x3FA7] =	sst s9;
	s0 =	simm.s32 @!p0 $0x0  }
0x12: {  	s1 =	sld [smem:$0x3F8D];
	s0 =	simm.s32 @p0 $0x1  }
0x13: {  	[smem:$0x3FA8] =	sst s0;
	s0 =	simm.s32 @!p1 $0x0  }
0x14: {  	s2 =	sld [smem:$0x3F8C];
	s0 =	simm.s32 @p1 $0x1  }
0x15: {  	[smem:$0x3FA9] =	sst s0;
	s0 =	simm.s32 @!p2 $0x0  }
0x16: {  	s3 =	sld [smem:$0x3FDB];
	s0 =	simm.s32 @p2 $0x1  }
0x17: {  	s4 =	simm.s32 $0x1BF5;
	[smem:$0x3FAB] =	sst s0  }
0x18: {  	s0 =	sld [smem:$0x3F8E];
	_ =	swait.ge [sflag:s4], $0x0  }
0x19: {  	s7 =	sld [smem:$0x3F8F]  }
0x1a: {  	s8 =	sadd.s32 $0xFFFFE003, lr  }
0x1b: {  	s9 =	sadd.s32 $0xFFFFFEF7, lr;
	s5 =	simm.s32 $0xFFFFFFFF;
	p2 =	slt.u32 s8, $0xFFFFF086  }
0x1c: {  	p1 =	slt.u32 s9, $0xF7A;
	s5 =	simm.s32 @!p2 $0x0  }
0x1d: {  	s5 =	simm.s32 @p1 $0x1;
	p0 =	seq.s32 s7, s2  }
0x1e: {  	s7 =	smul.u32 @!p0 $0xF7A, s2;
	p2 =	seq.s32 @!p0 s5, $0x0  }
0x1f: {  	s9 =	smul.u32 $0xF7A, s1;
	s8 =	simm.s32 @!p0 $0x1BF5;
	p2 =	por !p2, p0  }
0x20: {  	[sflag:s8] =	ssyncset.s32 @!p0 $0xFFFFF086;
	s6 =	sadd.s32 @!p0 s3, s7;
	s7 =	simm.s32 @!p0 $0x108  }
0x21: {  	s3 =	sadd.s32 s3, s9;
	s6 =	sadd.s32 @!p0 $0x88, s6;
	s7 =	simm.s32 @p2 $0x1082  }
0x22: {  	[simem:s7], [sflag:s8] =	dma.local @!p0 [hbm:s6], $0xF7A  }
0x23: {  	s9 =	sor.u32 $0xD0000000, s2;
	s6 =	simm.s32 $0x108;
	_ =	swait.ge @!p0 [sflag:s8], $0x0  }
0x24: {  	s3 =	sadd.s32 $0x88, s3;
	s6 =	simm.s32 @!p1 $0x1082;
	[sflag:s4] =	ssyncset.s32 $0xFFFFF086  }
0x25: {  	[simem:s6], [sflag:s4] =	dma.local [hbm:s3], $0xF7A  }
0x26: {  	[smem:$0x3F8F] =	sst s1;
	(tag) =	ssettag s2;
	_ =	strace s9  }
0x27: {  	s1 =	sld [smem:$0x3F9F]  }
0x28: {  	s2 =	sld [smem:$0x3FA0]  }
0x29: {  	s4 =	sld [smem:$0x3FA2]  }
0x2a: {  	p0 =	seq.s32 s5, $0x0;
	s5 =	sld [smem:$0x3FA3]  }
0x2b: {  	s6 =	sld [smem:$0x3FA4]  }
0x2c: {  	s7 =	sld [smem:$0x3FA5]  }
0x2d: {  	s3 =	simm.s32 $0x108;
	s8 =	sld [smem:$0x3FA6]  }
0x2e: {  	s3 =	simm.s32 @!p0 $0x1082;
	s9 =	sld [smem:$0x3FA7]  }
0x2f: {  	lr =	sadd.s32 s0, s3;
	s0 =	sld [smem:$0x3F9E]  }
0x30: {  	s3 =	sld [smem:$0x3FA1]  }
0x31: {  	[smem:$0x3FAA] =	sst s10  }
0x32: {  	s10 =	sld [smem:$0x3FA8];
	_ =	sdelay $0x3  }
0x33: {  	p0 =	seq.s32 s10, $0x1;
	s10 =	sld [smem:$0x3FAA];
	_ =	sdelay $0x3  }
0x34: {  	[smem:$0x3FAA] =	sst s10  }
0x35: {  	s10 =	sld [smem:$0x3FA9];
	_ =	sdelay $0x3  }
0x36: {  	p1 =	seq.s32 s10, $0x1;
	s10 =	sld [smem:$0x3FAA];
	_ =	sdelay $0x3  }
0x37: {  	[smem:$0x3FAA] =	sst s10  }
0x38: {  	s10 =	sld [smem:$0x3FAB]  }
0x39: {  	_ = 	snop;
	(pc) =	sbr.ind lr, $3  }
0x3a: {  	_ = 	snop  }
0x3b: {  	_ = 	snop  }
0x3c: {  	p2 =	seq.s32 s10, $0x1;
	s10 =	sld [smem:$0x3FAA]  }
0x3d: {  	_ =	shalt  }
0x3e: {  	_ =	shalt  }
0x3f: {  	_ =	shalt  }
0x40: {  	_ =	shalt  }
0x41: {  	_ =	shalt  }
0x42: {  	_ =	shalt  }
0x43: {  	_ =	shalt  }
0x44: {  	_ =	shalt  }
0x45: {  	_ =	shalt  }
0x46: {  	_ =	shalt  }
0x47: {  	_ =	shalt  }
0x48: {  	_ =	shalt  }
0x49: {  	_ =	shalt  }
0x4a: {  	_ =	shalt  }
0x4b: {  	_ =	shalt  }
0x4c: {  	_ =	shalt  }
0x4d: {  	_ =	shalt  }
0x4e: {  	_ =	shalt  }
0x4f: {  	_ =	shalt  }
0x50: {  	_ =	shalt  }
0x51: {  	_ =	shalt  }
0x52: {  	_ =	shalt  }
0x53: {  	_ =	shalt  }
0x54: {  	_ =	shalt  }
0x55: {  	_ =	shalt  }
0x56: {  	_ =	shalt  }
0x57: {  	_ =	shalt  }
0x58: {  	_ =	shalt  }
0x59: {  	_ =	shalt  }
0x5a: {  	_ =	shalt  }
0x5b: {  	_ =	shalt  }
0x5c: {  	_ =	shalt  }
0x5d: {  	_ =	shalt  }
0x5e: {  	_ =	shalt  }
0x5f: {  	_ =	shalt  }
0x60: {  	_ =	shalt  }
0x61: {  	_ =	shalt  }
0x62: {  	_ =	shalt  }
0x63: {  	_ =	shalt  }
0x64: {  	_ =	shalt  }
0x65: {  	_ =	shalt  }
0x66: {  	_ =	shalt  }
0x67: {  	_ =	shalt  }
0x68: {  	_ =	shalt  }
0x69: {  	_ =	shalt  }
0x6a: {  	_ =	shalt  }
0x6b: {  	_ =	shalt  }
0x6c: {  	_ =	shalt  }
0x6d: {  	_ =	shalt  }
0x6e: {  	_ =	shalt  }
0x6f: {  	_ =	shalt  }
0x70: {  	_ =	shalt  }
0x71: {  	_ =	shalt  }
0x72: {  	_ =	shalt  }
0x73: {  	_ =	shalt  }
0x74: {  	_ =	shalt  }
0x75: {  	_ =	shalt  }
0x76: {  	_ =	shalt  }
0x77: {  	_ =	shalt  }
0x78: {  	_ =	shalt  }
0x79: {  	_ =	shalt  }
0x7a: {  	_ =	shalt  }
0x7b: {  	_ =	shalt  }
0x7c: {  	_ =	shalt  }
0x7d: {  	_ =	shalt  }
0x7e: {  	_ =	shalt  }
0x7f: {  	_ =	shalt  }
0x80: {  	_ =	shalt  }
0x81: {  	_ =	shalt  }
0x82: {  	_ =	shalt  }
0x83: {  	_ =	shalt  }
0x84: {  	_ =	shalt  }
0x85: {  	_ =	shalt  }
0x86: {  	_ =	shalt  }
0x87: {  	_ =	shalt  }
.Lfunc_end0:
.L_simem_size_0:
called_computation.1_lowered:
.L_overlay_start_0:
0x88: {  	s2 =	sld [smem:$0x3FD9]  }
0x89: {  	s3 =	sld [smem:$0x3FFE];
	_ =	sdelay $0x1  }
0x8a: {  	s1 =	srdreg.scid  }
0x8b: {  	s0 =	sand.u32 $0x1, s1  }
0x8c: {  	s17 =	sshll.u32 s0, $0xA;
	s2 =	sadd.s32 s3, s2  }
0x8d: {  	s2 =	sadd.s32 s2, s17  }
0x8e: {  	[smem:$0x3FB6] =	sst s2  }
0x8f: {  	_ = 	snop  }
0x90: {  	s2 =	sld [smem:$0x3FC9];
	(tm) =	ssettm $0x1  }
0x91: {  	s18 =	sld [smem:$0x3FFB];
	_ =	sdelay $0x3  }
0x92: {  	_ =	strace s18  }
0x93: {  	s3 =	sld [smem:$0x3FFC];
	_ =	sdelay $0x3  }
0x94: {  	_ =	strace s3  }
0x95: {  	s3 =	sld [smem:$0x3FFD];
	_ =	sdelay $0x3  }
0x96: {  	_ =	strace s3  }
0x97: {  	_ =	strace $0x8FFFFFFF  }
0x98: {  	s19 =	sld [smem:$0x3FDB];
	_ =	sdelay $0x1  }
0x99: {  	s4 =	simm.s32 $_scs_section_size  }
0x9a: {  	s5 =	simm.s32 $_size__tile_overlayer_lowered;
	s6 =	simm.s32 $_tile_overlayer_lowered  }
0x9b: {  	s22 =	simm.s32 $0x1BFF;
	s21 =	sshll.u32 s6, $0x1;
	s3 =	sadd.s32 s4, s19  }
0x9c: {  	s7 =	simm.s32 $0x0;
	s20 =	sshll.u32 s5, $0x1;
	s5 =	sadd.s32 s21, s3  }
0x9d: {  	[timem:s7], [sflag:s22] =	dma.local [hbm:s5], s20  }
0x9e: {  	_ =	swait.ge [sflag:s22], s20  }
0x9f: {  	s4 =	ssub.s32 $0x0, s20;
	[sflag:s22] =	ssyncset.done $0x0  }
0xa0: {  	[sflag:s22] =	ssyncadd.s32 s4;
	_ =	sdelay $0x1  }
0xa1: {  	s23 =	simm.s32 $0x1B8B  }
0xa2: {  	_ =	swait.ge [sflag:s23], $0x1  }
0xa3: {  	[sflag:s23] =	ssyncset.done $0x0  }
0xa4: {  	s25 =	simm.s32 $0x1B8E;
	s24 =	sld [smem:$0x3FFE];
	[sflag:s23] =	ssyncadd.s32 $0xFFFFFFFF  }
0xa5: {  	s26 =	simm.s32 $execute0_lowered;
	[smem:$0x3FD2] =	sst s25  }
0xa6: {  	s5 =	sshll.u32 s26, $0x1;
	_ =	strace $0x80000046;
	[dreg:$0x1] =	wrdreg $0xFFFFFFFF  }
0xa7: {  	s28 =	simm.s32 $_size_execute0_lowered;
	s3 =	sadd.s32 s3, s5;
	[dreg:$0x0] =	wrdreg $0x0  }
0xa8: {  	s5 =	sshll.u32 s28, $0x1;
	[dreg:$0x2] =	wrdreg s3  }
0xa9: {  	[dreg:$0x3] =	wrdreg s5  }
0xaa: {  	[dreg:$0x4] =	wrdreg $0xC0  }
0xab: {  	_ =	task [dreg:s7], $0x5FFFF  }
0xac: {  	[dreg:$0x1] =	wrdreg $0xFFFFFFFF  }
0xad: {  	[dreg:$0x0] =	wrdreg $0x60  }
0xae: {  	[dreg:$0x2] =	wrdreg s2  }
0xaf: {  	[dreg:$0x3] =	wrdreg s24  }
0xb0: {  	[dreg:$0x4] =	wrdreg $0xA8000  }
0xb1: {  	[dreg:$0x5] =	wrdreg $0xA  }
0xb2: {  	_ =	task.clear_ibuf [dreg:s7], $0x6FFFF;
	_ =	strace $0x90000046  }
0xb3: {  	s29 =	simm.s32 $0xA;
	_ =	strace $0x80000048  }
0xb4: {  	_ =	swait.ge [sflag:s29], $0x1  }
0xb5: {  	[sflag:s29] =	ssyncadd.s32 $0xFFFFFFFF  }
0xb6: {  	_ =	strace $0x90000048  }
0xb7: {  	_ =	sfence  }
0xb8: {  	s30 =	sld [smem:$0x0];
	_ =	sdelay $0x2  }
0xb9: {  	s31 =	sshll.u32 s1, $0xD;
	s1 =	sshrl.u32 s1, $0x2  }
0xba: {  	s3 =	sand.u32 $0x4000, s31;
	s1 =	sadd.s32 s1, s30  }
0xbb: {  	s0 =	sor.u32 s3, s0;
	s1 =	sshll.u32 s1, $0x11  }
0xbc: {  	s0 =	sor.u32 s1, s0  }
0xbd: {  	s0 =	sadd.s32 $0x8F2B, s0  }
0xbe: {  	[sflag:s0] =	ssyncadd.remote.s32 $0x1  }
0xbf: {  	_ =	sfence.sel $0xFFFF  }
0xc0: {  	[dreg:$0x0] =	wrdreg $0xFFFFFFFF;
	(pc) =	sbr.abs _section_cstart, $3  }
0xc1: {  	[dreg:$0x1] =	wrdreg $0xFFFFFFFF  }
0xc2: {  	_ =	task.clear_ibuf [dreg:s7], $0x2FFFF;
	_ =	strace $0x9FFFFFFF  }
0xc3: {  	(tm) =	ssettm $0x7FFFFFFF  }
tec
execute0_lowered:
.L_overlay_start_1:
0x0: {  	(tag) =	ssettag $0x1  }
0x1: {  	s1 =	rddreg [dreg:$0x0]  }
0x2: {  	s6 =	rddreg [dreg:$0x1]  }
0x3: {  	s2 =	rddreg [dreg:$0x2];
	s3 =	srdreg.scid;
	s4 =	simm.s32 $0x0  }
0x4: {  	s0 =	stileid.u32;
	s16 =	simm.s32 $0x40;
	s17 =	simm.s32 $0x2800  }
0x5: {  	s18 =	simm.s32 $0x4800;
	s19 =	simm.s32 $0x6800;
	s20 =	simm.s32 $0x8800  }
0x6: {  	s21 =	simm.s32 $0x1;
	s22 =	simm.s32 $0x80;
	s28 =	simm.s32 $0x2780  }
0x7: {  	s29 =	simm.s32 $0x0;
	s7 =	sand.u32 $0x1, s3;
	[smem:$0x7FF] =	sst s4  }
0x8: {  	s9 =	smul.u32 $0x13C00, s0;
	s10 =	sadd.s32 $0x2E00, s6;
	s11 =	sadd.s32 $0xCE00, s6  }
0x9: {  	s23 =	sadd.s32 $0x16E00, s6;
	s12 =	smul.u32 $0x4F000, s0;
	s26 =	sshll.u32 s0, $0x6  }
0xa: {  	s8 =	smul.u32 $0x13C000, s7;
	_ =	strace $0x80000047;
	[dreg:$0x4] =	wrdreg s23  }
0xb: {  	s24 =	sshll.u32 s7, $0x4;
	s7 =	ssub.s32 $0x2, s7;
	s23 =	simm.s32 $0x2  }
0xc: {  	s13 =	sshrl.u32 s7, $0x1;
	s25 =	sshrl.u32 s12, $0x2;
	s8 =	sadd.s32 s9, s8  }
0xd: {  	s9 =	sor.u32 s0, s24;
	s13 =	ssub.s32 s7, s13;
	s15 =	sadd.s32 s25, s2  }
0xe: {  	s24 =	simm.s32 $0x1380;
	s25 =	simm.s32 $0x13C0;
	s9 =	smul.u32 $0x2800, s9  }
0xf: {  	s8 =	sshrl.u32 s8, $0x3;
	s12 =	smax.u32 s13, $0x1;
	s13 =	sshrl.u32 s15, $0x3  }
0x10: {  	s15 =	simm.s32 $0x1400;
	s14 =	sadd.s32 s8, s6;
	s30 =	sshrl.u32 s9, $0x3  }
0x11: {  	s6 =	sor.u32 $0x1C03, s26;
	s26 =	simm.s32 $0x2700;
	s31 =	sadd.s32 $0x280, s30  }
0x12: {  	s7 =	sadd.s32 s10, s30;
	s8 =	sadd.s32 s11, s30;
	s9 =	sadd.s32 s10, s31  }
0x13: {  	s10 =	sadd.s32 s11, s31;
	s11 =	sadd.s32 $0x19600, s14;
	s14 =	simm.s32 $0x3  }
.LBB2_1:
0x14: {  	s0 =	rddreg [dreg:$0x4]  }
0x15: {  	[spmem:s13], [sflag:s6] =	dma.local [hbm:s0], $0x2780  }
0x16: {  	_ =	swait.ge [sflag:s14], $0x2780  }
0x17: {  	[sflag:s14] =	ssyncset.done $0x0  }
0x18: {  	[sflag:s14] =	ssyncadd.s32 $0xFFFFD880  }
0x19: {  	[bflag:$0x0] =	sbarrier.arrive $0xFFFF  }
0x1a: {  	[tilespmem:s4], [sflag:$0x3] =	stream.linear.gather [hbm4b:s7+s4], $0x1400, $0x38;
	[tilespmem:$0x1E400] =	vst v63  }
0x1b: {  	_ =	swait.ge [sflag:s14], $0x1400  }
0x1c: {  	[sflag:s14] =	ssyncset.done $0x0  }
0x1d: {  	[sflag:s14] =	ssyncadd.s32 $0xFFFFEC00  }
0x1e: {  	[tilespmem:s15], [sflag:$0x3] =	stream.linear.gather [hbm4b:s8+s4], $0x1400, $0x38;
	[tilespmem:$0x1E400] =	vst v63  }
0x1f: {  	_ =	swait.ge [sflag:s14], $0x1400  }
0x20: {  	[sflag:s14] =	ssyncset.done $0x0  }
0x21: {  	[sflag:s14] =	ssyncadd.s32 $0xFFFFEC00  }
0x22: {  	[tilespmem:s17], [sflag:$0x1] =	stream.indirect.gather [hbm4b:s1+s16], $0x80, s4, s16, $0xb8;
	[tilespmem:$0x1E400] =	vst v63  }
0x23: {  	_ = 	snop  }
0x24: {  	[tilespmem:s18], [sflag:$0x1] =	stream.indirect.gather [hbm4b:s1+s16], $0x80, s16, s16, $0xb8;
	[tilespmem:$0x1E400] =	vst v63  }
0x25: {  	s30 =	simm.s32 $0x80  }
0x26: {  	[tilespmem:s19], [sflag:$0x2] =	stream.indirect.gather [hbm4b:s1+s16], $0x80, s30, s16, $0xb8;
	[tilespmem:$0x1E400] =	vst v63  }
0x27: {  	s30 =	simm.s32 $0xC0  }
0x28: {  	[tilespmem:s20], [sflag:$0x2] =	stream.indirect.gather [hbm4b:s1+s16], $0x80, s30, s16, $0xb8;
	[tilespmem:$0x1E400] =	vst v63  }
0x29: {  	_ =	swait.ge [sflag:s21], $0x2000  }
0x2a: {  	[sflag:s21] =	ssyncset.done $0x0  }
0x2b: {  	[sflag:s21] =	ssyncadd.s32 $0xFFFFE000  }
0x2c: {  	_ =	swait.ge [sflag:s21], $0x2000  }
0x2d: {  	[sflag:s21] =	ssyncset.done $0x0  }
0x2e: {  	s30 =	simm.s32 $0x1400;
	[sflag:s21] =	ssyncadd.s32 $0xFFFFE000  }
0x2f: {  	[spmem:s2] =	stream.indirect.scatter.add.f32 [tilespmem:s17], [sflag:$0x3], $0x80, s30, s22, $0xb8;
	[tilespmem:$0x1E400] =	vst v63  }
0x30: {  	_ =	swait.ge [sflag:s14], $0x4000  }
0x31: {  	[sflag:s14] =	ssyncset.done $0x0  }
0x32: {  	s30 =	simm.s32 $0x100;
	[sflag:s14] =	ssyncadd.s32 $0xFFFFC000  }
0x33: {  	[tilespmem:s17], [sflag:$0x1] =	stream.indirect.gather [hbm4b:s1+s16], $0x80, s30, s16, $0xb8;
	[tilespmem:$0x1E400] =	vst v63  }
0x34: {  	s30 =	simm.s32 $0x140  }
0x35: {  	[tilespmem:s18], [sflag:$0x1] =	stream.indirect.gather [hbm4b:s1+s16], $0x80, s30, s16, $0xb8;
	[tilespmem:$0x1E400] =	vst v63  }
0x36: {  	_ =	swait.ge [sflag:s23], $0x2000  }
0x37: {  	[sflag:s23] =	ssyncset.done $0x0  }
0x38: {  	[sflag:s23] =	ssyncadd.s32 $0xFFFFE000  }
0x39: {  	_ =	swait.ge [sflag:s23], $0x2000  }
0x3a: {  	[sflag:s23] =	ssyncset.done $0x0  }
0x3b: {  	s30 =	simm.s32 $0x1480;
	[sflag:s23] =	ssyncadd.s32 $0xFFFFE000  }
0x3c: {  	[spmem:s2] =	stream.indirect.scatter.add.f32 [tilespmem:s19], [sflag:$0x3], $0x80, s30, s22, $0xb8;
	[tilespmem:$0x1E400] =	vst v63  }
0x3d: {  	_ =	swait.ge [sflag:s14], $0x4000  }
0x3e: {  	s31 =	simm.s32 $0x800;
	s30 =	simm.s32 $0x100;
	[sflag:s14] =	ssyncset.done $0x0  }
.LBB2_2:
0x3f: {  	s0 =	sadd.s32 $0x80, s30  }
0x40: {  	[sflag:s14] =	ssyncadd.s32 $0xFFFFC000;
	s3 =	smov.u32 s31;
	s5 =	sadd.s32 $0x400, s31  }
0x41: {  	[tilespmem:s19], [sflag:$0x2] =	stream.indirect.gather [hbm4b:s1+s16], $0x80, s0, s16, $0xb8;
	[tilespmem:$0x1E400] =	vst v63  }
0x42: {  	p0 =	sne.s32 s31, $0x4800;
	s0 =	sadd.s32 $0xC0, s30  }
0x43: {  	[tilespmem:s20], [sflag:$0x2] =	stream.indirect.gather [hbm4b:s1+s16], $0x80, s0, s16, $0xb8;
	[tilespmem:$0x1E400] =	vst v63  }
0x44: {  	_ =	swait.ge [sflag:s21], $0x2000  }
0x45: {  	[sflag:s21] =	ssyncset.done $0x0  }
0x46: {  	[sflag:s21] =	ssyncadd.s32 $0xFFFFE000  }
0x47: {  	_ =	swait.ge [sflag:s21], $0x2000  }
0x48: {  	[sflag:s21] =	ssyncset.done $0x0  }
0x49: {  	s0 =	sadd.s32 $0x1400, s30;
	[sflag:s21] =	ssyncadd.s32 $0xFFFFE000  }
0x4a: {  	[spmem:s2] =	stream.indirect.scatter.add.f32 [tilespmem:s17], [sflag:$0x3], $0x80, s0, s22, $0xb8;
	[tilespmem:$0x1E400] =	vst v63  }
0x4b: {  	_ =	swait.ge [sflag:s14], $0x4000  }
0x4c: {  	[sflag:s14] =	ssyncset.done $0x0  }
0x4d: {  	s0 =	sadd.s32 $0x100, s30;
	[sflag:s14] =	ssyncadd.s32 $0xFFFFC000  }
0x4e: {  	[tilespmem:s17], [sflag:$0x1] =	stream.indirect.gather [hbm4b:s1+s16], $0x80, s0, s16, $0xb8;
	[tilespmem:$0x1E400] =	vst v63  }
0x4f: {  	s0 =	sadd.s32 $0x140, s30  }
0x50: {  	[tilespmem:s18], [sflag:$0x1] =	stream.indirect.gather [hbm4b:s1+s16], $0x80, s0, s16, $0xb8;
	[tilespmem:$0x1E400] =	vst v63  }
0x51: {  	_ =	swait.ge [sflag:s23], $0x2000  }
0x52: {  	[sflag:s23] =	ssyncset.done $0x0  }
0x53: {  	[sflag:s23] =	ssyncadd.s32 $0xFFFFE000  }
0x54: {  	_ =	swait.ge [sflag:s23], $0x2000  }
.Ltmp0:
0x55: {  	[sflag:s23] =	ssyncset.done $0x0;
	(pc) =	sbr.rel @p0 .LBB2_2-.Ltmp0, $4  }
0x56: {  	s0 =	sadd.s32 $0x1480, s30;
	[sflag:s23] =	ssyncadd.s32 $0xFFFFE000  }
0x57: {  	[spmem:s2] =	stream.indirect.scatter.add.f32 [tilespmem:s19], [sflag:$0x3], $0x80, s0, s22, $0xb8;
	[tilespmem:$0x1E400] =	vst v63  }
0x58: {  	_ =	swait.ge [sflag:s14], $0x4000  }
0x59: {  	s31 =	smov.u32 s5;
	s30 =	sshra.s32 s3, $0x2;
	[sflag:s14] =	ssyncset.done $0x0  }
0x5a: {  	s0 =	sadd.s32 $0x80, s30;
	[sflag:s14] =	ssyncadd.s32 $0xFFFFC000  }
0x5b: {  	[tilespmem:s19], [sflag:$0x2] =	stream.indirect.gather [hbm4b:s1+s16], $0x80, s0, s16, $0xb8;
	[tilespmem:$0x1E400] =	vst v63  }
0x5c: {  	s3 =	sadd.s32 $0xC0, s30  }
0x5d: {  	[tilespmem:s20], [sflag:$0x2] =	stream.indirect.gather [hbm4b:s1+s16], $0x80, s3, s16, $0xb8;
	[tilespmem:$0x1E400] =	vst v63  }
0x5e: {  	_ =	swait.ge [sflag:s21], $0x2000  }
0x5f: {  	[sflag:s21] =	ssyncset.done $0x0  }
0x60: {  	[sflag:s21] =	ssyncadd.s32 $0xFFFFE000  }
0x61: {  	_ =	swait.ge [sflag:s21], $0x2000  }
0x62: {  	[sflag:s21] =	ssyncset.done $0x0  }
0x63: {  	s5 =	sadd.s32 $0x1400, s30;
	[sflag:s21] =	ssyncadd.s32 $0xFFFFE000  }
0x64: {  	[spmem:s2] =	stream.indirect.scatter.add.f32 [tilespmem:s17], [sflag:$0x3], $0x80, s5, s22, $0xb8;
	[tilespmem:$0x1E400] =	vst v63  }
0x65: {  	_ =	swait.ge [sflag:s14], $0x4000  }
0x66: {  	[sflag:s14] =	ssyncset.done $0x0  }
0x67: {  	s3 =	sadd.s32 $0x100, s30;
	[sflag:s14] =	ssyncadd.s32 $0xFFFFC000  }
0x68: {  	[tilespmem:s17], [sflag:$0x1] =	stream.indirect.gather [hbm4b:s1+s16], $0x80, s3, s16, $0xb8;
	[tilespmem:$0x1E400] =	vst v63  }
0x69: {  	s5 =	sadd.s32 $0x140, s30  }
0x6a: {  	[tilespmem:s18], [sflag:$0x1] =	stream.indirect.gather [hbm4b:s1+s16], $0x80, s5, s16, $0xb8;
	[tilespmem:$0x1E400] =	vst v63  }
0x6b: {  	_ =	swait.ge [sflag:s23], $0x2000  }
0x6c: {  	[sflag:s23] =	ssyncset.done $0x0  }
0x6d: {  	[sflag:s23] =	ssyncadd.s32 $0xFFFFE000  }
0x6e: {  	_ =	swait.ge [sflag:s23], $0x2000  }
0x6f: {  	[sflag:s23] =	ssyncset.done $0x0  }
0x70: {  	s3 =	sadd.s32 $0x1480, s30;
	[sflag:s23] =	ssyncadd.s32 $0xFFFFE000  }
0x71: {  	[spmem:s2] =	stream.indirect.scatter.add.f32 [tilespmem:s19], [sflag:$0x3], $0x80, s3, s22, $0xb8;
	[tilespmem:$0x1E400] =	vst v63  }
0x72: {  	_ =	swait.ge [sflag:s14], $0x4000  }
0x73: {  	[sflag:s14] =	ssyncset.done $0x0  }
0x74: {  	[sflag:s14] =	ssyncadd.s32 $0xFFFFC000  }
0x75: {  	[tilespmem:s19], [sflag:$0x2] =	stream.indirect.gather [hbm4b:s1+s16], $0x80, s24, s16, $0xb8;
	[tilespmem:$0x1E400] =	vst v63  }
0x76: {  	_ = 	snop  }
0x77: {  	[tilespmem:s20], [sflag:$0x2] =	stream.indirect.gather [hbm4b:s1+s16], $0x80, s25, s16, $0xb8;
	[tilespmem:$0x1E400] =	vst v63  }
0x78: {  	_ =	swait.ge [sflag:s21], $0x2000  }
0x79: {  	[sflag:s21] =	ssyncset.done $0x0  }
0x7a: {  	[sflag:s21] =	ssyncadd.s32 $0xFFFFE000  }
0x7b: {  	_ =	swait.ge [sflag:s21], $0x2000  }
0x7c: {  	[sflag:s21] =	ssyncset.done $0x0  }
0x7d: {  	[sflag:s21] =	ssyncadd.s32 $0xFFFFE000  }
0x7e: {  	[spmem:s2] =	stream.indirect.scatter.add.f32 [tilespmem:s17], [sflag:$0x3], $0x80, s26, s22, $0xb8;
	[tilespmem:$0x1E400] =	vst v63  }
0x7f: {  	_ =	swait.ge [sflag:s14], $0x4000  }
0x80: {  	[sflag:s14] =	ssyncset.done $0x0  }
0x81: {  	[sflag:s14] =	ssyncadd.s32 $0xFFFFC000  }
0x82: {  	_ =	swait.ge [sflag:s23], $0x2000  }
0x83: {  	[sflag:s23] =	ssyncset.done $0x0  }
0x84: {  	[sflag:s23] =	ssyncadd.s32 $0xFFFFE000  }
0x85: {  	_ =	swait.ge [sflag:s23], $0x2000  }
0x86: {  	[sflag:s23] =	ssyncset.done $0x0  }
0x87: {  	[sflag:s23] =	ssyncadd.s32 $0xFFFFE000  }
0x88: {  	[spmem:s2] =	stream.indirect.scatter.add.f32 [tilespmem:s19], [sflag:$0x3], $0x80, s28, s22, $0xb8;
	[tilespmem:$0x1E400] =	vst v63  }
0x89: {  	_ =	swait.ge [sflag:s14], $0x4000  }
0x8a: {  	[sflag:s14] =	ssyncset.done $0x0  }
0x8b: {  	s5 =	simm.s32 $0x0;
	[sflag:s14] =	ssyncadd.s32 $0xFFFFC000  }
0x8c: {  	[tilespmem:s5], [sflag:$0x3] =	stream.linear.gather [hbm4b:s9+s5], $0x1400, $0x38;
	[tilespmem:$0x1E400] =	vst v63  }
0x8d: {  	_ =	swait.ge [sflag:s14], $0x1400  }
0x8e: {  	[sflag:s14] =	ssyncset.done $0x0  }
0x8f: {  	[sflag:s14] =	ssyncadd.s32 $0xFFFFEC00  }
0x90: {  	[tilespmem:s15], [sflag:$0x3] =	stream.linear.gather [hbm4b:s10+s5], $0x1400, $0x38;
	[tilespmem:$0x1E400] =	vst v63  }
0x91: {  	_ =	swait.ge [sflag:s14], $0x1400  }
0x92: {  	[sflag:s14] =	ssyncset.done $0x0  }
0x93: {  	[sflag:s14] =	ssyncadd.s32 $0xFFFFEC00  }
0x94: {  	[tilespmem:s17], [sflag:$0x1] =	stream.indirect.gather [hbm4b:s1+s16], $0x80, s5, s16, $0xb8;
	[tilespmem:$0x1E400] =	vst v63  }
0x95: {  	_ = 	snop  }
0x96: {  	[tilespmem:s18], [sflag:$0x1] =	stream.indirect.gather [hbm4b:s1+s16], $0x80, s16, s16, $0xb8;
	[tilespmem:$0x1E400] =	vst v63  }
0x97: {  	s3 =	simm.s32 $0x80  }
0x98: {  	[tilespmem:s19], [sflag:$0x2] =	stream.indirect.gather [hbm4b:s1+s16], $0x80, s3, s16, $0xb8;
	[tilespmem:$0x1E400] =	vst v63  }
0x99: {  	s5 =	simm.s32 $0xC0  }
0x9a: {  	[tilespmem:s20], [sflag:$0x2] =	stream.indirect.gather [hbm4b:s1+s16], $0x80, s5, s16, $0xb8;
	[tilespmem:$0x1E400] =	vst v63  }
0x9b: {  	_ =	swait.ge [sflag:s21], $0x2000  }
0x9c: {  	[sflag:s21] =	ssyncset.done $0x0  }
0x9d: {  	[sflag:s21] =	ssyncadd.s32 $0xFFFFE000  }
0x9e: {  	_ =	swait.ge [sflag:s21], $0x2000  }
0x9f: {  	[sflag:s21] =	ssyncset.done $0x0  }
0xa0: {  	s3 =	simm.s32 $0x1400;
	[sflag:s21] =	ssyncadd.s32 $0xFFFFE000  }
0xa1: {  	[spmem:s2] =	stream.indirect.scatter.add.f32 [tilespmem:s17], [sflag:$0x3], $0x80, s3, s22, $0xb8;
	[tilespmem:$0x1E400] =	vst v63  }
0xa2: {  	_ =	swait.ge [sflag:s14], $0x4000  }
0xa3: {  	[sflag:s14] =	ssyncset.done $0x0  }
0xa4: {  	s5 =	simm.s32 $0x100;
	[sflag:s14] =	ssyncadd.s32 $0xFFFFC000  }
0xa5: {  	[tilespmem:s17], [sflag:$0x1] =	stream.indirect.gather [hbm4b:s1+s16], $0x80, s5, s16, $0xb8;
	[tilespmem:$0x1E400] =	vst v63  }
0xa6: {  	s3 =	simm.s32 $0x140  }
0xa7: {  	[tilespmem:s18], [sflag:$0x1] =	stream.indirect.gather [hbm4b:s1+s16], $0x80, s3, s16, $0xb8;
	[tilespmem:$0x1E400] =	vst v63  }
0xa8: {  	_ =	swait.ge [sflag:s23], $0x2000  }
0xa9: {  	[sflag:s23] =	ssyncset.done $0x0  }
0xaa: {  	[sflag:s23] =	ssyncadd.s32 $0xFFFFE000  }
0xab: {  	_ =	swait.ge [sflag:s23], $0x2000  }
0xac: {  	[sflag:s23] =	ssyncset.done $0x0  }
0xad: {  	s5 =	simm.s32 $0x1480;
	[sflag:s23] =	ssyncadd.s32 $0xFFFFE000  }
0xae: {  	[spmem:s2] =	stream.indirect.scatter.add.f32 [tilespmem:s19], [sflag:$0x3], $0x80, s5, s22, $0xb8;
	[tilespmem:$0x1E400] =	vst v63  }
0xaf: {  	_ =	swait.ge [sflag:s14], $0x4000  }
0xb0: {  	s31 =	simm.s32 $0x800;
	s30 =	simm.s32 $0x100;
	[sflag:s14] =	ssyncset.done $0x0  }
.LBB2_4:
0xb1: {  	s0 =	sadd.s32 $0x80, s30  }
0xb2: {  	[sflag:s14] =	ssyncadd.s32 $0xFFFFC000;
	s3 =	smov.u32 s31;
	s5 =	sadd.s32 $0x400, s31  }
0xb3: {  	[tilespmem:s19], [sflag:$0x2] =	stream.indirect.gather [hbm4b:s1+s16], $0x80, s0, s16, $0xb8;
	[tilespmem:$0x1E400] =	vst v63  }
0xb4: {  	p0 =	sne.s32 s31, $0x4800;
	s0 =	sadd.s32 $0xC0, s30  }
0xb5: {  	[tilespmem:s20], [sflag:$0x2] =	stream.indirect.gather [hbm4b:s1+s16], $0x80, s0, s16, $0xb8;
	[tilespmem:$0x1E400] =	vst v63  }
0xb6: {  	_ =	swait.ge [sflag:s21], $0x2000  }
0xb7: {  	[sflag:s21] =	ssyncset.done $0x0  }
0xb8: {  	[sflag:s21] =	ssyncadd.s32 $0xFFFFE000  }
0xb9: {  	_ =	swait.ge [sflag:s21], $0x2000  }
0xba: {  	[sflag:s21] =	ssyncset.done $0x0  }
0xbb: {  	s0 =	sadd.s32 $0x1400, s30;
	[sflag:s21] =	ssyncadd.s32 $0xFFFFE000  }
0xbc: {  	[spmem:s2] =	stream.indirect.scatter.add.f32 [tilespmem:s17], [sflag:$0x3], $0x80, s0, s22, $0xb8;
	[tilespmem:$0x1E400] =	vst v63  }
0xbd: {  	_ =	swait.ge [sflag:s14], $0x4000  }
0xbe: {  	[sflag:s14] =	ssyncset.done $0x0  }
0xbf: {  	s0 =	sadd.s32 $0x100, s30;
	[sflag:s14] =	ssyncadd.s32 $0xFFFFC000  }
0xc0: {  	[tilespmem:s17], [sflag:$0x1] =	stream.indirect.gather [hbm4b:s1+s16], $0x80, s0, s16, $0xb8;
	[tilespmem:$0x1E400] =	vst v63  }
0xc1: {  	s0 =	sadd.s32 $0x140, s30  }
0xc2: {  	[tilespmem:s18], [sflag:$0x1] =	stream.indirect.gather [hbm4b:s1+s16], $0x80, s0, s16, $0xb8;
	[tilespmem:$0x1E400] =	vst v63  }
0xc3: {  	_ =	swait.ge [sflag:s23], $0x2000  }
0xc4: {  	[sflag:s23] =	ssyncset.done $0x0  }
0xc5: {  	[sflag:s23] =	ssyncadd.s32 $0xFFFFE000  }
0xc6: {  	_ =	swait.ge [sflag:s23], $0x2000  }
.Ltmp1:
0xc7: {  	[sflag:s23] =	ssyncset.done $0x0;
	(pc) =	sbr.rel @p0 .LBB2_4-.Ltmp1, $4  }
0xc8: {  	s0 =	sadd.s32 $0x1480, s30;
	[sflag:s23] =	ssyncadd.s32 $0xFFFFE000  }
0xc9: {  	[spmem:s2] =	stream.indirect.scatter.add.f32 [tilespmem:s19], [sflag:$0x3], $0x80, s0, s22, $0xb8;
	[tilespmem:$0x1E400] =	vst v63  }
0xca: {  	_ =	swait.ge [sflag:s14], $0x4000  }
0xcb: {  	s31 =	smov.u32 s5;
	s30 =	sshra.s32 s3, $0x2;
	[sflag:s14] =	ssyncset.done $0x0  }
0xcc: {  	s0 =	sadd.s32 $0x80, s30;
	[sflag:s14] =	ssyncadd.s32 $0xFFFFC000  }
0xcd: {  	[tilespmem:s19], [sflag:$0x2] =	stream.indirect.gather [hbm4b:s1+s16], $0x80, s0, s16, $0xb8;
	[tilespmem:$0x1E400] =	vst v63  }
0xce: {  	s5 =	sadd.s32 $0xC0, s30  }
0xcf: {  	[tilespmem:s20], [sflag:$0x2] =	stream.indirect.gather [hbm4b:s1+s16], $0x80, s5, s16, $0xb8;
	[tilespmem:$0x1E400] =	vst v63  }
0xd0: {  	_ =	swait.ge [sflag:s21], $0x2000  }
0xd1: {  	[sflag:s21] =	ssyncset.done $0x0  }
0xd2: {  	[sflag:s21] =	ssyncadd.s32 $0xFFFFE000  }
0xd3: {  	_ =	swait.ge [sflag:s21], $0x2000  }
0xd4: {  	[sflag:s21] =	ssyncset.done $0x0  }
0xd5: {  	s31 =	sadd.s32 $0x1400, s30;
	[sflag:s21] =	ssyncadd.s32 $0xFFFFE000  }
0xd6: {  	[spmem:s2] =	stream.indirect.scatter.add.f32 [tilespmem:s17], [sflag:$0x3], $0x80, s31, s22, $0xb8;
	[tilespmem:$0x1E400] =	vst v63  }
0xd7: {  	_ =	swait.ge [sflag:s14], $0x4000  }
0xd8: {  	[sflag:s14] =	ssyncset.done $0x0  }
0xd9: {  	s3 =	sadd.s32 $0x100, s30;
	[sflag:s14] =	ssyncadd.s32 $0xFFFFC000  }
0xda: {  	[tilespmem:s17], [sflag:$0x1] =	stream.indirect.gather [hbm4b:s1+s16], $0x80, s3, s16, $0xb8;
	[tilespmem:$0x1E400] =	vst v63  }
0xdb: {  	s5 =	sadd.s32 $0x140, s30  }
0xdc: {  	[tilespmem:s18], [sflag:$0x1] =	stream.indirect.gather [hbm4b:s1+s16], $0x80, s5, s16, $0xb8;
	[tilespmem:$0x1E400] =	vst v63  }
0xdd: {  	_ =	swait.ge [sflag:s23], $0x2000  }
0xde: {  	[sflag:s23] =	ssyncset.done $0x0  }
0xdf: {  	[sflag:s23] =	ssyncadd.s32 $0xFFFFE000  }
0xe0: {  	_ =	swait.ge [sflag:s23], $0x2000  }
0xe1: {  	[sflag:s23] =	ssyncset.done $0x0  }
0xe2: {  	s31 =	sadd.s32 $0x1480, s30;
	[sflag:s23] =	ssyncadd.s32 $0xFFFFE000  }
0xe3: {  	[spmem:s2] =	stream.indirect.scatter.add.f32 [tilespmem:s19], [sflag:$0x3], $0x80, s31, s22, $0xb8;
	[tilespmem:$0x1E400] =	vst v63  }
0xe4: {  	_ =	swait.ge [sflag:s14], $0x4000  }
0xe5: {  	[sflag:s14] =	ssyncset.done $0x0  }
0xe6: {  	[sflag:s14] =	ssyncadd.s32 $0xFFFFC000  }
0xe7: {  	[tilespmem:s19], [sflag:$0x2] =	stream.indirect.gather [hbm4b:s1+s16], $0x80, s24, s16, $0xb8;
	[tilespmem:$0x1E400] =	vst v63  }
0xe8: {  	_ = 	snop  }
0xe9: {  	[tilespmem:s20], [sflag:$0x2] =	stream.indirect.gather [hbm4b:s1+s16], $0x80, s25, s16, $0xb8;
	[tilespmem:$0x1E400] =	vst v63  }
0xea: {  	_ =	swait.ge [sflag:s21], $0x2000  }
0xeb: {  	[sflag:s21] =	ssyncset.done $0x0  }
0xec: {  	[sflag:s21] =	ssyncadd.s32 $0xFFFFE000  }
0xed: {  	_ =	swait.ge [sflag:s21], $0x2000  }
0xee: {  	[sflag:s21] =	ssyncset.done $0x0  }
0xef: {  	[sflag:s21] =	ssyncadd.s32 $0xFFFFE000  }
0xf0: {  	[spmem:s2] =	stream.indirect.scatter.add.f32 [tilespmem:s17], [sflag:$0x3], $0x80, s26, s22, $0xb8;
	[tilespmem:$0x1E400] =	vst v63  }
0xf1: {  	_ =	swait.ge [sflag:s14], $0x4000  }
0xf2: {  	[sflag:s14] =	ssyncset.done $0x0  }
0xf3: {  	[sflag:s14] =	ssyncadd.s32 $0xFFFFC000  }
0xf4: {  	_ =	swait.ge [sflag:s23], $0x2000  }
0xf5: {  	[sflag:s23] =	ssyncset.done $0x0  }
0xf6: {  	[sflag:s23] =	ssyncadd.s32 $0xFFFFE000  }
0xf7: {  	_ =	swait.ge [sflag:s23], $0x2000  }
0xf8: {  	[sflag:s23] =	ssyncset.done $0x0  }
0xf9: {  	[sflag:s23] =	ssyncadd.s32 $0xFFFFE000  }
0xfa: {  	[spmem:s2] =	stream.indirect.scatter.add.f32 [tilespmem:s19], [sflag:$0x3], $0x80, s28, s22, $0xb8;
	[tilespmem:$0x1E400] =	vst v63  }
0xfb: {  	_ =	swait.ge [sflag:s14], $0x4000  }
0xfc: {  	s29 =	sadd.s32 $0x1, s29;
	[sflag:s14] =	ssyncset.done $0x0  }
0xfd: {  	p0 =	sne.s32 s29, s12;
	[sflag:s14] =	ssyncadd.s32 $0xFFFFC000  }
.Ltmp2:
0xfe: {  	[bflag:$0x0] =	sbarrier.arrive $0xFFFF;
	(pc) =	sbr.rel @p0 .LBB2_1-.Ltmp2, $4  }
0xff: {  	[hbm:s11], [sflag:s6] =	dma.local [spmem:s13], $0x2780  }
0x100: {  	_ =	swait.ge [sflag:s14], $0x2780  }
0x101: {  	[sflag:s14] =	ssyncset.done $0x0  }
0x102: {  	[sflag:s14] =	ssyncadd.s32 $0xFFFFD880  }
0x103: {  	_ =	sfence.sel $0x180000  }
0x104: {  	[bflag:$0x0] =	sbarrier.arrive $0xFFFF  }
0x105: {  	_ =	strace $0x90000047  }
0x106: {  	s0 =	stileid.u32;
	[bflag:$0x2] =	sbarrier.arrive $0xFFFF  }
0x107: {  	p0 =	sne.s32 s0, $0x0;
	s0 =	rddreg [dreg:$0x3]  }
0x108: {  	s0 =	sadd.s32 @!p0 $0x100000, s0  }
0x109: {  	[sflag:s0] =	ssyncadd.tile.s32 @!p0 $0x1;
	_ =	shalt  }
.Lfunc_end2:
_tile_overlayer_lowered:
.L_overlay_start_2:
0x10a: {  	(tag) =	ssettag $0x2  }
0x10b: {  	s0 =	rddreg [dreg:$0x0];
	s2 =	stileid.u32  }
0x10c: {  	s1 =	rddreg [dreg:$0x1];
	p0 =	sne.s32 s2, $0x0  }
0x10d: {  	s3 =	rddreg [dreg:$0x2];
	[bflag:$0x3] =	sbarrier.arrive $0xFFFF;
	s2 =	simm.s32 @!p0 $0x1C03  }
0x10e: {  	[timem:s3], [sflag:s2] =	dma.local @!p0 [hbm:s0], s1  }
0x10f: {  	s0 =	simm.s32 @!p0 $0x3  }
0x110: {  	_ =	swait.ge @!p0 [sflag:s0], s1  }
0x111: {  	s1 =	ssub.s32 @!p0 $0x0, s1;
	[sflag:s0] =	ssyncset.done @!p0 $0x0  }
0x112: {  	[sflag:s0] =	ssyncadd.s32 @!p0 s1  }
0x113: {  	[bflag:$0x3] =	sbarrier.arrive $0xFFFF  }
0x114: {  	_ =	shalt  }

// kernel: kernel.13.cloned.1.call-start
scs
__scs_entry_jumppad:
0x0: {  	(pc) =	sbr.rel $0x88, $3  }
0x1: {  	(tag) =	ssettag $0x0;
	lr =	simm.s32 $0x1  }
0x2: {  	[smem:$0x3F8F] =	sst lr;
	_ =	strace $0xD0000000  }
0x3: {  	_ = 	snop  }
0x4: {  	_ = 	snop  }
0x5: {  	_ = 	snop  }
0x6: {  	_ = 	snop  }
0x7: {  	_ = 	snop  }
__scs_overlays_trampoline_lowered:
0x8: {  	[smem:$0x3F9E] =	sst s0  }
0x9: {  	[smem:$0x3F9F] =	sst s1  }
0xa: {  	[smem:$0x3FA0] =	sst s2  }
0xb: {  	[smem:$0x3FA1] =	sst s3  }
0xc: {  	[smem:$0x3FA2] =	sst s4  }
0xd: {  	[smem:$0x3FA3] =	sst s5  }
0xe: {  	[smem:$0x3FA4] =	sst s6  }
0xf: {  	[smem:$0x3FA5] =	sst s7  }
0x10: {  	[smem:$0x3FA6] =	sst s8  }
0x11: {  	[smem:$0x3FA7] =	sst s9;
	s0 =	simm.s32 @!p0 $0x0  }
0x12: {  	s1 =	sld [smem:$0x3F8D];
	s0 =	simm.s32 @p0 $0x1  }
0x13: {  	[smem:$0x3FA8] =	sst s0;
	s0 =	simm.s32 @!p1 $0x0  }
0x14: {  	s2 =	sld [smem:$0x3F8C];
	s0 =	simm.s32 @p1 $0x1  }
0x15: {  	[smem:$0x3FA9] =	sst s0;
	s0 =	simm.s32 @!p2 $0x0  }
0x16: {  	s3 =	sld [smem:$0x3FDB];
	s0 =	simm.s32 @p2 $0x1  }
0x17: {  	s4 =	simm.s32 $0x1BF5;
	[smem:$0x3FAB] =	sst s0  }
0x18: {  	s0 =	sld [smem:$0x3F8E];
	_ =	swait.ge [sflag:s4], $0x0  }
0x19: {  	s7 =	sld [smem:$0x3F8F]  }
0x1a: {  	s8 =	sadd.s32 $0xFFFFE003, lr  }
0x1b: {  	s9 =	sadd.s32 $0xFFFFFEF7, lr;
	s5 =	simm.s32 $0xFFFFFFFF;
	p2 =	slt.u32 s8, $0xFFFFF086  }
0x1c: {  	p1 =	slt.u32 s9, $0xF7A;
	s5 =	simm.s32 @!p2 $0x0  }
0x1d: {  	s5 =	simm.s32 @p1 $0x1;
	p0 =	seq.s32 s7, s2  }
0x1e: {  	s7 =	smul.u32 @!p0 $0xF7A, s2;
	p2 =	seq.s32 @!p0 s5, $0x0  }
0x1f: {  	s9 =	smul.u32 $0xF7A, s1;
	s8 =	simm.s32 @!p0 $0x1BF5;
	p2 =	por !p2, p0  }
0x20: {  	[sflag:s8] =	ssyncset.s32 @!p0 $0xFFFFF086;
	s6 =	sadd.s32 @!p0 s3, s7;
	s7 =	simm.s32 @!p0 $0x108  }
0x21: {  	s3 =	sadd.s32 s3, s9;
	s6 =	sadd.s32 @!p0 $0x88, s6;
	s7 =	simm.s32 @p2 $0x1082  }
0x22: {  	[simem:s7], [sflag:s8] =	dma.local @!p0 [hbm:s6], $0xF7A  }
0x23: {  	s9 =	sor.u32 $0xD0000000, s2;
	s6 =	simm.s32 $0x108;
	_ =	swait.ge @!p0 [sflag:s8], $0x0  }
0x24: {  	s3 =	sadd.s32 $0x88, s3;
	s6 =	simm.s32 @!p1 $0x1082;
	[sflag:s4] =	ssyncset.s32 $0xFFFFF086  }
0x25: {  	[simem:s6], [sflag:s4] =	dma.local [hbm:s3], $0xF7A  }
0x26: {  	[smem:$0x3F8F] =	sst s1;
	(tag) =	ssettag s2;
	_ =	strace s9  }
0x27: {  	s1 =	sld [smem:$0x3F9F]  }
0x28: {  	s2 =	sld [smem:$0x3FA0]  }
0x29: {  	s4 =	sld [smem:$0x3FA2]  }
0x2a: {  	p0 =	seq.s32 s5, $0x0;
	s5 =	sld [smem:$0x3FA3]  }
0x2b: {  	s6 =	sld [smem:$0x3FA4]  }
0x2c: {  	s7 =	sld [smem:$0x3FA5]  }
0x2d: {  	s3 =	simm.s32 $0x108;
	s8 =	sld [smem:$0x3FA6]  }
0x2e: {  	s3 =	simm.s32 @!p0 $0x1082;
	s9 =	sld [smem:$0x3FA7]  }
0x2f: {  	lr =	sadd.s32 s0, s3;
	s0 =	sld [smem:$0x3F9E]  }
0x30: {  	s3 =	sld [smem:$0x3FA1]  }
0x31: {  	[smem:$0x3FAA] =	sst s10  }
0x32: {  	s10 =	sld [smem:$0x3FA8];
	_ =	sdelay $0x3  }
0x33: {  	p0 =	seq.s32 s10, $0x1;
	s10 =	sld [smem:$0x3FAA];
	_ =	sdelay $0x3  }
0x34: {  	[smem:$0x3FAA] =	sst s10  }
0x35: {  	s10 =	sld [smem:$0x3FA9];
	_ =	sdelay $0x3  }
0x36: {  	p1 =	seq.s32 s10, $0x1;
	s10 =	sld [smem:$0x3FAA];
	_ =	sdelay $0x3  }
0x37: {  	[smem:$0x3FAA] =	sst s10  }
0x38: {  	s10 =	sld [smem:$0x3FAB]  }
0x39: {  	_ = 	snop;
	(pc) =	sbr.ind lr, $3  }
0x3a: {  	_ = 	snop  }
0x3b: {  	_ = 	snop  }
0x3c: {  	p2 =	seq.s32 s10, $0x1;
	s10 =	sld [smem:$0x3FAA]  }
0x3d: {  	_ =	shalt  }
0x3e: {  	_ =	shalt  }
0x3f: {  	_ =	shalt  }
0x40: {  	_ =	shalt  }
0x41: {  	_ =	shalt  }
0x42: {  	_ =	shalt  }
0x43: {  	_ =	shalt  }
0x44: {  	_ =	shalt  }
0x45: {  	_ =	shalt  }
0x46: {  	_ =	shalt  }
0x47: {  	_ =	shalt  }
0x48: {  	_ =	shalt  }
0x49: {  	_ =	shalt  }
0x4a: {  	_ =	shalt  }
0x4b: {  	_ =	shalt  }
0x4c: {  	_ =	shalt  }
0x4d: {  	_ =	shalt  }
0x4e: {  	_ =	shalt  }
0x4f: {  	_ =	shalt  }
0x50: {  	_ =	shalt  }
0x51: {  	_ =	shalt  }
0x52: {  	_ =	shalt  }
0x53: {  	_ =	shalt  }
0x54: {  	_ =	shalt  }
0x55: {  	_ =	shalt  }
0x56: {  	_ =	shalt  }
0x57: {  	_ =	shalt  }
0x58: {  	_ =	shalt  }
0x59: {  	_ =	shalt  }
0x5a: {  	_ =	shalt  }
0x5b: {  	_ =	shalt  }
0x5c: {  	_ =	shalt  }
0x5d: {  	_ =	shalt  }
0x5e: {  	_ =	shalt  }
0x5f: {  	_ =	shalt  }
0x60: {  	_ =	shalt  }
0x61: {  	_ =	shalt  }
0x62: {  	_ =	shalt  }
0x63: {  	_ =	shalt  }
0x64: {  	_ =	shalt  }
0x65: {  	_ =	shalt  }
0x66: {  	_ =	shalt  }
0x67: {  	_ =	shalt  }
0x68: {  	_ =	shalt  }
0x69: {  	_ =	shalt  }
0x6a: {  	_ =	shalt  }
0x6b: {  	_ =	shalt  }
0x6c: {  	_ =	shalt  }
0x6d: {  	_ =	shalt  }
0x6e: {  	_ =	shalt  }
0x6f: {  	_ =	shalt  }
0x70: {  	_ =	shalt  }
0x71: {  	_ =	shalt  }
0x72: {  	_ =	shalt  }
0x73: {  	_ =	shalt  }
0x74: {  	_ =	shalt  }
0x75: {  	_ =	shalt  }
0x76: {  	_ =	shalt  }
0x77: {  	_ =	shalt  }
0x78: {  	_ =	shalt  }
0x79: {  	_ =	shalt  }
0x7a: {  	_ =	shalt  }
0x7b: {  	_ =	shalt  }
0x7c: {  	_ =	shalt  }
0x7d: {  	_ =	shalt  }
0x7e: {  	_ =	shalt  }
0x7f: {  	_ =	shalt  }
0x80: {  	_ =	shalt  }
0x81: {  	_ =	shalt  }
0x82: {  	_ =	shalt  }
0x83: {  	_ =	shalt  }
0x84: {  	_ =	shalt  }
0x85: {  	_ =	shalt  }
0x86: {  	_ =	shalt  }
0x87: {  	_ =	shalt  }
.Lfunc_end0:
.L_simem_size_0:
called_computation.2_lowered:
.L_overlay_start_0:
0x88: {  	s2 =	sld [smem:$0x3FD9]  }
0x89: {  	s3 =	sld [smem:$0x3FFE];
	_ =	sdelay $0x1  }
0x8a: {  	s1 =	srdreg.scid  }
0x8b: {  	s0 =	sand.u32 $0x1, s1  }
0x8c: {  	s16 =	sshll.u32 s0, $0xA;
	s2 =	sadd.s32 s3, s2  }
0x8d: {  	s2 =	sadd.s32 s2, s16  }
0x8e: {  	[smem:$0x3FB6] =	sst s2  }
0x8f: {  	_ = 	snop  }
0x90: {  	(tm) =	ssettm $0x1  }
0x91: {  	s17 =	sld [smem:$0x3FFB];
	_ =	sdelay $0x3  }
0x92: {  	_ =	strace s17  }
0x93: {  	s2 =	sld [smem:$0x3FFC];
	_ =	sdelay $0x3  }
0x94: {  	_ =	strace s2  }
0x95: {  	s2 =	sld [smem:$0x3FFD];
	_ =	sdelay $0x3  }
0x96: {  	_ =	strace s2  }
0x97: {  	_ =	strace $0x8FFFFFFF  }
0x98: {  	s18 =	sld [smem:$0x3FDB];
	_ =	sdelay $0x1  }
0x99: {  	s19 =	simm.s32 $_scs_section_size  }
0x9a: {  	s4 =	simm.s32 $_size__tile_overlayer_lowered;
	s5 =	simm.s32 $_tile_overlayer_lowered  }
0x9b: {  	s22 =	simm.s32 $0x1BFF;
	s21 =	sshll.u32 s5, $0x1;
	s2 =	sadd.s32 s19, s18  }
0x9c: {  	s6 =	simm.s32 $0x0;
	s20 =	sshll.u32 s4, $0x1;
	s4 =	sadd.s32 s21, s2  }
0x9d: {  	[timem:s6], [sflag:s22] =	dma.local [hbm:s4], s20  }
0x9e: {  	_ =	swait.ge [sflag:s22], s20  }
0x9f: {  	s3 =	ssub.s32 $0x0, s20;
	[sflag:s22] =	ssyncset.done $0x0  }
0xa0: {  	[sflag:s22] =	ssyncadd.s32 s3;
	_ =	sdelay $0x1  }
0xa1: {  	s23 =	simm.s32 $0x1B8B  }
0xa2: {  	_ =	swait.ge [sflag:s23], $0x1  }
0xa3: {  	[sflag:s23] =	ssyncset.done $0x0  }
0xa4: {  	s25 =	simm.s32 $0x1B8E;
	s24 =	sld [smem:$0x3FFE];
	[sflag:s23] =	ssyncadd.s32 $0xFFFFFFFF  }
0xa5: {  	s26 =	simm.s32 $execute0_lowered;
	[smem:$0x3FD2] =	sst s25  }
0xa6: {  	s4 =	sshll.u32 s26, $0x1;
	_ =	strace $0x8000004C;
	[dreg:$0x1] =	wrdreg $0xFFFFFFFF  }
0xa7: {  	s28 =	simm.s32 $_size_execute0_lowered;
	s2 =	sadd.s32 s2, s4;
	[dreg:$0x0] =	wrdreg $0x0  }
0xa8: {  	s4 =	sshll.u32 s28, $0x1;
	[dreg:$0x2] =	wrdreg s2  }
0xa9: {  	[dreg:$0x3] =	wrdreg s4  }
0xaa: {  	[dreg:$0x4] =	wrdreg $0xC0  }
0xab: {  	_ =	task [dreg:s6], $0x5FFFF  }
0xac: {  	[dreg:$0x1] =	wrdreg $0xFFFFFFFF  }
0xad: {  	[dreg:$0x0] =	wrdreg $0x60  }
0xae: {  	[dreg:$0x2] =	wrdreg s24  }
0xaf: {  	[dreg:$0x3] =	wrdreg $0xA8000  }
0xb0: {  	[dreg:$0x4] =	wrdreg $0x9  }
0xb1: {  	_ =	task.clear_ibuf [dreg:s6], $0x5FFFF;
	_ =	strace $0x9000004C  }
0xb2: {  	s29 =	simm.s32 $0x9;
	_ =	strace $0x8000004E  }
0xb3: {  	_ =	swait.ge [sflag:s29], $0x1  }
0xb4: {  	[sflag:s29] =	ssyncadd.s32 $0xFFFFFFFF  }
0xb5: {  	_ =	strace $0x9000004E  }
0xb6: {  	_ =	sfence  }
0xb7: {  	s30 =	sld [smem:$0x0];
	_ =	sdelay $0x2  }
0xb8: {  	s31 =	sshll.u32 s1, $0xD;
	s1 =	sshrl.u32 s1, $0x2  }
0xb9: {  	s3 =	sand.u32 $0x4000, s31;
	s1 =	sadd.s32 s1, s30  }
0xba: {  	s0 =	sor.u32 s3, s0;
	s1 =	sshll.u32 s1, $0x11  }
0xbb: {  	s0 =	sor.u32 s1, s0  }
0xbc: {  	s0 =	sadd.s32 $0x8F2B, s0  }
0xbd: {  	[sflag:s0] =	ssyncadd.remote.s32 $0x1  }
0xbe: {  	_ =	sfence.sel $0xFFFF  }
0xbf: {  	[dreg:$0x0] =	wrdreg $0xFFFFFFFF;
	(pc) =	sbr.abs _section_cstart, $3  }
0xc0: {  	[dreg:$0x1] =	wrdreg $0xFFFFFFFF  }
0xc1: {  	_ =	task.clear_ibuf [dreg:s6], $0x2FFFF;
	_ =	strace $0x9FFFFFFF  }
0xc2: {  	(tm) =	ssettm $0x7FFFFFFF  }
0xc3: {  	_ =	shalt  }
tec
execute0_lowered:
.L_overlay_start_1:
0x0: {  	(tag) =	ssettag $0x1  }
0x1: {  	s6 =	rddreg [dreg:$0x0]  }
0x2: {  	s1 =	rddreg [dreg:$0x1]  }
0x3: {  	s3 =	simm.s32 $0x0;
	s2 =	srdreg.scid;
	s0 =	stileid.u32  }
0x4: {  	s16 =	simm.s32 $0x40;
	s17 =	simm.s32 $0x2800;
	s18 =	simm.s32 $0x4800  }
0x5: {  	s19 =	simm.s32 $0x6800;
	s20 =	simm.s32 $0x8800;
	s21 =	simm.s32 $0x1  }
0x6: {  	s22 =	simm.s32 $0x80;
	s28 =	simm.s32 $0x2780;
	s29 =	simm.s32 $0x0  }
0x7: {  	[smem:$0x7FF] =	sst s3;
	s7 =	sand.u32 $0x1, s2;
	s9 =	smul.u32 $0x13C00, s0  }
0x8: {  	s4 =	sadd.s32 $0x19600, s6;
	s10 =	sadd.s32 $0x2E00, s6;
	s11 =	sadd.s32 $0xCE00, s6  }
0x9: {  	s23 =	sadd.s32 $0x16E00, s6;
	s12 =	smul.u32 $0x4F000, s0;
	s26 =	sshll.u32 s0, $0x6  }
0xa: {  	s8 =	smul.u32 $0x13C000, s7;
	_ =	strace $0x8000004D;
	[dreg:$0x3] =	wrdreg s23  }
0xb: {  	s24 =	sshll.u32 s7, $0x4;
	s7 =	ssub.s32 $0x2, s7;
	s23 =	simm.s32 $0x2  }
0xc: {  	s13 =	sshrl.u32 s7, $0x1;
	s25 =	sshrl.u32 s12, $0x2;
	s8 =	sadd.s32 s9, s8  }
0xd: {  	s9 =	sor.u32 s0, s24;
	s13 =	ssub.s32 s7, s13;
	s15 =	sadd.s32 s25, s1  }
0xe: {  	s24 =	simm.s32 $0x1380;
	s25 =	simm.s32 $0x13C0;
	s9 =	smul.u32 $0x2800, s9  }
0xf: {  	s8 =	sshrl.u32 s8, $0x3;
	s12 =	smax.u32 s13, $0x1;
	s13 =	sshrl.u32 s15, $0x3  }
0x10: {  	s15 =	simm.s32 $0x1400;
	s14 =	sadd.s32 s8, s6;
	s30 =	sshrl.u32 s9, $0x3  }
0x11: {  	s6 =	sor.u32 $0x1C03, s26;
	s26 =	simm.s32 $0x2700;
	s31 =	sadd.s32 $0x280, s30  }
0x12: {  	s7 =	sadd.s32 s10, s30;
	s8 =	sadd.s32 s11, s30;
	s9 =	sadd.s32 s10, s31  }
0x13: {  	s10 =	sadd.s32 s11, s31;
	s11 =	sadd.s32 $0xB7E00, s14;
	s14 =	simm.s32 $0x3  }
.LBB2_1:
0x14: {  	s0 =	rddreg [dreg:$0x3]  }
0x15: {  	[spmem:s13], [sflag:s6] =	dma.local [hbm:s0], $0x2780  }
0x16: {  	_ =	swait.ge [sflag:s14], $0x2780  }
0x17: {  	[sflag:s14] =	ssyncset.done $0x0  }
0x18: {  	[sflag:s14] =	ssyncadd.s32 $0xFFFFD880  }
0x19: {  	[bflag:$0x0] =	sbarrier.arrive $0xFFFF  }
0x1a: {  	[tilespmem:s3], [sflag:$0x3] =	stream.linear.gather [hbm4b:s7+s3], $0x1400, $0x38;
	[tilespmem:$0x1E400] =	vst v63  }
0x1b: {  	_ =	swait.ge [sflag:s14], $0x1400  }
0x1c: {  	[sflag:s14] =	ssyncset.done $0x0  }
0x1d: {  	[sflag:s14] =	ssyncadd.s32 $0xFFFFEC00  }
0x1e: {  	[tilespmem:s15], [sflag:$0x3] =	stream.linear.gather [hbm4b:s8+s3], $0x1400, $0x38;
	[tilespmem:$0x1E400] =	vst v63  }
0x1f: {  	_ =	swait.ge [sflag:s14], $0x1400  }
0x20: {  	[sflag:s14] =	ssyncset.done $0x0  }
0x21: {  	[sflag:s14] =	ssyncadd.s32 $0xFFFFEC00  }
0x22: {  	[tilespmem:s17], [sflag:$0x1] =	stream.indirect.gather [hbm4b:s4+s16], $0x80, s3, s16, $0xb8;
	[tilespmem:$0x1E400] =	vst v63  }
0x23: {  	_ = 	snop  }
0x24: {  	[tilespmem:s18], [sflag:$0x1] =	stream.indirect.gather [hbm4b:s4+s16], $0x80, s16, s16, $0xb8;
	[tilespmem:$0x1E400] =	vst v63  }
0x25: {  	s30 =	simm.s32 $0x80  }
0x26: {  	[tilespmem:s19], [sflag:$0x2] =	stream.indirect.gather [hbm4b:s4+s16], $0x80, s30, s16, $0xb8;
	[tilespmem:$0x1E400] =	vst v63  }
0x27: {  	s30 =	simm.s32 $0xC0  }
0x28: {  	[tilespmem:s20], [sflag:$0x2] =	stream.indirect.gather [hbm4b:s4+s16], $0x80, s30, s16, $0xb8;
	[tilespmem:$0x1E400] =	vst v63  }
0x29: {  	_ =	swait.ge [sflag:s21], $0x2000  }
0x2a: {  	[sflag:s21] =	ssyncset.done $0x0  }
0x2b: {  	[sflag:s21] =	ssyncadd.s32 $0xFFFFE000  }
0x2c: {  	_ =	swait.ge [sflag:s21], $0x2000  }
0x2d: {  	[sflag:s21] =	ssyncset.done $0x0  }
0x2e: {  	s30 =	simm.s32 $0x1400;
	[sflag:s21] =	ssyncadd.s32 $0xFFFFE000  }
0x2f: {  	[spmem:s1] =	stream.indirect.scatter.add.f32 [tilespmem:s17], [sflag:$0x3], $0x80, s30, s22, $0xb8;
	[tilespmem:$0x1E400] =	vst v63  }
0x30: {  	_ =	swait.ge [sflag:s14], $0x4000  }
0x31: {  	[sflag:s14] =	ssyncset.done $0x0  }
0x32: {  	s30 =	simm.s32 $0x100;
	[sflag:s14] =	ssyncadd.s32 $0xFFFFC000  }
0x33: {  	[tilespmem:s17], [sflag:$0x1] =	stream.indirect.gather [hbm4b:s4+s16], $0x80, s30, s16, $0xb8;
	[tilespmem:$0x1E400] =	vst v63  }
0x34: {  	s30 =	simm.s32 $0x140  }
0x35: {  	[tilespmem:s18], [sflag:$0x1] =	stream.indirect.gather [hbm4b:s4+s16], $0x80, s30, s16, $0xb8;
	[tilespmem:$0x1E400] =	vst v63  }
0x36: {  	_ =	swait.ge [sflag:s23], $0x2000  }
0x37: {  	[sflag:s23] =	ssyncset.done $0x0  }
0x38: {  	[sflag:s23] =	ssyncadd.s32 $0xFFFFE000  }
0x39: {  	_ =	swait.ge [sflag:s23], $0x2000  }
0x3a: {  	[sflag:s23] =	ssyncset.done $0x0  }
0x3b: {  	s30 =	simm.s32 $0x1480;
	[sflag:s23] =	ssyncadd.s32 $0xFFFFE000  }
0x3c: {  	[spmem:s1] =	stream.indirect.scatter.add.f32 [tilespmem:s19], [sflag:$0x3], $0x80, s30, s22, $0xb8;
	[tilespmem:$0x1E400] =	vst v63  }
0x3d: {  	_ =	swait.ge [sflag:s14], $0x4000  }
0x3e: {  	s31 =	simm.s32 $0x800;
	s30 =	simm.s32 $0x100;
	[sflag:s14] =	ssyncset.done $0x0  }
.LBB2_2:
0x3f: {  	s0 =	sadd.s32 $0x80, s30  }
0x40: {  	[sflag:s14] =	ssyncadd.s32 $0xFFFFC000;
	s2 =	smov.u32 s31;
	s5 =	sadd.s32 $0x400, s31  }
0x41: {  	[tilespmem:s19], [sflag:$0x2] =	stream.indirect.gather [hbm4b:s4+s16], $0x80, s0, s16, $0xb8;
	[tilespmem:$0x1E400] =	vst v63  }
0x42: {  	p0 =	sne.s32 s31, $0x4800;
	s0 =	sadd.s32 $0xC0, s30  }
0x43: {  	[tilespmem:s20], [sflag:$0x2] =	stream.indirect.gather [hbm4b:s4+s16], $0x80, s0, s16, $0xb8;
	[tilespmem:$0x1E400] =	vst v63  }
0x44: {  	_ =	swait.ge [sflag:s21], $0x2000  }
0x45: {  	[sflag:s21] =	ssyncset.done $0x0  }
0x46: {  	[sflag:s21] =	ssyncadd.s32 $0xFFFFE000  }
0x47: {  	_ =	swait.ge [sflag:s21], $0x2000  }
0x48: {  	[sflag:s21] =	ssyncset.done $0x0  }
0x49: {  	s0 =	sadd.s32 $0x1400, s30;
	[sflag:s21] =	ssyncadd.s32 $0xFFFFE000  }
0x4a: {  	[spmem:s1] =	stream.indirect.scatter.add.f32 [tilespmem:s17], [sflag:$0x3], $0x80, s0, s22, $0xb8;
	[tilespmem:$0x1E400] =	vst v63  }
0x4b: {  	_ =	swait.ge [sflag:s14], $0x4000  }
0x4c: {  	[sflag:s14] =	ssyncset.done $0x0  }
0x4d: {  	s0 =	sadd.s32 $0x100, s30;
	[sflag:s14] =	ssyncadd.s32 $0xFFFFC000  }
0x4e: {  	[tilespmem:s17], [sflag:$0x1] =	stream.indirect.gather [hbm4b:s4+s16], $0x80, s0, s16, $0xb8;
	[tilespmem:$0x1E400] =	vst v63  }
0x4f: {  	s0 =	sadd.s32 $0x140, s30  }
0x50: {  	[tilespmem:s18], [sflag:$0x1] =	stream.indirect.gather [hbm4b:s4+s16], $0x80, s0, s16, $0xb8;
	[tilespmem:$0x1E400] =	vst v63  }
0x51: {  	_ =	swait.ge [sflag:s23], $0x2000  }
0x52: {  	[sflag:s23] =	ssyncset.done $0x0  }
0x53: {  	[sflag:s23] =	ssyncadd.s32 $0xFFFFE000  }
0x54: {  	_ =	swait.ge [sflag:s23], $0x2000  }
.Ltmp0:
0x55: {  	[sflag:s23] =	ssyncset.done $0x0;
	(pc) =	sbr.rel @p0 .LBB2_2-.Ltmp0, $4  }
0x56: {  	s0 =	sadd.s32 $0x1480, s30;
	[sflag:s23] =	ssyncadd.s32 $0xFFFFE000  }
0x57: {  	[spmem:s1] =	stream.indirect.scatter.add.f32 [tilespmem:s19], [sflag:$0x3], $0x80, s0, s22, $0xb8;
	[tilespmem:$0x1E400] =	vst v63  }
0x58: {  	_ =	swait.ge [sflag:s14], $0x4000  }
0x59: {  	s31 =	smov.u32 s5;
	s30 =	sshra.s32 s2, $0x2;
	[sflag:s14] =	ssyncset.done $0x0  }
0x5a: {  	s0 =	sadd.s32 $0x80, s30;
	[sflag:s14] =	ssyncadd.s32 $0xFFFFC000  }
0x5b: {  	[tilespmem:s19], [sflag:$0x2] =	stream.indirect.gather [hbm4b:s4+s16], $0x80, s0, s16, $0xb8;
	[tilespmem:$0x1E400] =	vst v63  }
0x5c: {  	s2 =	sadd.s32 $0xC0, s30  }
0x5d: {  	[tilespmem:s20], [sflag:$0x2] =	stream.indirect.gather [hbm4b:s4+s16], $0x80, s2, s16, $0xb8;
	[tilespmem:$0x1E400] =	vst v63  }
0x5e: {  	_ =	swait.ge [sflag:s21], $0x2000  }
0x5f: {  	[sflag:s21] =	ssyncset.done $0x0  }
0x60: {  	[sflag:s21] =	ssyncadd.s32 $0xFFFFE000  }
0x61: {  	_ =	swait.ge [sflag:s21], $0x2000  }
0x62: {  	[sflag:s21] =	ssyncset.done $0x0  }
0x63: {  	s5 =	sadd.s32 $0x1400, s30;
	[sflag:s21] =	ssyncadd.s32 $0xFFFFE000  }
0x64: {  	[spmem:s1] =	stream.indirect.scatter.add.f32 [tilespmem:s17], [sflag:$0x3], $0x80, s5, s22, $0xb8;
	[tilespmem:$0x1E400] =	vst v63  }
0x65: {  	_ =	swait.ge [sflag:s14], $0x4000  }
0x66: {  	[sflag:s14] =	ssyncset.done $0x0  }
0x67: {  	s2 =	sadd.s32 $0x100, s30;
	[sflag:s14] =	ssyncadd.s32 $0xFFFFC000  }
0x68: {  	[tilespmem:s17], [sflag:$0x1] =	stream.indirect.gather [hbm4b:s4+s16], $0x80, s2, s16, $0xb8;
	[tilespmem:$0x1E400] =	vst v63  }
0x69: {  	s5 =	sadd.s32 $0x140, s30  }
0x6a: {  	[tilespmem:s18], [sflag:$0x1] =	stream.indirect.gather [hbm4b:s4+s16], $0x80, s5, s16, $0xb8;
	[tilespmem:$0x1E400] =	vst v63  }
0x6b: {  	_ =	swait.ge [sflag:s23], $0x2000  }
0x6c: {  	[sflag:s23] =	ssyncset.done $0x0  }
0x6d: {  	[sflag:s23] =	ssyncadd.s32 $0xFFFFE000  }
0x6e: {  	_ =	swait.ge [sflag:s23], $0x2000  }
0x6f: {  	[sflag:s23] =	ssyncset.done $0x0  }
0x70: {  	s2 =	sadd.s32 $0x1480, s30;
	[sflag:s23] =	ssyncadd.s32 $0xFFFFE000  }
0x71: {  	[spmem:s1] =	stream.indirect.scatter.add.f32 [tilespmem:s19], [sflag:$0x3], $0x80, s2, s22, $0xb8;
	[tilespmem:$0x1E400] =	vst v63  }
0x72: {  	_ =	swait.ge [sflag:s14], $0x4000  }
0x73: {  	[sflag:s14] =	ssyncset.done $0x0  }
0x74: {  	[sflag:s14] =	ssyncadd.s32 $0xFFFFC000  }
0x75: {  	[tilespmem:s19], [sflag:$0x2] =	stream.indirect.gather [hbm4b:s4+s16], $0x80, s24, s16, $0xb8;
	[tilespmem:$0x1E400] =	vst v63  }
0x76: {  	_ = 	snop  }
0x77: {  	[tilespmem:s20], [sflag:$0x2] =	stream.indirect.gather [hbm4b:s4+s16], $0x80, s25, s16, $0xb8;
	[tilespmem:$0x1E400] =	vst v63  }
0x78: {  	_ =	swait.ge [sflag:s21], $0x2000  }
0x79: {  	[sflag:s21] =	ssyncset.done $0x0  }
0x7a: {  	[sflag:s21] =	ssyncadd.s32 $0xFFFFE000  }
0x7b: {  	_ =	swait.ge [sflag:s21], $0x2000  }
0x7c: {  	[sflag:s21] =	ssyncset.done $0x0  }
0x7d: {  	[sflag:s21] =	ssyncadd.s32 $0xFFFFE000  }
0x7e: {  	[spmem:s1] =	stream.indirect.scatter.add.f32 [tilespmem:s17], [sflag:$0x3], $0x80, s26, s22, $0xb8;
	[tilespmem:$0x1E400] =	vst v63  }
0x7f: {  	_ =	swait.ge [sflag:s14], $0x4000  }
0x80: {  	[sflag:s14] =	ssyncset.done $0x0  }
0x81: {  	[sflag:s14] =	ssyncadd.s32 $0xFFFFC000  }
0x82: {  	_ =	swait.ge [sflag:s23], $0x2000  }
0x83: {  	[sflag:s23] =	ssyncset.done $0x0  }
0x84: {  	[sflag:s23] =	ssyncadd.s32 $0xFFFFE000  }
0x85: {  	_ =	swait.ge [sflag:s23], $0x2000  }
0x86: {  	[sflag:s23] =	ssyncset.done $0x0  }
0x87: {  	[sflag:s23] =	ssyncadd.s32 $0xFFFFE000  }
0x88: {  	[spmem:s1] =	stream.indirect.scatter.add.f32 [tilespmem:s19], [sflag:$0x3], $0x80, s28, s22, $0xb8;
	[tilespmem:$0x1E400] =	vst v63  }
0x89: {  	_ =	swait.ge [sflag:s14], $0x4000  }
0x8a: {  	[sflag:s14] =	ssyncset.done $0x0  }
0x8b: {  	s5 =	simm.s32 $0x0;
	[sflag:s14] =	ssyncadd.s32 $0xFFFFC000  }
0x8c: {  	[tilespmem:s5], [sflag:$0x3] =	stream.linear.gather [hbm4b:s9+s5], $0x1400, $0x38;
	[tilespmem:$0x1E400] =	vst v63  }
0x8d: {  	_ =	swait.ge [sflag:s14], $0x1400  }
0x8e: {  	[sflag:s14] =	ssyncset.done $0x0  }
0x8f: {  	[sflag:s14] =	ssyncadd.s32 $0xFFFFEC00  }
0x90: {  	[tilespmem:s15], [sflag:$0x3] =	stream.linear.gather [hbm4b:s10+s5], $0x1400, $0x38;
	[tilespmem:$0x1E400] =	vst v63  }
0x91: {  	_ =	swait.ge [sflag:s14], $0x1400  }
0x92: {  	[sflag:s14] =	ssyncset.done $0x0  }
0x93: {  	[sflag:s14] =	ssyncadd.s32 $0xFFFFEC00  }
0x94: {  	[tilespmem:s17], [sflag:$0x1] =	stream.indirect.gather [hbm4b:s4+s16], $0x80, s5, s16, $0xb8;
	[tilespmem:$0x1E400] =	vst v63  }
0x95: {  	_ = 	snop  }
0x96: {  	[tilespmem:s18], [sflag:$0x1] =	stream.indirect.gather [hbm4b:s4+s16], $0x80, s16, s16, $0xb8;
	[tilespmem:$0x1E400] =	vst v63  }
0x97: {  	s2 =	simm.s32 $0x80  }
0x98: {  	[tilespmem:s19], [sflag:$0x2] =	stream.indirect.gather [hbm4b:s4+s16], $0x80, s2, s16, $0xb8;
	[tilespmem:$0x1E400] =	vst v63  }
0x99: {  	s5 =	simm.s32 $0xC0  }
0x9a: {  	[tilespmem:s20], [sflag:$0x2] =	stream.indirect.gather [hbm4b:s4+s16], $0x80, s5, s16, $0xb8;
	[tilespmem:$0x1E400] =	vst v63  }
0x9b: {  	_ =	swait.ge [sflag:s21], $0x2000  }
0x9c: {  	[sflag:s21] =	ssyncset.done $0x0  }
0x9d: {  	[sflag:s21] =	ssyncadd.s32 $0xFFFFE000  }
0x9e: {  	_ =	swait.ge [sflag:s21], $0x2000  }
0x9f: {  	[sflag:s21] =	ssyncset.done $0x0  }
0xa0: {  	s2 =	simm.s32 $0x1400;
	[sflag:s21] =	ssyncadd.s32 $0xFFFFE000  }
0xa1: {  	[spmem:s1] =	stream.indirect.scatter.add.f32 [tilespmem:s17], [sflag:$0x3], $0x80, s2, s22, $0xb8;
	[tilespmem:$0x1E400] =	vst v63  }
0xa2: {  	_ =	swait.ge [sflag:s14], $0x4000  }
0xa3: {  	[sflag:s14] =	ssyncset.done $0x0  }
0xa4: {  	s5 =	simm.s32 $0x100;
	[sflag:s14] =	ssyncadd.s32 $0xFFFFC000  }
0xa5: {  	[tilespmem:s17], [sflag:$0x1] =	stream.indirect.gather [hbm4b:s4+s16], $0x80, s5, s16, $0xb8;
	[tilespmem:$0x1E400] =	vst v63  }
0xa6: {  	s2 =	simm.s32 $0x140  }
0xa7: {  	[tilespmem:s18], [sflag:$0x1] =	stream.indirect.gather [hbm4b:s4+s16], $0x80, s2, s16, $0xb8;
	[tilespmem:$0x1E400] =	vst v63  }
0xa8: {  	_ =	swait.ge [sflag:s23], $0x2000  }
0xa9: {  	[sflag:s23] =	ssyncset.done $0x0  }
0xaa: {  	[sflag:s23] =	ssyncadd.s32 $0xFFFFE000  }
0xab: {  	_ =	swait.ge [sflag:s23], $0x2000  }
0xac: {  	[sflag:s23] =	ssyncset.done $0x0  }
0xad: {  	s5 =	simm.s32 $0x1480;
	[sflag:s23] =	ssyncadd.s32 $0xFFFFE000  }
0xae: {  	[spmem:s1] =	stream.indirect.scatter.add.f32 [tilespmem:s19], [sflag:$0x3], $0x80, s5, s22, $0xb8;
	[tilespmem:$0x1E400] =	vst v63  }
0xaf: {  	_ =	swait.ge [sflag:s14], $0x4000  }
0xb0: {  	s31 =	simm.s32 $0x800;
	s30 =	simm.s32 $0x100;
	[sflag:s14] =	ssyncset.done $0x0  }
.LBB2_4:
0xb1: {  	s0 =	sadd.s32 $0x80, s30  }
0xb2: {  	[sflag:s14] =	ssyncadd.s32 $0xFFFFC000;
	s2 =	smov.u32 s31;
	s5 =	sadd.s32 $0x400, s31  }
0xb3: {  	[tilespmem:s19], [sflag:$0x2] =	stream.indirect.gather [hbm4b:s4+s16], $0x80, s0, s16, $0xb8;
	[tilespmem:$0x1E400] =	vst v63  }
0xb4: {  	p0 =	sne.s32 s31, $0x4800;
	s0 =	sadd.s32 $0xC0, s30  }
0xb5: {  	[tilespmem:s20], [sflag:$0x2] =	stream.indirect.gather [hbm4b:s4+s16], $0x80, s0, s16, $0xb8;
	[tilespmem:$0x1E400] =	vst v63  }
0xb6: {  	_ =	swait.ge [sflag:s21], $0x2000  }
0xb7: {  	[sflag:s21] =	ssyncset.done $0x0  }
0xb8: {  	[sflag:s21] =	ssyncadd.s32 $0xFFFFE000  }
0xb9: {  	_ =	swait.ge [sflag:s21], $0x2000  }
0xba: {  	[sflag:s21] =	ssyncset.done $0x0  }
0xbb: {  	s0 =	sadd.s32 $0x1400, s30;
	[sflag:s21] =	ssyncadd.s32 $0xFFFFE000  }
0xbc: {  	[spmem:s1] =	stream.indirect.scatter.add.f32 [tilespmem:s17], [sflag:$0x3], $0x80, s0, s22, $0xb8;
	[tilespmem:$0x1E400] =	vst v63  }
0xbd: {  	_ =	swait.ge [sflag:s14], $0x4000  }
0xbe: {  	[sflag:s14] =	ssyncset.done $0x0  }
0xbf: {  	s0 =	sadd.s32 $0x100, s30;
	[sflag:s14] =	ssyncadd.s32 $0xFFFFC000  }
0xc0: {  	[tilespmem:s17], [sflag:$0x1] =	stream.indirect.gather [hbm4b:s4+s16], $0x80, s0, s16, $0xb8;
	[tilespmem:$0x1E400] =	vst v63  }
0xc1: {  	s0 =	sadd.s32 $0x140, s30  }
0xc2: {  	[tilespmem:s18], [sflag:$0x1] =	stream.indirect.gather [hbm4b:s4+s16], $0x80, s0, s16, $0xb8;
	[tilespmem:$0x1E400] =	vst v63  }
0xc3: {  	_ =	swait.ge [sflag:s23], $0x2000  }
0xc4: {  	[sflag:s23] =	ssyncset.done $0x0  }
0xc5: {  	[sflag:s23] =	ssyncadd.s32 $0xFFFFE000  }
0xc6: {  	_ =	swait.ge [sflag:s23], $0x2000  }
.Ltmp1:
0xc7: {  	[sflag:s23] =	ssyncset.done $0x0;
	(pc) =	sbr.rel @p0 .LBB2_4-.Ltmp1, $4  }
0xc8: {  	s0 =	sadd.s32 $0x1480, s30;
	[sflag:s23] =	ssyncadd.s32 $0xFFFFE000  }
0xc9: {  	[spmem:s1] =	stream.indirect.scatter.add.f32 [tilespmem:s19], [sflag:$0x3], $0x80, s0, s22, $0xb8;
	[tilespmem:$0x1E400] =	vst v63  }
0xca: {  	_ =	swait.ge [sflag:s14], $0x4000  }
0xcb: {  	s31 =	smov.u32 s5;
	s30 =	sshra.s32 s2, $0x2;
	[sflag:s14] =	ssyncset.done $0x0  }
0xcc: {  	s0 =	sadd.s32 $0x80, s30;
	[sflag:s14] =	ssyncadd.s32 $0xFFFFC000  }
0xcd: {  	[tilespmem:s19], [sflag:$0x2] =	stream.indirect.gather [hbm4b:s4+s16], $0x80, s0, s16, $0xb8;
	[tilespmem:$0x1E400] =	vst v63  }
0xce: {  	s5 =	sadd.s32 $0xC0, s30  }
0xcf: {  	[tilespmem:s20], [sflag:$0x2] =	stream.indirect.gather [hbm4b:s4+s16], $0x80, s5, s16, $0xb8;
	[tilespmem:$0x1E400] =	vst v63  }
0xd0: {  	_ =	swait.ge [sflag:s21], $0x2000  }
0xd1: {  	[sflag:s21] =	ssyncset.done $0x0  }
0xd2: {  	[sflag:s21] =	ssyncadd.s32 $0xFFFFE000  }
0xd3: {  	_ =	swait.ge [sflag:s21], $0x2000  }
0xd4: {  	[sflag:s21] =	ssyncset.done $0x0  }
0xd5: {  	s31 =	sadd.s32 $0x1400, s30;
	[sflag:s21] =	ssyncadd.s32 $0xFFFFE000  }
0xd6: {  	[spmem:s1] =	stream.indirect.scatter.add.f32 [tilespmem:s17], [sflag:$0x3], $0x80, s31, s22, $0xb8;
	[tilespmem:$0x1E400] =	vst v63  }
0xd7: {  	_ =	swait.ge [sflag:s14], $0x4000  }
0xd8: {  	[sflag:s14] =	ssyncset.done $0x0  }
0xd9: {  	s2 =	sadd.s32 $0x100, s30;
	[sflag:s14] =	ssyncadd.s32 $0xFFFFC000  }
0xda: {  	[tilespmem:s17], [sflag:$0x1] =	stream.indirect.gather [hbm4b:s4+s16], $0x80, s2, s16, $0xb8;
	[tilespmem:$0x1E400] =	vst v63  }
0xdb: {  	s5 =	sadd.s32 $0x140, s30  }
0xdc: {  	[tilespmem:s18], [sflag:$0x1] =	stream.indirect.gather [hbm4b:s4+s16], $0x80, s5, s16, $0xb8;
	[tilespmem:$0x1E400] =	vst v63  }
0xdd: {  	_ =	swait.ge [sflag:s23], $0x2000  }
0xde: {  	[sflag:s23] =	ssyncset.done $0x0  }
0xdf: {  	[sflag:s23] =	ssyncadd.s32 $0xFFFFE000  }
0xe0: {  	_ =	swait.ge [sflag:s23], $0x2000  }
0xe1: {  	[sflag:s23] =	ssyncset.done $0x0  }
0xe2: {  	s31 =	sadd.s32 $0x1480, s30;
	[sflag:s23] =	ssyncadd.s32 $0xFFFFE000  }
0xe3: {  	[spmem:s1] =	stream.indirect.scatter.add.f32 [tilespmem:s19], [sflag:$0x3], $0x80, s31, s22, $0xb8;
	[tilespmem:$0x1E400] =	vst v63  }
0xe4: {  	_ =	swait.ge [sflag:s14], $0x4000  }
0xe5: {  	[sflag:s14] =	ssyncset.done $0x0  }
0xe6: {  	[sflag:s14] =	ssyncadd.s32 $0xFFFFC000  }
0xe7: {  	[tilespmem:s19], [sflag:$0x2] =	stream.indirect.gather [hbm4b:s4+s16], $0x80, s24, s16, $0xb8;
	[tilespmem:$0x1E400] =	vst v63  }
0xe8: {  	_ = 	snop  }
0xe9: {  	[tilespmem:s20], [sflag:$0x2] =	stream.indirect.gather [hbm4b:s4+s16], $0x80, s25, s16, $0xb8;
	[tilespmem:$0x1E400] =	vst v63  }
0xea: {  	_ =	swait.ge [sflag:s21], $0x2000  }
0xeb: {  	[sflag:s21] =	ssyncset.done $0x0  }
0xec: {  	[sflag:s21] =	ssyncadd.s32 $0xFFFFE000  }
0xed: {  	_ =	swait.ge [sflag:s21], $0x2000  }
0xee: {  	[sflag:s21] =	ssyncset.done $0x0  }
0xef: {  	[sflag:s21] =	ssyncadd.s32 $0xFFFFE000  }
0xf0: {  	[spmem:s1] =	stream.indirect.scatter.add.f32 [tilespmem:s17], [sflag:$0x3], $0x80, s26, s22, $0xb8;
	[tilespmem:$0x1E400] =	vst v63  }
0xf1: {  	_ =	swait.ge [sflag:s14], $0x4000  }
0xf2: {  	[sflag:s14] =	ssyncset.done $0x0  }
0xf3: {  	[sflag:s14] =	ssyncadd.s32 $0xFFFFC000  }
0xf4: {  	_ =	swait.ge [sflag:s23], $0x2000  }
0xf5: {  	[sflag:s23] =	ssyncset.done $0x0  }
0xf6: {  	[sflag:s23] =	ssyncadd.s32 $0xFFFFE000  }
0xf7: {  	_ =	swait.ge [sflag:s23], $0x2000  }
0xf8: {  	[sflag:s23] =	ssyncset.done $0x0  }
0xf9: {  	[sflag:s23] =	ssyncadd.s32 $0xFFFFE000  }
0xfa: {  	[spmem:s1] =	stream.indirect.scatter.add.f32 [tilespmem:s19], [sflag:$0x3], $0x80, s28, s22, $0xb8;
	[tilespmem:$0x1E400] =	vst v63  }
0xfb: {  	_ =	swait.ge [sflag:s14], $0x4000  }
0xfc: {  	s29 =	sadd.s32 $0x1, s29;
	[sflag:s14] =	ssyncset.done $0x0  }
0xfd: {  	p0 =	sne.s32 s29, s12;
	[sflag:s14] =	ssyncadd.s32 $0xFFFFC000  }
.Ltmp2:
0xfe: {  	[bflag:$0x0] =	sbarrier.arrive $0xFFFF;
	(pc) =	sbr.rel @p0 .LBB2_1-.Ltmp2, $4  }
0xff: {  	[hbm:s11], [sflag:s6] =	dma.local [spmem:s13], $0x2780  }
0x100: {  	_ =	swait.ge [sflag:s14], $0x2780  }
0x101: {  	[sflag:s14] =	ssyncset.done $0x0  }
0x102: {  	[sflag:s14] =	ssyncadd.s32 $0xFFFFD880  }
0x103: {  	_ =	sfence.sel $0x180000  }
0x104: {  	[bflag:$0x0] =	sbarrier.arrive $0xFFFF  }
0x105: {  	_ =	strace $0x9000004D  }
0x106: {  	s0 =	stileid.u32;
	[bflag:$0x2] =	sbarrier.arrive $0xFFFF  }
0x107: {  	p0 =	sne.s32 s0, $0x0;
	s0 =	rddreg [dreg:$0x2]  }
0x108: {  	s0 =	sadd.s32 @!p0 $0x100000, s0  }
0x109: {  	[sflag:s0] =	ssyncadd.tile.s32 @!p0 $0x1;
	_ =	shalt  }
.Lfunc_end2:
_tile_overlayer_lowered:
.L_overlay_start_2:
0x10a: {  	(tag) =	ssettag $0x2  }
0x10b: {  	s0 =	rddreg [dreg:$0x0];
	s2 =	stileid.u32  }
0x10c: {  	s1 =	rddreg [dreg:$0x1];
	p0 =	sne.s32 s2, $0x0  }
0x10d: {  	s3 =	rddreg [dreg:$0x2];
	[bflag:$0x3] =	sbarrier.arrive $0xFFFF;
	s2 =	simm.s32 @!p0 $0x1C03  }
0x10e: {  	[timem:s3], [sflag:s2] =	dma.local @!p0 [hbm:s0], s1  }
0x10f: {  	s0 =	simm.s32 @!p0 $0x3  }
0x110: {  	_ =	swait.ge @!p0 [sflag:s0], s1  }
0x111: {  	s1 =	ssub.s32 @!p0 $0x0, s1;
	[sflag:s0] =	ssyncset.done @!p0 $0x0  }
0x112: {  	[sflag:s0] =	ssyncadd.s32 @!p0 s1  }
0x113: {  	[bflag:$0x3] =	sbarrier.arrive $0xFFFF  }
0x114: {  	_ =	shalt  }

// kernel: kernel.7.cloned.1.call-start
scs
__scs_entry_jumppad:
0x0: {  	(pc) =	sbr.rel $0x88, $3  }
0x1: {  	(tag) =	ssettag $0x0;
	lr =	simm.s32 $0x1  }
0x2: {  	[smem:$0x3F8F] =	sst lr;
	_ =	strace $0xD0000000  }
0x3: {  	_ = 	snop  }
0x4: {  	_ = 	snop  }
0x5: {  	_ = 	snop  }
0x6: {  	_ = 	snop  }
0x7: {  	_ = 	snop  }
__scs_overlays_trampoline_lowered:
0x8: {  	[smem:$0x3F9E] =	sst s0  }
0x9: {  	[smem:$0x3F9F] =	sst s1  }
0xa: {  	[smem:$0x3FA0] =	sst s2  }
0xb: {  	[smem:$0x3FA1] =	sst s3  }
0xc: {  	[smem:$0x3FA2] =	sst s4  }
0xd: {  	[smem:$0x3FA3] =	sst s5  }
0xe: {  	[smem:$0x3FA4] =	sst s6  }
0xf: {  	[smem:$0x3FA5] =	sst s7  }
0x10: {  	[smem:$0x3FA6] =	sst s8  }
0x11: {  	[smem:$0x3FA7] =	sst s9;
	s0 =	simm.s32 @!p0 $0x0  }
0x12: {  	s1 =	sld [smem:$0x3F8D];
	s0 =	simm.s32 @p0 $0x1  }
0x13: {  	[smem:$0x3FA8] =	sst s0;
	s0 =	simm.s32 @!p1 $0x0  }
0x14: {  	s2 =	sld [smem:$0x3F8C];
	s0 =	simm.s32 @p1 $0x1  }
0x15: {  	[smem:$0x3FA9] =	sst s0;
	s0 =	simm.s32 @!p2 $0x0  }
0x16: {  	s3 =	sld [smem:$0x3FDB];
	s0 =	simm.s32 @p2 $0x1  }
0x17: {  	s4 =	simm.s32 $0x1BF5;
	[smem:$0x3FAB] =	sst s0  }
0x18: {  	s0 =	sld [smem:$0x3F8E];
	_ =	swait.ge [sflag:s4], $0x0  }
0x19: {  	s7 =	sld [smem:$0x3F8F]  }
0x1a: {  	s8 =	sadd.s32 $0xFFFFE003, lr  }
0x1b: {  	s9 =	sadd.s32 $0xFFFFFEF7, lr;
	s5 =	simm.s32 $0xFFFFFFFF;
	p2 =	slt.u32 s8, $0xFFFFF086  }
0x1c: {  	p1 =	slt.u32 s9, $0xF7A;
	s5 =	simm.s32 @!p2 $0x0  }
0x1d: {  	s5 =	simm.s32 @p1 $0x1;
	p0 =	seq.s32 s7, s2  }
0x1e: {  	s7 =	smul.u32 @!p0 $0xF7A, s2;
	p2 =	seq.s32 @!p0 s5, $0x0  }
0x1f: {  	s9 =	smul.u32 $0xF7A, s1;
	s8 =	simm.s32 @!p0 $0x1BF5;
	p2 =	por !p2, p0  }
0x20: {  	[sflag:s8] =	ssyncset.s32 @!p0 $0xFFFFF086;
	s6 =	sadd.s32 @!p0 s3, s7;
	s7 =	simm.s32 @!p0 $0x108  }
0x21: {  	s3 =	sadd.s32 s3, s9;
	s6 =	sadd.s32 @!p0 $0x88, s6;
	s7 =	simm.s32 @p2 $0x1082  }
0x22: {  	[simem:s7], [sflag:s8] =	dma.local @!p0 [hbm:s6], $0xF7A  }
0x23: {  	s9 =	sor.u32 $0xD0000000, s2;
	s6 =	simm.s32 $0x108;
	_ =	swait.ge @!p0 [sflag:s8], $0x0  }
0x24: {  	s3 =	sadd.s32 $0x88, s3;
	s6 =	simm.s32 @!p1 $0x1082;
	[sflag:s4] =	ssyncset.s32 $0xFFFFF086  }
0x25: {  	[simem:s6], [sflag:s4] =	dma.local [hbm:s3], $0xF7A  }
0x26: {  	[smem:$0x3F8F] =	sst s1;
	(tag) =	ssettag s2;
	_ =	strace s9  }
0x27: {  	s1 =	sld [smem:$0x3F9F]  }
0x28: {  	s2 =	sld [smem:$0x3FA0]  }
0x29: {  	s4 =	sld [smem:$0x3FA2]  }
0x2a: {  	p0 =	seq.s32 s5, $0x0;
	s5 =	sld [smem:$0x3FA3]  }
0x2b: {  	s6 =	sld [smem:$0x3FA4]  }
0x2c: {  	s7 =	sld [smem:$0x3FA5]  }
0x2d: {  	s3 =	simm.s32 $0x108;
	s8 =	sld [smem:$0x3FA6]  }
0x2e: {  	s3 =	simm.s32 @!p0 $0x1082;
	s9 =	sld [smem:$0x3FA7]  }
0x2f: {  	lr =	sadd.s32 s0, s3;
	s0 =	sld [smem:$0x3F9E]  }
0x30: {  	s3 =	sld [smem:$0x3FA1]  }
0x31: {  	[smem:$0x3FAA] =	sst s10  }
0x32: {  	s10 =	sld [smem:$0x3FA8];
	_ =	sdelay $0x3  }
0x33: {  	p0 =	seq.s32 s10, $0x1;
	s10 =	sld [smem:$0x3FAA];
	_ =	sdelay $0x3  }
0x34: {  	[smem:$0x3FAA] =	sst s10  }
0x35: {  	s10 =	sld [smem:$0x3FA9];
	_ =	sdelay $0x3  }
0x36: {  	p1 =	seq.s32 s10, $0x1;
	s10 =	sld [smem:$0x3FAA];
	_ =	sdelay $0x3  }
0x37: {  	[smem:$0x3FAA] =	sst s10  }
0x38: {  	s10 =	sld [smem:$0x3FAB]  }
0x39: {  	_ = 	snop;
	(pc) =	sbr.ind lr, $3  }
0x3a: {  	_ = 	snop  }
0x3b: {  	_ = 	snop  }
0x3c: {  	p2 =	seq.s32 s10, $0x1;
	s10 =	sld [smem:$0x3FAA]  }
0x3d: {  	_ =	shalt  }
0x3e: {  	_ =	shalt  }
0x3f: {  	_ =	shalt  }
0x40: {  	_ =	shalt  }
0x41: {  	_ =	shalt  }
0x42: {  	_ =	shalt  }
0x43: {  	_ =	shalt  }
0x44: {  	_ =	shalt  }
0x45: {  	_ =	shalt  }
0x46: {  	_ =	shalt  }
0x47: {  	_ =	shalt  }
0x48: {  	_ =	shalt  }
0x49: {  	_ =	shalt  }
0x4a: {  	_ =	shalt  }
0x4b: {  	_ =	shalt  }
0x4c: {  	_ =	shalt  }
0x4d: {  	_ =	shalt  }
0x4e: {  	_ =	shalt  }
0x4f: {  	_ =	shalt  }
0x50: {  	_ =	shalt  }
0x51: {  	_ =	shalt  }
0x52: {  	_ =	shalt  }
0x53: {  	_ =	shalt  }
0x54: {  	_ =	shalt  }
0x55: {  	_ =	shalt  }
0x56: {  	_ =	shalt  }
0x57: {  	_ =	shalt  }
0x58: {  	_ =	shalt  }
0x59: {  	_ =	shalt  }
0x5a: {  	_ =	shalt  }
0x5b: {  	_ =	shalt  }
0x5c: {  	_ =	shalt  }
0x5d: {  	_ =	shalt  }
0x5e: {  	_ =	shalt  }
0x5f: {  	_ =	shalt  }
0x60: {  	_ =	shalt  }
0x61: {  	_ =	shalt  }
0x62: {  	_ =	shalt  }
0x63: {  	_ =	shalt  }
0x64: {  	_ =	shalt  }
0x65: {  	_ =	shalt  }
0x66: {  	_ =	shalt  }
0x67: {  	_ =	shalt  }
0x68: {  	_ =	shalt  }
0x69: {  	_ =	shalt  }
0x6a: {  	_ =	shalt  }
0x6b: {  	_ =	shalt  }
0x6c: {  	_ =	shalt  }
0x6d: {  	_ =	shalt  }
0x6e: {  	_ =	shalt  }
0x6f: {  	_ =	shalt  }
0x70: {  	_ =	shalt  }
0x71: {  	_ =	shalt  }
0x72: {  	_ =	shalt  }
0x73: {  	_ =	shalt  }
0x74: {  	_ =	shalt  }
0x75: {  	_ =	shalt  }
0x76: {  	_ =	shalt  }
0x77: {  	_ =	shalt  }
0x78: {  	_ =	shalt  }
0x79: {  	_ =	shalt  }
0x7a: {  	_ =	shalt  }
0x7b: {  	_ =	shalt  }
0x7c: {  	_ =	shalt  }
0x7d: {  	_ =	shalt  }
0x7e: {  	_ =	shalt  }
0x7f: {  	_ =	shalt  }
0x80: {  	_ =	shalt  }
0x81: {  	_ =	shalt  }
0x82: {  	_ =	shalt  }
0x83: {  	_ =	shalt  }
0x84: {  	_ =	shalt  }
0x85: {  	_ =	shalt  }
0x86: {  	_ =	shalt  }
0x87: {  	_ =	shalt  }
.Lfunc_end0:
.L_simem_size_0:
called_computation_lowered:
.L_overlay_start_0:
0x88: {  	s2 =	sld [smem:$0x3FD9]  }
0x89: {  	s3 =	sld [smem:$0x3FFE];
	_ =	sdelay $0x1  }
0x8a: {  	s1 =	srdreg.scid  }
0x8b: {  	s0 =	sand.u32 $0x1, s1  }
0x8c: {  	s17 =	sshll.u32 s0, $0xA;
	s2 =	sadd.s32 s3, s2  }
0x8d: {  	s2 =	sadd.s32 s2, s17  }
0x8e: {  	[smem:$0x3FB6] =	sst s2  }
0x8f: {  	_ = 	snop  }
0x90: {  	(tm) =	ssettm $0x1  }
0x91: {  	s18 =	sld [smem:$0x3FFB];
	_ =	sdelay $0x3  }
0x92: {  	_ =	strace s18  }
0x93: {  	s2 =	sld [smem:$0x3FFC];
	_ =	sdelay $0x3  }
0x94: {  	_ =	strace s2  }
0x95: {  	s2 =	sld [smem:$0x3FFD];
	_ =	sdelay $0x3  }
0x96: {  	_ =	strace s2  }
0x97: {  	_ =	strace $0x8FFFFFFF  }
0x98: {  	s19 =	sld [smem:$0x3FDB];
	_ =	sdelay $0x1  }
0x99: {  	s20 =	simm.s32 $_scs_section_size  }
0x9a: {  	s4 =	simm.s32 $_size__tile_overlayer_lowered;
	s5 =	simm.s32 $_tile_overlayer_lowered  }
0x9b: {  	s6 =	simm.s32 $0x1BFF;
	s21 =	sshll.u32 s5, $0x1;
	s3 =	sadd.s32 s20, s19  }
0x9c: {  	s22 =	simm.s32 $0x0;
	s4 =	sshll.u32 s4, $0x1;
	s5 =	sadd.s32 s21, s3  }
0x9d: {  	[timem:s22], [sflag:s6] =	dma.local [hbm:s5], s4  }
0x9e: {  	_ =	swait.ge [sflag:s6], s4  }
0x9f: {  	s4 =	ssub.s32 $0x0, s4;
	[sflag:s6] =	ssyncset.done $0x0  }
0xa0: {  	[sflag:s6] =	ssyncadd.s32 s4;
	_ =	sdelay $0x1  }
0xa1: {  	s23 =	simm.s32 $0x1B8B  }
0xa2: {  	_ =	swait.ge [sflag:s23], $0x1  }
0xa3: {  	[sflag:s23] =	ssyncset.done $0x0  }
0xa4: {  	[sflag:s23] =	ssyncadd.s32 $0xFFFFFFFF  }
0xa5: {  	s4 =	sld [smem:$0x0]  }
0xa6: {  	s5 =	sand.u32 $0xFFFFFFFE, s1  }
0xa7: {  	p0 =	sne.s32 s1, s5  }
0xa8: {  	s5 =	sshll.u32 @p0 s5, $0xE  }
0xa9: {  	s5 =	sadd.s32 @p0 $0x11B8D, s5;
	s6 =	sshll.u32 @p0 s4, $0x11  }
0xaa: {  	s5 =	sor.u32 @p0 s6, s5  }
0xab: {  	[sflag:s5] =	ssyncadd.remote.s32 @p0 $0x1;
	_ =	sdelay $0x1  }
0xac: {  	s5 =	simm.s32 @p0 $0x1B8D  }
0xad: {  	_ =	swait.eq @p0 [sflag:s5], $0x1  }
0xae: {  	[sflag:s5] =	ssyncadd.s32 @p0 $0xFFFFFFFF  }
0xaf: {  	s6 =	sshll.u32 @!p0 s1, $0xE  }
0xb0: {  	s6 =	sor.u32 @!p0 $0x4000, s6;
	s5 =	simm.s32 @!p0 $0x1B8D  }
0xb1: {  	s4 =	sshll.u32 @!p0 s4, $0x11;
	s6 =	sadd.s32 @!p0 $0x11B8D, s6;
	_ =	swait.eq @!p0 [sflag:s5], $0x1  }
0xb2: {  	s4 =	sor.u32 @!p0 s4, s6;
	[sflag:s5] =	ssyncadd.s32 @!p0 $0xFFFFFFFF  }
0xb3: {  	s25 =	simm.s32 $0x1B8E;
	s24 =	sld [smem:$0x3FFE];
	[sflag:s4] =	ssyncadd.remote.s32 @!p0 $0x1  }
0xb4: {  	s26 =	simm.s32 $execute0_lowered;
	[smem:$0x3FD2] =	sst s25  }
0xb5: {  	s5 =	sshll.u32 s26, $0x1;
	_ =	strace $0x80000049;
	[dreg:$0x1] =	wrdreg $0xFFFFFFFF  }
0xb6: {  	s28 =	simm.s32 $_size_execute0_lowered;
	s3 =	sadd.s32 s3, s5;
	[dreg:$0x0] =	wrdreg $0x0  }
0xb7: {  	s5 =	sshll.u32 s28, $0x1;
	[dreg:$0x2] =	wrdreg s3  }
0xb8: {  	[dreg:$0x3] =	wrdreg s5  }
0xb9: {  	[dreg:$0x4] =	wrdreg $0xC0  }
0xba: {  	_ =	task [dreg:s22], $0x5FFFF  }
0xbb: {  	[dreg:$0x1] =	wrdreg $0xFFFFFFFF  }
0xbc: {  	[dreg:$0x0] =	wrdreg $0x60  }
0xbd: {  	[dreg:$0x2] =	wrdreg s24  }
0xbe: {  	[dreg:$0x3] =	wrdreg $0x68000  }
0xbf: {  	[dreg:$0x4] =	wrdreg $0x9  }
0xc0: {  	_ =	task.clear_ibuf [dreg:s22], $0x5FFFF;
	_ =	strace $0x90000049  }
0xc1: {  	s29 =	simm.s32 $0x9;
	_ =	strace $0x8000004B  }
0xc2: {  	_ =	swait.ge [sflag:s29], $0x1  }
0xc3: {  	[sflag:s29] =	ssyncadd.s32 $0xFFFFFFFF  }
0xc4: {  	_ =	strace $0x9000004B  }
0xc5: {  	_ =	sfence  }
0xc6: {  	s30 =	sld [smem:$0x0];
	_ =	sdelay $0x2  }
0xc7: {  	s31 =	sshll.u32 s1, $0xD;
	s1 =	sshrl.u32 s1, $0x2  }
0xc8: {  	s4 =	sand.u32 $0x4000, s31;
	s1 =	sadd.s32 s1, s30  }
0xc9: {  	s0 =	sor.u32 s4, s0;
	s1 =	sshll.u32 s1, $0x11  }
0xca: {  	s0 =	sor.u32 s1, s0  }
0xcb: {  	s0 =	sadd.s32 $0x8F2B, s0  }
0xcc: {  	[sflag:s0] =	ssyncadd.remote.s32 $0x1  }
0xcd: {  	_ =	sfence.sel $0xFFFF  }
0xce: {  	[dreg:$0x0] =	wrdreg $0xFFFFFFFF;
	(pc) =	sbr.abs _section_cstart, $3  }
0xcf: {  	[dreg:$0x1] =	wrdreg $0xFFFFFFFF  }
0xd0: {  	_ =	task.clear_ibuf [dreg:s22], $0x2FFFF;
	_ =	strace $0x9FFFFFFF  }
0xd1: {  	(tm) =	ssettm $0x7FFFFFFF  }
tec
execute0_lowered:
.L_overlay_start_1:
0x0: {  	(tag) =	ssettag $0x1  }
0x1: {  	s7 =	rddreg [dreg:$0x0]  }
0x2: {  	s0 =	srdreg.scid;
	s2 =	rddreg [dreg:$0x1]  }
0x3: {  	s3 =	simm.s32 $0x0;
	s12 =	simm.s32 $0x2800;
	s6 =	sand.u32 $0x1, s0  }
0x4: {  	s13 =	simm.s32 $0x80;
	s0 =	stileid.u32;
	s5 =	smul.u32 $0x13C000, s6  }
0x5: {  	s14 =	simm.s32 $0x0;
	[smem:$0x7FF] =	sst s3;
	s8 =	smul.u32 $0x13C00, s0  }
0x6: {  	s1 =	sshll.u32 s6, $0x4;
	s10 =	smul.u32 $0x4F000, s0;
	s6 =	ssub.s32 $0x2, s6  }
0x7: {  	s31 =	sshll.u32 s0, $0x6;
	s1 =	sor.u32 s0, s1;
	s30 =	sshrl.u32 s6, $0x1  }
0x8: {  	s4 =	smul.u32 $0x500, s1;
	s1 =	rddreg [dreg:$0x2];
	_ =	strace $0x8000004A  }
0x9: {  	s8 =	sadd.s32 s8, s5;
	s5 =	sadd.s32 $0x68600, s7;
	s10 =	sshrl.u32 s10, $0x2  }
0xa: {  	s11 =	ssub.s32 s6, s30;
	s6 =	sor.u32 $0x1C01, s31;
	s8 =	sshrl.u32 s8, $0x3  }
0xb: {  	s10 =	sadd.s32 s10, s2;
	s9 =	sadd.s32 s4, s7;
	s4 =	sadd.s32 $0x16E00, s7  }
0xc: {  	s8 =	sadd.s32 s8, s7;
	s10 =	sshrl.u32 s10, $0x3;
	s7 =	sadd.s32 $0xCE00, s9  }
0xd: {  	s8 =	sadd.s32 $0x68E00, s8;
	s9 =	smax.u32 s11, $0x1;
	s11 =	simm.s32 $0x1  }
.LBB2_1:
0xe: {  	[spmem:s10], [sflag:s6] =	dma.local [hbm:s4], $0x2780  }
0xf: {  	_ =	swait.ge [sflag:s11], $0x2780  }
0x10: {  	[sflag:s11] =	ssyncset.done $0x0  }
0x11: {  	[sflag:s11] =	ssyncadd.s32 $0xFFFFD880  }
0x12: {  	[tilespmem:s12], [sflag:$0x1] =	stream.linear.gather [hbm4b:s5+s3], $0x4000, $0x38;
	[tilespmem:$0x1A400] =	vst v63  }
0x13: {  	_ =	swait.ge [sflag:s11], $0x4000  }
0x14: {  	[sflag:s11] =	ssyncset.done $0x0  }
0x15: {  	[sflag:s11] =	ssyncadd.s32 $0xFFFFC000  }
0x16: {  	[tilespmem:s3], [sflag:$0x1] =	stream.linear.gather [hbm4b:s7+s3], $0x2800, $0x38;
	[tilespmem:$0x1A400] =	vst v63  }
0x17: {  	_ =	swait.ge [sflag:s11], $0x2800  }
0x18: {  	[sflag:s11] =	ssyncset.done $0x0  }
0x19: {  	[sflag:s11] =	ssyncadd.s32 $0xFFFFD800  }
0x1a: {  	s15 =	simm.s32 $0x0;
	[bflag:$0x0] =	sbarrier.arrive $0xFFFF  }
0x1b: {  	[spmem:s2] =	stream.indirect.scatter.add.f32 [tilespmem:s12], [sflag:$0x1], $0x80, s15, s13, $0xb8;
	[tilespmem:$0x1A400] =	vst v63  }
0x1c: {  	_ =	swait.ge [sflag:s11], $0x4000  }
0x1d: {  	s15 =	simm.s32 $0x200;
	[sflag:s11] =	ssyncset.done $0x0  }
.LBB2_2:
0x1e: {  	s16 =	sshra.s32 s15, $0x2;
	[sflag:s11] =	ssyncadd.s32 $0xFFFFC000;
	p0 =	sne.s32 s15, $0x9E00  }
0x1f: {  	[spmem:s2] =	stream.indirect.scatter.add.f32 [tilespmem:s12], [sflag:$0x1], $0x80, s16, s13, $0xb8;
	[tilespmem:$0x1A400] =	vst v63  }
.Ltmp0:
0x20: {  	_ = 	snop;
	(pc) =	sbr.rel @p0 .LBB2_2-.Ltmp0, $4  }
0x21: {  	_ = 	snop  }
0x22: {  	s15 =	sadd.s32 $0x200, s15  }
0x23: {  	_ =	swait.ge [sflag:s11], $0x4000  }
0x24: {  	[sflag:s11] =	ssyncset.done $0x0  }
0x25: {  	s14 =	sadd.s32 $0x1, s14  }
0x26: {  	[sflag:s11] =	ssyncadd.s32 $0xFFFFC000;
	p0 =	sne.s32 s14, s9  }
.Ltmp1:
0x27: {  	[bflag:$0x0] =	sbarrier.arrive $0xFFFF;
	(pc) =	sbr.rel @p0 .LBB2_1-.Ltmp1, $4  }
0x28: {  	[hbm:s8], [sflag:s6] =	dma.local [spmem:s10], $0x2780  }
0x29: {  	_ =	swait.ge [sflag:s11], $0x2780  }
0x2a: {  	[sflag:s11] =	ssyncset.done $0x0  }
0x2b: {  	[sflag:s11] =	ssyncadd.s32 $0xFFFFD880  }
0x2c: {  	_ =	sfence.sel $0x180000  }
0x2d: {  	[bflag:$0x0] =	sbarrier.arrive $0xFFFF  }
0x2e: {  	p0 =	sne.s32 s0, $0x0;
	_ =	strace $0x9000004A  }
0x2f: {  	s0 =	sadd.s32 @!p0 $0x100000, s1;
	[bflag:$0x2] =	sbarrier.arrive $0xFFFF  }
0x30: {  	[sflag:s0] =	ssyncadd.tile.s32 @!p0 $0x1;
	_ =	shalt  }
.Lfunc_end2:
_tile_overlayer_lowered:
.L_overlay_start_2:
0x31: {  	(tag) =	ssettag $0x2  }
0x32: {  	s0 =	rddreg [dreg:$0x0];
	s2 =	stileid.u32  }
0x33: {  	s1 =	rddreg [dreg:$0x1];
	p0 =	sne.s32 s2, $0x0  }
0x34: {  	s3 =	rddreg [dreg:$0x2];
	[bflag:$0x3] =	sbarrier.arrive $0xFFFF;
	s2 =	simm.s32 @!p0 $0x1C01  }
0x35: {  	[timem:s3], [sflag:s2] =	dma.local @!p0 [hbm:s0], s1  }
0x36: {  	s0 =	simm.s32 @!p0 $0x1  }
0x37: {  	_ =	swait.ge @!p0 [sflag:s0], s1  }
0x38: {  	s1 =	ssub.s32 @!p0 $0x0, s1;
	[sflag:s0] =	ssyncset.done @!p0 $0x0  }
0x39: {  	[sflag:s0] =	ssyncadd.s32 @!p0 s1  }
0x3a: {  	[bflag:$0x3] =	sbarrier.arrive $0xFFFF  }
0x3b: {  	_ =	shalt  }

</sc_bundles>
